<compile_context>
chip_gen: v7x
topology: tpu7x:2x2x1
jax: 0.10.2.dev20260603
libtpu: 0.0.44.dev20260713+nightly
codegen_flags: <defaults>
</compile_context>

<pallas_src>
import functools

import numpy as np
import jax
import jax.numpy as jnp
from jax import lax
from jax.experimental import pallas as pl
from jax.experimental.pallas import tpu as pltpu
from jax.experimental.pallas import tpu_sc as plsc

B = 16384
H = 50
D = 32
V = 256
P = 1024
S = 3
LEVELS = 3
ETA = 1.0
TINY = np.float32(np.finfo(np.float32).tiny)

NC = 2
NS = 16
NW = NC * NS
B_PER_W = B // NW
IDX_CHUNKS = B_PER_W // 128


def _np_threefry2x32(k1, k2, x0, x1):
    def rotl(x, d):
        return ((x << np.uint32(d)) | (x >> np.uint32(32 - d))).astype(np.uint32)
    ks = [np.uint32(k1), np.uint32(k2),
          np.uint32(np.uint32(k1) ^ np.uint32(k2) ^ np.uint32(0x1BD11BDA))]
    x = [(x0 + ks[0]).astype(np.uint32), (x1 + ks[1]).astype(np.uint32)]
    rot = ((13, 15, 26, 6), (17, 29, 16, 24))
    for i in range(5):
        for r in rot[i % 2]:
            x[0] = (x[0] + x[1]).astype(np.uint32)
            x[1] = rotl(x[1], r)
            x[1] = (x[0] ^ x[1]).astype(np.uint32)
        x[0] = (x[0] + ks[(i + 1) % 3]).astype(np.uint32)
        x[1] = (x[1] + ks[(i + 2) % 3] + np.uint32(i + 1)).astype(np.uint32)
    return x[0], x[1]


def _fold_key(level):
    o0, o1 = _np_threefry2x32(np.uint32(0), np.uint32(42),
                              np.array([0], np.uint32),
                              np.array([level], np.uint32))
    return int(o0[0]), int(o1[0])


_KEYS = tuple(_fold_key(level) for level in range(LEVELS))


def _sc_body(table_hbm, idx_hbm, ctx_hbm, idx_v, rows_v, sem):
    wid = lax.axis_index("s") * NC + lax.axis_index("c")
    base = wid * B_PER_W

    pltpu.sync_copy(idx_hbm.at[wid], idx_v)
    copies = []
    for j in range(IDX_CHUNKS):
        copies.append(pltpu.async_copy(
            table_hbm.at[idx_v.at[j]], rows_v.at[pl.ds(j * 128, 128)], sem))
    for c in copies:
        c.wait()
    pltpu.sync_copy(rows_v, ctx_hbm.at[pl.ds(base, B_PER_W)])


@functools.cache
def _sc_gather_fn():
    return functools.partial(
        pl.kernel,
        mesh=plsc.VectorSubcoreMesh(core_axis_name="c", subcore_axis_name="s"),
        compiler_params=pltpu.CompilerParams(use_tc_tiling_on_sc=False),
        out_type=[
            jax.ShapeDtypeStruct((B, D), jnp.float32),
        ],
        scratch_types=[
            pltpu.VMEM((IDX_CHUNKS, 128), jnp.int32),
            pltpu.VMEM((B_PER_W, D), jnp.float32),
            pltpu.SemaphoreType.DMA,
        ],
    )(_sc_body)


def _rotl(x, d):
    return lax.shift_left(x, jnp.uint32(d)) | lax.shift_right_logical(
        x, jnp.uint32(32 - d))


def _threefry_bits(k1, k2, n_u32):
    ks0 = np.uint32(k1)
    ks1 = np.uint32(k2)
    ks2 = np.uint32(ks0 ^ ks1 ^ np.uint32(0x1BD11BDA))
    ks = (ks0, ks1, ks2)
    x0 = jnp.full_like(n_u32, ks0)
    x1 = n_u32 + ks1
    rot = ((13, 15, 26, 6), (17, 29, 16, 24))
    for i in range(5):
        for r in rot[i % 2]:
            x0 = x0 + x1
            x1 = _rotl(x1, r)
            x1 = x0 ^ x1
        x0 = x0 + ks[(i + 1) % 3]
        x1 = x1 + np.uint32(ks[(i + 2) % 3] + np.uint32(i + 1))
    return x0 ^ x1


def _bits_to_uniform(bits):
    fb = lax.shift_right_logical(bits, jnp.uint32(9)) | jnp.uint32(0x3F800000)
    f = lax.bitcast_convert_type(fb, jnp.float32) - jnp.float32(1.0)
    return jnp.maximum(TINY, f + TINY)


R = 512


def _tc_body(ctx_ref, tok_ref, phi_ref, fcw_ref, fcb_ref, out_ref,
             w_scr, pen0_scr):
    @pl.when(pl.program_id(0) == 0)
    def _():
        phi = phi_ref[...]
        pen0_scr[0] = jnp.sum(phi)
        pv_ids = lax.broadcasted_iota(jnp.int32, (P, V), 1)
        for level in (1, 2):
            eq = tok_ref[:, level - 1:level] == pv_ids
            w_scr[level - 1:level, :] = jnp.sum(
                jnp.where(eq, phi, jnp.float32(0.0)), axis=0, keepdims=True)

    i0 = pl.program_id(0) * R
    ctx = ctx_ref[...]
    logits = jnp.dot(ctx, fcw_ref[...],
                     preferred_element_type=jnp.float32) + fcb_ref[...]
    row_ids = i0 + lax.broadcasted_iota(jnp.int32, (R, V), 0)
    v_ids = lax.broadcasted_iota(jnp.int32, (R, V), 1)
    base_n = (row_ids * V + v_ids).astype(jnp.uint32)
    for level in range(LEVELS):
        if level == 0:
            x = logits - ETA * pen0_scr[0]
        else:
            pen = jnp.sum(logits * w_scr[level - 1:level, :],
                          axis=-1, keepdims=True)
            x = logits - ETA * pen
        k1, k2 = _KEYS[level]
        for s in range(S):
            n = base_n + np.uint32(s * B * V)
            bits = _threefry_bits(k1, k2, n)
            u = _bits_to_uniform(bits)
            g = -jnp.log(-jnp.log(u))
            r = g + x
            m = jnp.max(r, axis=-1, keepdims=True)
            tok = jnp.min(jnp.where(r == m, v_ids, V), axis=-1, keepdims=True)
            c = s * LEVELS + level
            out_ref[:, c:c + 1] = tok


def _tc_sample(ctx, tok12, phi_col, fc_w, fc_b):
    return pl.pallas_call(
        _tc_body,
        grid=(B // R,),
        in_specs=[
            pl.BlockSpec((R, D), lambda i: (i, 0)),
            pl.BlockSpec((P, 2), lambda i: (0, 0)),
            pl.BlockSpec((P, 1), lambda i: (0, 0)),
            pl.BlockSpec((D, V), lambda i: (0, 0)),
            pl.BlockSpec((1, V), lambda i: (0, 0)),
        ],
        out_specs=pl.BlockSpec((R, 128), lambda i: (i, 0)),
        out_shape=jax.ShapeDtypeStruct((B, 128), jnp.int32),
        scratch_shapes=[
            pltpu.VMEM((2, V), jnp.float32),
            pltpu.SMEM((1,), jnp.float32),
        ],
    )(ctx, tok12, phi_col, fc_w, fc_b)


def kernel(history_items, pool_tokens, pool_phis, embed_table, fc_w, fc_b):
    last_idx = history_items[:, -1].reshape(NW, IDX_CHUNKS, 128)
    (ctx,) = _sc_gather_fn()(embed_table, last_idx)
    out = _tc_sample(ctx, pool_tokens[:, 1:3], pool_phis.reshape(P, 1),
                     fc_w, fc_b.reshape(1, V))
    return out[:, :S * LEVELS].reshape(B, S, LEVELS)

# --- scband reference (transcript-rebuilt; emitter-appended) ---
"""Pipeline reference for scband-mini-actor-81716047774312 (READ-ONLY COPY).

The authoritative reference and input builder live on the scoring server;
editing this copy changes nothing except your own understanding.
"""

import jax, jax.numpy as jnp
import numpy as np

N_ITEMS = 1000000
EMBED_DIM = 32
VOCAB = 256
N_LEVELS = 3
SLATE = 3
ETA = 1.0
B = 16384
H = 50
P = 1024


def setup_inputs(seed: int = 0) -> dict:
    key = jax.random.key(seed)
    k1, k2, k3, k4, k5, k6 = jax.random.split(key, 6)
    history_items = jax.random.randint(k1, (B, H), 0, N_ITEMS, dtype=jnp.int32)
    pool_tokens = jax.random.randint(k2, (P, N_LEVELS), 0, VOCAB, dtype=jnp.int32)
    pool_phis = jax.random.uniform(k3, (P,), dtype=jnp.float32)
    embed_table = jax.random.normal(k4, (N_ITEMS, EMBED_DIM), dtype=jnp.float32) * 0.02
    fc_w = jax.random.normal(k5, (EMBED_DIM, VOCAB), dtype=jnp.float32) * (1.0 / np.sqrt(EMBED_DIM))
    fc_b = jax.random.normal(k6, (VOCAB,), dtype=jnp.float32) * 0.01
    return {
        "history_items": history_items,
        "pool_tokens": pool_tokens,
        "pool_phis": pool_phis,
        "embed_table": embed_table,
        "fc_w": fc_w,
        "fc_b": fc_b,
    }


def reference(history_items, pool_tokens, pool_phis, embed_table, fc_w, fc_b):
    # history embedding lookup (memory-bound gather from 1M x 32 table)
    hist_embs = jnp.take(embed_table, history_items, axis=0)  # (B, H, D)
    context = hist_embs[:, -1, :]  # (B, D)
    base_logits = context @ fc_w + fc_b  # (B, V)
    b = context.shape[0]
    p = pool_tokens.shape[0]
    pool_onehot = jax.nn.one_hot(pool_tokens, VOCAB, dtype=jnp.float32)  # (P, L, V)
    skey = jax.random.key(42)
    sid_tokens = []
    for level in range(N_LEVELS):
        logits = base_logits
        # RAPI regret penalty
        if level == 0:
            similarity = jnp.ones((b, p), dtype=jnp.float32)
        else:
            B_curr = pool_onehot[:, level, :]  # (P, V)
            similarity = logits @ B_curr.T  # (B, P)
        penalty = (similarity * pool_phis[None, :]).sum(axis=-1, keepdims=True)  # (B, 1)
        logits = logits - ETA * penalty
        # softmax + multinomial with replacement == categorical sampled SLATE times
        k = jax.random.fold_in(skey, level)
        tokens = jax.random.categorical(k, logits, axis=-1, shape=(SLATE, b)).T  # (B, SLATE)
        sid_tokens.append(tokens)
    return jnp.stack(sid_tokens, axis=-1)  # (B, SLATE, N_LEVELS)

if __name__ == "__main__":
    import jax
    _d = setup_inputs()
    print(jax.jit(kernel)(*tuple(_d.values())))

</pallas_src>

<mosaic_0001>
#map = affine_map<(d0, d1) -> (0, 0)>
#map1 = affine_map<(d0, d1) -> (0, 0, 0)>
module attributes {stable_mosaic.version = 14 : i64} {
  func.func @_sc_body(%arg0: i32, %arg1: i32, %arg2: memref<1000000x32xf32, #tpu.memory_space<hbm>>, %arg3: memref<32x4x128xi32, #tpu.memory_space<hbm>>, %arg4: memref<16384x32xf32, #tpu.memory_space<hbm>>, %arg5: memref<4x128xi32, #tpu.memory_space<vmem>>, %arg6: memref<512x32xf32, #tpu.memory_space<vmem>>, %arg7: memref<!tpu.dma_semaphore, #tpu.memory_space<semaphore_mem>>) attributes {dimension_semantics = [#tpu.dimension_semantics<core_parallel>, #tpu.dimension_semantics<subcore_parallel>], iteration_bounds = array<i64: 2, 16>, scalar_prefetch = 0 : i64, scratch_operands = 3 : i64, tpu.core_type = #tpu.core_type<sc_vector_subcore>, window_params = [{transform_indices = #map}, {transform_indices = #map1}, {transform_indices = #map}]} {
    %mul3A = arith.constant 2 : i32
    %mul3A_0 = arith.muli %arg1, %mul3A : i32
    %add3A = arith.addi %mul3A_0, %arg0 : i32
    %mul3A_1 = arith.constant 512 : i32
    %mul3A_2 = arith.muli %add3A, %mul3A_1 : i32
    "tpu.region"() ({
      %run_scoped3A = tpu.sem_alloc : memref<!tpu.dma_semaphore, #tpu.memory_space<semaphore_mem>>
      %dma_start3A_81 = arith.constant 0 : i32
      %dma_start3A_82 = arith.constant 0 : i32
      %dma_start3A_83 = tpu.memref_slice %arg3[%add3A, %dma_start3A_81, %dma_start3A_82] : memref<32x4x128xi32, #tpu.memory_space<hbm>> -> memref<1x4x128xi32, #tpu.memory_space<hbm>>
      %dma_start3A_84 = tpu.memref_squeeze %dma_start3A_83 : memref<1x4x128xi32, #tpu.memory_space<hbm>> -> memref<4x128xi32, #tpu.memory_space<hbm>>
      %dma_start3A_85 = arith.constant 0 : i32
      %dma_start3A_86 = arith.constant 0 : i32
      %dma_start3A_87 = tpu.memref_slice %arg3[%add3A, %dma_start3A_85, %dma_start3A_86] : memref<32x4x128xi32, #tpu.memory_space<hbm>> -> memref<1x4x128xi32, #tpu.memory_space<hbm>>
      %dma_start3A_88 = tpu.memref_squeeze %dma_start3A_87 : memref<1x4x128xi32, #tpu.memory_space<hbm>> -> memref<4x128xi32, #tpu.memory_space<hbm>>
      tpu.enqueue_dma source(%dma_start3A_88 : memref<4x128xi32, #tpu.memory_space<hbm>>) target(%arg5 : memref<4x128xi32, #tpu.memory_space<vmem>>) target_semaphore(%run_scoped3A : memref<!tpu.dma_semaphore, #tpu.memory_space<semaphore_mem>>)
      %dma_wait3A_89 = arith.constant 0 : i32
      %dma_wait3A_90 = arith.constant 0 : i32
      %dma_wait3A_91 = tpu.memref_slice %arg3[%add3A, %dma_wait3A_89, %dma_wait3A_90] : memref<32x4x128xi32, #tpu.memory_space<hbm>> -> memref<1x4x128xi32, #tpu.memory_space<hbm>>
      %dma_wait3A_92 = tpu.memref_squeeze %dma_wait3A_91 : memref<1x4x128xi32, #tpu.memory_space<hbm>> -> memref<4x128xi32, #tpu.memory_space<hbm>>
      %dma_wait3A_93 = arith.constant 0 : i32
      %dma_wait3A_94 = arith.constant 0 : i32
      %dma_wait3A_95 = tpu.memref_slice %arg3[%add3A, %dma_wait3A_93, %dma_wait3A_94] : memref<32x4x128xi32, #tpu.memory_space<hbm>> -> memref<1x4x128xi32, #tpu.memory_space<hbm>>
      %dma_wait3A_96 = tpu.memref_squeeze %dma_wait3A_95 : memref<1x4x128xi32, #tpu.memory_space<hbm>> -> memref<4x128xi32, #tpu.memory_space<hbm>>
      tpu.wait_dma2 semaphore(%run_scoped3A : memref<!tpu.dma_semaphore, #tpu.memory_space<semaphore_mem>>) src(%dma_wait3A_96 : memref<4x128xi32, #tpu.memory_space<hbm>>) dst(%arg5 : memref<4x128xi32, #tpu.memory_space<vmem>>)
      tpu.yield
    }) : () -> ()
    %dma_start3A = arith.constant 0 : i32
    %dma_start3A_3 = arith.constant 0 : i32
    %dma_start3A_4 = arith.constant 0 : i32
    %dma_start3A_5 = tpu.memref_slice %arg6[%dma_start3A_3, %dma_start3A_4] : memref<512x32xf32, #tpu.memory_space<vmem>> -> memref<128x32xf32, #tpu.memory_space<vmem>>
    %dma_start3A_6 = arith.constant 0 : i32
    %dma_start3A_7 = tpu.memref_slice %arg5[%dma_start3A, %dma_start3A_6] : memref<4x128xi32, #tpu.memory_space<vmem>> -> memref<1x128xi32, #tpu.memory_space<vmem>>
    %dma_start3A_8 = tpu.memref_squeeze %dma_start3A_7 : memref<1x128xi32, #tpu.memory_space<vmem>> -> memref<128xi32, #tpu.memory_space<vmem>>
    %dma_start3A_9 = arith.constant 0 : i32
    %dma_start3A_10 = arith.constant 0 : i32
    %dma_start3A_11 = tpu.memref_slice %arg2[%dma_start3A_9, %dma_start3A_10] : memref<1000000x32xf32, #tpu.memory_space<hbm>> -> memref<1000000x32xf32, #tpu.memory_space<hbm>>
    tpu.enqueue_indirect_dma source(%dma_start3A_11 : memref<1000000x32xf32, #tpu.memory_space<hbm>>) target(%dma_start3A_5 : memref<128x32xf32, #tpu.memory_space<vmem>>) offsets(%dma_start3A_8 : memref<128xi32, #tpu.memory_space<vmem>>) semaphore(%arg7 : memref<!tpu.dma_semaphore, #tpu.memory_space<semaphore_mem>>)
    %dma_start3A_12 = arith.constant 1 : i32
    %dma_start3A_13 = arith.constant 128 : i32
    %dma_start3A_14 = arith.constant 0 : i32
    %dma_start3A_15 = tpu.memref_slice %arg6[%dma_start3A_13, %dma_start3A_14] : memref<512x32xf32, #tpu.memory_space<vmem>> -> memref<128x32xf32, #tpu.memory_space<vmem>>
    %dma_start3A_16 = arith.constant 0 : i32
    %dma_start3A_17 = tpu.memref_slice %arg5[%dma_start3A_12, %dma_start3A_16] : memref<4x128xi32, #tpu.memory_space<vmem>> -> memref<1x128xi32, #tpu.memory_space<vmem>>
    %dma_start3A_18 = tpu.memref_squeeze %dma_start3A_17 : memref<1x128xi32, #tpu.memory_space<vmem>> -> memref<128xi32, #tpu.memory_space<vmem>>
    %dma_start3A_19 = arith.constant 0 : i32
    %dma_start3A_20 = arith.constant 0 : i32
    %dma_start3A_21 = tpu.memref_slice %arg2[%dma_start3A_19, %dma_start3A_20] : memref<1000000x32xf32, #tpu.memory_space<hbm>> -> memref<1000000x32xf32, #tpu.memory_space<hbm>>
    tpu.enqueue_indirect_dma source(%dma_start3A_21 : memref<1000000x32xf32, #tpu.memory_space<hbm>>) target(%dma_start3A_15 : memref<128x32xf32, #tpu.memory_space<vmem>>) offsets(%dma_start3A_18 : memref<128xi32, #tpu.memory_space<vmem>>) semaphore(%arg7 : memref<!tpu.dma_semaphore, #tpu.memory_space<semaphore_mem>>)
    %dma_start3A_22 = arith.constant 2 : i32
    %dma_start3A_23 = arith.constant 256 : i32
    %dma_start3A_24 = arith.constant 0 : i32
    %dma_start3A_25 = tpu.memref_slice %arg6[%dma_start3A_23, %dma_start3A_24] : memref<512x32xf32, #tpu.memory_space<vmem>> -> memref<128x32xf32, #tpu.memory_space<vmem>>
    %dma_start3A_26 = arith.constant 0 : i32
    %dma_start3A_27 = tpu.memref_slice %arg5[%dma_start3A_22, %dma_start3A_26] : memref<4x128xi32, #tpu.memory_space<vmem>> -> memref<1x128xi32, #tpu.memory_space<vmem>>
    %dma_start3A_28 = tpu.memref_squeeze %dma_start3A_27 : memref<1x128xi32, #tpu.memory_space<vmem>> -> memref<128xi32, #tpu.memory_space<vmem>>
    %dma_start3A_29 = arith.constant 0 : i32
    %dma_start3A_30 = arith.constant 0 : i32
    %dma_start3A_31 = tpu.memref_slice %arg2[%dma_start3A_29, %dma_start3A_30] : memref<1000000x32xf32, #tpu.memory_space<hbm>> -> memref<1000000x32xf32, #tpu.memory_space<hbm>>
    tpu.enqueue_indirect_dma source(%dma_start3A_31 : memref<1000000x32xf32, #tpu.memory_space<hbm>>) target(%dma_start3A_25 : memref<128x32xf32, #tpu.memory_space<vmem>>) offsets(%dma_start3A_28 : memref<128xi32, #tpu.memory_space<vmem>>) semaphore(%arg7 : memref<!tpu.dma_semaphore, #tpu.memory_space<semaphore_mem>>)
    %dma_start3A_32 = arith.constant 3 : i32
    %dma_start3A_33 = arith.constant 384 : i32
    %dma_start3A_34 = arith.constant 0 : i32
    %dma_start3A_35 = tpu.memref_slice %arg6[%dma_start3A_33, %dma_start3A_34] : memref<512x32xf32, #tpu.memory_space<vmem>> -> memref<128x32xf32, #tpu.memory_space<vmem>>
    %dma_start3A_36 = arith.constant 0 : i32
    %dma_start3A_37 = tpu.memref_slice %arg5[%dma_start3A_32, %dma_start3A_36] : memref<4x128xi32, #tpu.memory_space<vmem>> -> memref<1x128xi32, #tpu.memory_space<vmem>>
    %dma_start3A_38 = tpu.memref_squeeze %dma_start3A_37 : memref<1x128xi32, #tpu.memory_space<vmem>> -> memref<128xi32, #tpu.memory_space<vmem>>
    %dma_start3A_39 = arith.constant 0 : i32
    %dma_start3A_40 = arith.constant 0 : i32
    %dma_start3A_41 = tpu.memref_slice %arg2[%dma_start3A_39, %dma_start3A_40] : memref<1000000x32xf32, #tpu.memory_space<hbm>> -> memref<1000000x32xf32, #tpu.memory_space<hbm>>
    tpu.enqueue_indirect_dma source(%dma_start3A_41 : memref<1000000x32xf32, #tpu.memory_space<hbm>>) target(%dma_start3A_35 : memref<128x32xf32, #tpu.memory_space<vmem>>) offsets(%dma_start3A_38 : memref<128xi32, #tpu.memory_space<vmem>>) semaphore(%arg7 : memref<!tpu.dma_semaphore, #tpu.memory_space<semaphore_mem>>)
    %dma_wait3A = arith.constant 0 : i32
    %dma_wait3A_42 = arith.constant 0 : i32
    %dma_wait3A_43 = arith.constant 0 : i32
    %dma_wait3A_44 = tpu.memref_slice %arg6[%dma_wait3A_42, %dma_wait3A_43] : memref<512x32xf32, #tpu.memory_space<vmem>> -> memref<128x32xf32, #tpu.memory_space<vmem>>
    %dma_wait3A_45 = arith.constant 0 : i32
    %dma_wait3A_46 = tpu.memref_slice %arg5[%dma_wait3A, %dma_wait3A_45] : memref<4x128xi32, #tpu.memory_space<vmem>> -> memref<1x128xi32, #tpu.memory_space<vmem>>
    %dma_wait3A_47 = tpu.memref_squeeze %dma_wait3A_46 : memref<1x128xi32, #tpu.memory_space<vmem>> -> memref<128xi32, #tpu.memory_space<vmem>>
    %dma_wait3A_48 = arith.constant 0 : i32
    %dma_wait3A_49 = arith.constant 0 : i32
    %dma_wait3A_50 = tpu.memref_slice %arg2[%dma_wait3A_48, %dma_wait3A_49] : memref<1000000x32xf32, #tpu.memory_space<hbm>> -> memref<1000000x32xf32, #tpu.memory_space<hbm>>
    tpu.wait_indirect_dma semaphore(%arg7 : memref<!tpu.dma_semaphore, #tpu.memory_space<semaphore_mem>>) src(%dma_wait3A_50 : memref<1000000x32xf32, #tpu.memory_space<hbm>>) dst(%dma_wait3A_44 : memref<128x32xf32, #tpu.memory_space<vmem>>)
    %dma_wait3A_51 = arith.constant 1 : i32
    %dma_wait3A_52 = arith.constant 128 : i32
    %dma_wait3A_53 = arith.constant 0 : i32
    %dma_wait3A_54 = tpu.memref_slice %arg6[%dma_wait3A_52, %dma_wait3A_53] : memref<512x32xf32, #tpu.memory_space<vmem>> -> memref<128x32xf32, #tpu.memory_space<vmem>>
    %dma_wait3A_55 = arith.constant 0 : i32
    %dma_wait3A_56 = tpu.memref_slice %arg5[%dma_wait3A_51, %dma_wait3A_55] : memref<4x128xi32, #tpu.memory_space<vmem>> -> memref<1x128xi32, #tpu.memory_space<vmem>>
    %dma_wait3A_57 = tpu.memref_squeeze %dma_wait3A_56 : memref<1x128xi32, #tpu.memory_space<vmem>> -> memref<128xi32, #tpu.memory_space<vmem>>
    %dma_wait3A_58 = arith.constant 0 : i32
    %dma_wait3A_59 = arith.constant 0 : i32
    %dma_wait3A_60 = tpu.memref_slice %arg2[%dma_wait3A_58, %dma_wait3A_59] : memref<1000000x32xf32, #tpu.memory_space<hbm>> -> memref<1000000x32xf32, #tpu.memory_space<hbm>>
    tpu.wait_indirect_dma semaphore(%arg7 : memref<!tpu.dma_semaphore, #tpu.memory_space<semaphore_mem>>) src(%dma_wait3A_60 : memref<1000000x32xf32, #tpu.memory_space<hbm>>) dst(%dma_wait3A_54 : memref<128x32xf32, #tpu.memory_space<vmem>>)
    %dma_wait3A_61 = arith.constant 2 : i32
    %dma_wait3A_62 = arith.constant 256 : i32
    %dma_wait3A_63 = arith.constant 0 : i32
    %dma_wait3A_64 = tpu.memref_slice %arg6[%dma_wait3A_62, %dma_wait3A_63] : memref<512x32xf32, #tpu.memory_space<vmem>> -> memref<128x32xf32, #tpu.memory_space<vmem>>
    %dma_wait3A_65 = arith.constant 0 : i32
    %dma_wait3A_66 = tpu.memref_slice %arg5[%dma_wait3A_61, %dma_wait3A_65] : memref<4x128xi32, #tpu.memory_space<vmem>> -> memref<1x128xi32, #tpu.memory_space<vmem>>
    %dma_wait3A_67 = tpu.memref_squeeze %dma_wait3A_66 : memref<1x128xi32, #tpu.memory_space<vmem>> -> memref<128xi32, #tpu.memory_space<vmem>>
    %dma_wait3A_68 = arith.constant 0 : i32
    %dma_wait3A_69 = arith.constant 0 : i32
    %dma_wait3A_70 = tpu.memref_slice %arg2[%dma_wait3A_68, %dma_wait3A_69] : memref<1000000x32xf32, #tpu.memory_space<hbm>> -> memref<1000000x32xf32, #tpu.memory_space<hbm>>
    tpu.wait_indirect_dma semaphore(%arg7 : memref<!tpu.dma_semaphore, #tpu.memory_space<semaphore_mem>>) src(%dma_wait3A_70 : memref<1000000x32xf32, #tpu.memory_space<hbm>>) dst(%dma_wait3A_64 : memref<128x32xf32, #tpu.memory_space<vmem>>)
    %dma_wait3A_71 = arith.constant 3 : i32
    %dma_wait3A_72 = arith.constant 384 : i32
    %dma_wait3A_73 = arith.constant 0 : i32
    %dma_wait3A_74 = tpu.memref_slice %arg6[%dma_wait3A_72, %dma_wait3A_73] : memref<512x32xf32, #tpu.memory_space<vmem>> -> memref<128x32xf32, #tpu.memory_space<vmem>>
    %dma_wait3A_75 = arith.constant 0 : i32
    %dma_wait3A_76 = tpu.memref_slice %arg5[%dma_wait3A_71, %dma_wait3A_75] : memref<4x128xi32, #tpu.memory_space<vmem>> -> memref<1x128xi32, #tpu.memory_space<vmem>>
    %dma_wait3A_77 = tpu.memref_squeeze %dma_wait3A_76 : memref<1x128xi32, #tpu.memory_space<vmem>> -> memref<128xi32, #tpu.memory_space<vmem>>
    %dma_wait3A_78 = arith.constant 0 : i32
    %dma_wait3A_79 = arith.constant 0 : i32
    %dma_wait3A_80 = tpu.memref_slice %arg2[%dma_wait3A_78, %dma_wait3A_79] : memref<1000000x32xf32, #tpu.memory_space<hbm>> -> memref<1000000x32xf32, #tpu.memory_space<hbm>>
    tpu.wait_indirect_dma semaphore(%arg7 : memref<!tpu.dma_semaphore, #tpu.memory_space<semaphore_mem>>) src(%dma_wait3A_80 : memref<1000000x32xf32, #tpu.memory_space<hbm>>) dst(%dma_wait3A_74 : memref<128x32xf32, #tpu.memory_space<vmem>>)
    "tpu.region"() ({
      %run_scoped3A = tpu.sem_alloc : memref<!tpu.dma_semaphore, #tpu.memory_space<semaphore_mem>>
      %dma_start3A_81 = arith.constant 0 : i32
      %dma_start3A_82 = tpu.memref_slice %arg4[%mul3A_2, %dma_start3A_81] : memref<16384x32xf32, #tpu.memory_space<hbm>> -> memref<512x32xf32, #tpu.memory_space<hbm>>
      %dma_start3A_83 = arith.constant 0 : i32
      %dma_start3A_84 = tpu.memref_slice %arg4[%mul3A_2, %dma_start3A_83] : memref<16384x32xf32, #tpu.memory_space<hbm>> -> memref<512x32xf32, #tpu.memory_space<hbm>>
      tpu.enqueue_dma source(%arg6 : memref<512x32xf32, #tpu.memory_space<vmem>>) target(%dma_start3A_84 : memref<512x32xf32, #tpu.memory_space<hbm>>) target_semaphore(%run_scoped3A : memref<!tpu.dma_semaphore, #tpu.memory_space<semaphore_mem>>)
      %dma_wait3A_85 = arith.constant 0 : i32
      %dma_wait3A_86 = tpu.memref_slice %arg4[%mul3A_2, %dma_wait3A_85] : memref<16384x32xf32, #tpu.memory_space<hbm>> -> memref<512x32xf32, #tpu.memory_space<hbm>>
      %dma_wait3A_87 = arith.constant 0 : i32
      %dma_wait3A_88 = tpu.memref_slice %arg4[%mul3A_2, %dma_wait3A_87] : memref<16384x32xf32, #tpu.memory_space<hbm>> -> memref<512x32xf32, #tpu.memory_space<hbm>>
      tpu.wait_dma2 semaphore(%run_scoped3A : memref<!tpu.dma_semaphore, #tpu.memory_space<semaphore_mem>>) src(%arg6 : memref<512x32xf32, #tpu.memory_space<vmem>>) dst(%dma_wait3A_88 : memref<512x32xf32, #tpu.memory_space<hbm>>)
      tpu.yield
    }) : () -> ()
    return
  }
}

module attributes {stable_mosaic.version = 14 : i64} {
  func.func @_tc_body(%arg0: i32, %arg1: memref<512x32xf32, #tpu.memory_space<vmem>>, %arg2: memref<1024x2xi32, #tpu.memory_space<vmem>>, %arg3: memref<1024x1xf32, #tpu.memory_space<vmem>>, %arg4: memref<32x256xf32, #tpu.memory_space<vmem>>, %arg5: memref<1x256xf32, #tpu.memory_space<vmem>>, %arg6: memref<512x128xi32, #tpu.memory_space<vmem>>, %arg7: memref<2x256xf32, #tpu.memory_space<vmem>>, %arg8: memref<1xf32, #tpu.memory_space<smem>>) attributes {dimension_semantics = [#tpu.dimension_semantics<arbitrary>], iteration_bounds = array<i64: 32>, scalar_prefetch = 0 : i64, scratch_operands = 2 : i64, tpu.core_type = #tpu.core_type<tc>, window_params = [{transform_indices = @transform_0, window_bounds = array<i64: 512, 32>}, {pipeline_mode = #tpu.pipeline_mode<synchronous>, transform_indices = @transform_1, window_bounds = array<i64: 1024, 2>}, {pipeline_mode = #tpu.pipeline_mode<synchronous>, transform_indices = @transform_2, window_bounds = array<i64: 1024, 1>}, {pipeline_mode = #tpu.pipeline_mode<synchronous>, transform_indices = @transform_3, window_bounds = array<i64: 32, 256>}, {pipeline_mode = #tpu.pipeline_mode<synchronous>, transform_indices = @transform_4, window_bounds = array<i64: 1, 256>}, {transform_indices = @transform_5, window_bounds = array<i64: 512, 128>}]} {
    %eq3A = arith.constant 0 : i32
    %eq3A_0 = arith.cmpi eq, %arg0, %eq3A : i32
    %convert_element_type3A = arith.extui %eq3A_0 : i1 to i32
    %cond3A = arith.constant 0 : i32
    %cond3A_1 = arith.cmpi ne, %convert_element_type3A, %cond3A : i32
    scf.if %cond3A_1 {
      %get3A_2358 = arith.constant 0 : index
      %get3A_2359 = arith.constant 0 : index
      %get3A_2360 = vector.load %arg3[%get3A_2358, %get3A_2359] : memref<1024x1xf32, #tpu.memory_space<vmem>>, vector<1024x1xf32>
      %reduce_sum3A_2361 = vector.shape_cast %get3A_2360 : vector<1024x1xf32> to vector<1x1024x1xf32>
      %reduce_sum3A_2362 = arith.constant dense<0.000000e+00> : vector<1xf32>
      %reduce_sum3A_2363 = vector.multi_reduction <add>, %reduce_sum3A_2361, %reduce_sum3A_2362 [1, 2] : vector<1x1024x1xf32> to vector<1xf32>
      %reduce_sum3A_2364 = vector.shape_cast %reduce_sum3A_2363 : vector<1xf32> to vector<1x1x1xf32>
      %reduce_sum3A_2365 = vector.extract %reduce_sum3A_2364[0, 0, 0] : f32 from vector<1x1x1xf32>
      %swap3A_2366 = arith.constant 0 : index
      %swap3A_2367 = memref.load %arg8[%swap3A_2366] : memref<1xf32, #tpu.memory_space<smem>>
      memref.store %reduce_sum3A_2365, %arg8[%swap3A_2366] : memref<1xf32, #tpu.memory_space<smem>>
      %iota3A_2368 = tpu.iota {dimensions = array<i32: 1>} : vector<1024x256xi32>
      %get3A_2369 = arith.constant 0 : index
      %get3A_2370 = arith.constant 0 : index
      %get3A_2371 = vector.load %arg2[%get3A_2369, %get3A_2370] : memref<1024x2xi32, #tpu.memory_space<vmem>>, vector<1024x1xi32>
      %eq3A_2372 = vector.broadcast %get3A_2371 : vector<1024x1xi32> to vector<1024x256xi32>
      %eq3A_2373 = arith.cmpi eq, %eq3A_2372, %iota3A_2368 : vector<1024x256xi32>
      %jit3A_2374 = arith.constant 0.000000e+00 : f32
      %broadcast_in_dim3A_2375 = vector.shape_cast %get3A_2360 : vector<1024x1xf32> to vector<1024x1xf32>
      %broadcast_in_dim3A_2376 = vector.broadcast %broadcast_in_dim3A_2375 : vector<1024x1xf32> to vector<1024x256xf32>
      %broadcast_in_dim3A_2377 = vector.broadcast %jit3A_2374 : f32 to vector<1024x256xf32>
      %select_n3A_2378 = arith.select %eq3A_2373, %broadcast_in_dim3A_2376, %broadcast_in_dim3A_2377 : vector<1024x256xi1>, vector<1024x256xf32>
      %reduce_sum3A_2379 = arith.constant dense<0.000000e+00> : vector<256xf32>
      %reduce_sum3A_2380 = vector.multi_reduction <add>, %select_n3A_2378, %reduce_sum3A_2379 [0] : vector<1024x256xf32> to vector<256xf32>
      %broadcast_in_dim3A_2381 = vector.shape_cast %reduce_sum3A_2380 : vector<256xf32> to vector<1x256xf32>
      %swap3A_2382 = arith.constant 0 : index
      %swap3A_2383 = arith.constant 0 : index
      %swap3A_2384 = vector.load %arg7[%swap3A_2382, %swap3A_2383] : memref<2x256xf32, #tpu.memory_space<vmem>>, vector<1x256xf32>
      tpu.vector_store %arg7[%swap3A_2382, %swap3A_2383], %broadcast_in_dim3A_2381 {strides = array<i32>} : memref<2x256xf32, #tpu.memory_space<vmem>>, vector<1x256xf32>,
      %get3A_2385 = arith.constant 0 : index
      %get3A_2386 = arith.constant 1 : index
      %get3A_2387 = vector.load %arg2[%get3A_2385, %get3A_2386] : memref<1024x2xi32, #tpu.memory_space<vmem>>, vector<1024x1xi32>
      %eq3A_2388 = vector.broadcast %get3A_2387 : vector<1024x1xi32> to vector<1024x256xi32>
      %eq3A_2389 = arith.cmpi eq, %eq3A_2388, %iota3A_2368 : vector<1024x256xi32>
      %jit3A_2390 = arith.constant 0.000000e+00 : f32
      %broadcast_in_dim3A_2391 = vector.shape_cast %get3A_2360 : vector<1024x1xf32> to vector<1024x1xf32>
      %broadcast_in_dim3A_2392 = vector.broadcast %broadcast_in_dim3A_2391 : vector<1024x1xf32> to vector<1024x256xf32>
      %broadcast_in_dim3A_2393 = vector.broadcast %jit3A_2390 : f32 to vector<1024x256xf32>
      %select_n3A_2394 = arith.select %eq3A_2389, %broadcast_in_dim3A_2392, %broadcast_in_dim3A_2393 : vector<1024x256xi1>, vector<1024x256xf32>
      %reduce_sum3A_2395 = arith.constant dense<0.000000e+00> : vector<256xf32>
      %reduce_sum3A_2396 = vector.multi_reduction <add>, %select_n3A_2394, %reduce_sum3A_2395 [0] : vector<1024x256xf32> to vector<256xf32>
      %broadcast_in_dim3A_2397 = vector.shape_cast %reduce_sum3A_2396 : vector<256xf32> to vector<1x256xf32>
      %swap3A_2398 = arith.constant 1 : index
      %swap3A_2399 = arith.constant 0 : index
      %swap3A_2400 = vector.load %arg7[%swap3A_2398, %swap3A_2399] : memref<2x256xf32, #tpu.memory_space<vmem>>, vector<1x256xf32>
      tpu.vector_store %arg7[%swap3A_2398, %swap3A_2399], %broadcast_in_dim3A_2397 {strides = array<i32>} : memref<2x256xf32, #tpu.memory_space<vmem>>, vector<1x256xf32>,
    } else {
    }
    %mul3A = arith.constant 512 : i32
    %mul3A_2 = arith.muli %arg0, %mul3A : i32
    %get3A = arith.constant 0 : index
    %get3A_3 = arith.constant 0 : index
    %get3A_4 = vector.load %arg1[%get3A, %get3A_3] : memref<512x32xf32, #tpu.memory_space<vmem>>, vector<512x32xf32>
    %get3A_5 = arith.constant 0 : index
    %get3A_6 = arith.constant 0 : index
    %get3A_7 = vector.load %arg4[%get3A_5, %get3A_6] : memref<32x256xf32, #tpu.memory_space<vmem>>, vector<32x256xf32>
    %dot_general3A = arith.constant dense<0.000000e+00> : vector<512x256xf32>
    %dot_general3A_8 = tpu.matmul %get3A_4, %get3A_7, %dot_general3A {dimension_numbers = #tpu.dot_dimension_numbers<[1], [0], [0], [1], [0, 0, 1, 1], [], []>, transpose_lhs_hint = false} : vector<512x32xf32>, vector<32x256xf32>, vector<512x256xf32> -> vector<512x256xf32>
    %get3A_9 = arith.constant 0 : index
    %get3A_10 = arith.constant 0 : index
    %get3A_11 = vector.load %arg5[%get3A_9, %get3A_10] : memref<1x256xf32, #tpu.memory_space<vmem>>, vector<1x256xf32>
    %add3A = vector.broadcast %get3A_11 : vector<1x256xf32> to vector<512x256xf32>
    %add3A_12 = arith.addf %dot_general3A_8, %add3A : vector<512x256xf32>
    %iota3A = tpu.iota {dimensions = array<i32: 0>} : vector<512x256xi32>
    %add3A_13 = vector.broadcast %mul3A_2 : i32 to vector<512x256xi32>
    %add3A_14 = arith.addi %add3A_13, %iota3A : vector<512x256xi32>
    %iota3A_15 = tpu.iota {dimensions = array<i32: 1>} : vector<512x256xi32>
    %mul3A_16 = arith.constant 256 : i32
    %mul3A_17 = vector.broadcast %mul3A_16 : i32 to vector<512x256xi32>
    %mul3A_18 = arith.muli %add3A_14, %mul3A_17 : vector<512x256xi32>
    %add3A_19 = arith.addi %mul3A_18, %iota3A_15 : vector<512x256xi32>
    %get3A_20 = arith.constant 0 : index
    %get3A_21 = memref.load %arg8[%get3A_20] : memref<1xf32, #tpu.memory_space<smem>>
    %mul3A_22 = arith.constant 1.000000e+00 : f32
    %mul3A_23 = arith.mulf %mul3A_22, %get3A_21 : f32
    %sub3A = vector.broadcast %mul3A_23 : f32 to vector<512x256xf32>
    %sub3A_24 = arith.subf %add3A_12, %sub3A : vector<512x256xf32>
    %add3A_25 = arith.constant 0 : i32
    %add3A_26 = vector.broadcast %add3A_25 : i32 to vector<512x256xi32>
    %add3A_27 = arith.addi %add3A_19, %add3A_26 : vector<512x256xi32>
    %broadcast_in_dim3A = arith.constant 1832780943 : i32
    %broadcast_in_dim3A_28 = vector.broadcast %broadcast_in_dim3A : i32 to vector<512x256xi32>
    %add3A_29 = arith.constant 270669613 : i32
    %add3A_30 = vector.broadcast %add3A_29 : i32 to vector<512x256xi32>
    %add3A_31 = arith.addi %add3A_27, %add3A_30 : vector<512x256xi32>
    %add3A_32 = arith.addi %broadcast_in_dim3A_28, %add3A_31 : vector<512x256xi32>
    %shift_left3A = arith.constant 13 : i32
    %shift_left3A_33 = vector.broadcast %shift_left3A : i32 to vector<512x256xi32>
    %shift_left3A_34 = arith.shli %add3A_31, %shift_left3A_33 : vector<512x256xi32>
    %shift_right_logical3A = arith.constant 19 : i32
    %shift_right_logical3A_35 = vector.broadcast %shift_right_logical3A : i32 to vector<512x256xi32>
    %shift_right_logical3A_36 = arith.shrui %add3A_31, %shift_right_logical3A_35 : vector<512x256xi32>
    %or3A = arith.ori %shift_left3A_34, %shift_right_logical3A_36 : vector<512x256xi32>
    %xor3A = arith.xori %add3A_32, %or3A : vector<512x256xi32>
    %add3A_37 = arith.addi %add3A_32, %xor3A : vector<512x256xi32>
    %shift_left3A_38 = arith.constant 15 : i32
    %shift_left3A_39 = vector.broadcast %shift_left3A_38 : i32 to vector<512x256xi32>
    %shift_left3A_40 = arith.shli %xor3A, %shift_left3A_39 : vector<512x256xi32>
    %shift_right_logical3A_41 = arith.constant 17 : i32
    %shift_right_logical3A_42 = vector.broadcast %shift_right_logical3A_41 : i32 to vector<512x256xi32>
    %shift_right_logical3A_43 = arith.shrui %xor3A, %shift_right_logical3A_42 : vector<512x256xi32>
    %or3A_44 = arith.ori %shift_left3A_40, %shift_right_logical3A_43 : vector<512x256xi32>
    %xor3A_45 = arith.xori %add3A_37, %or3A_44 : vector<512x256xi32>
    %add3A_46 = arith.addi %add3A_37, %xor3A_45 : vector<512x256xi32>
    %shift_left3A_47 = arith.constant 26 : i32
    %shift_left3A_48 = vector.broadcast %shift_left3A_47 : i32 to vector<512x256xi32>
    %shift_left3A_49 = arith.shli %xor3A_45, %shift_left3A_48 : vector<512x256xi32>
    %shift_right_logical3A_50 = arith.constant 6 : i32
    %shift_right_logical3A_51 = vector.broadcast %shift_right_logical3A_50 : i32 to vector<512x256xi32>
    %shift_right_logical3A_52 = arith.shrui %xor3A_45, %shift_right_logical3A_51 : vector<512x256xi32>
    %or3A_53 = arith.ori %shift_left3A_49, %shift_right_logical3A_52 : vector<512x256xi32>
    %xor3A_54 = arith.xori %add3A_46, %or3A_53 : vector<512x256xi32>
    %add3A_55 = arith.addi %add3A_46, %xor3A_54 : vector<512x256xi32>
    %shift_left3A_56 = arith.constant 6 : i32
    %shift_left3A_57 = vector.broadcast %shift_left3A_56 : i32 to vector<512x256xi32>
    %shift_left3A_58 = arith.shli %xor3A_54, %shift_left3A_57 : vector<512x256xi32>
    %shift_right_logical3A_59 = arith.constant 26 : i32
    %shift_right_logical3A_60 = vector.broadcast %shift_right_logical3A_59 : i32 to vector<512x256xi32>
    %shift_right_logical3A_61 = arith.shrui %xor3A_54, %shift_right_logical3A_60 : vector<512x256xi32>
    %or3A_62 = arith.ori %shift_left3A_58, %shift_right_logical3A_61 : vector<512x256xi32>
    %xor3A_63 = arith.xori %add3A_55, %or3A_62 : vector<512x256xi32>
    %add3A_64 = arith.constant 270669613 : i32
    %add3A_65 = vector.broadcast %add3A_64 : i32 to vector<512x256xi32>
    %add3A_66 = arith.addi %add3A_55, %add3A_65 : vector<512x256xi32>
    %add3A_67 = arith.constant 1724713081 : i32
    %add3A_68 = vector.broadcast %add3A_67 : i32 to vector<512x256xi32>
    %add3A_69 = arith.addi %xor3A_63, %add3A_68 : vector<512x256xi32>
    %add3A_70 = arith.addi %add3A_66, %add3A_69 : vector<512x256xi32>
    %shift_left3A_71 = arith.constant 17 : i32
    %shift_left3A_72 = vector.broadcast %shift_left3A_71 : i32 to vector<512x256xi32>
    %shift_left3A_73 = arith.shli %add3A_69, %shift_left3A_72 : vector<512x256xi32>
    %shift_right_logical3A_74 = arith.constant 15 : i32
    %shift_right_logical3A_75 = vector.broadcast %shift_right_logical3A_74 : i32 to vector<512x256xi32>
    %shift_right_logical3A_76 = arith.shrui %add3A_69, %shift_right_logical3A_75 : vector<512x256xi32>
    %or3A_77 = arith.ori %shift_left3A_73, %shift_right_logical3A_76 : vector<512x256xi32>
    %xor3A_78 = arith.xori %add3A_70, %or3A_77 : vector<512x256xi32>
    %add3A_79 = arith.addi %add3A_70, %xor3A_78 : vector<512x256xi32>
    %shift_left3A_80 = arith.constant 29 : i32
    %shift_left3A_81 = vector.broadcast %shift_left3A_80 : i32 to vector<512x256xi32>
    %shift_left3A_82 = arith.shli %xor3A_78, %shift_left3A_81 : vector<512x256xi32>
    %shift_right_logical3A_83 = arith.constant 3 : i32
    %shift_right_logical3A_84 = vector.broadcast %shift_right_logical3A_83 : i32 to vector<512x256xi32>
    %shift_right_logical3A_85 = arith.shrui %xor3A_78, %shift_right_logical3A_84 : vector<512x256xi32>
    %or3A_86 = arith.ori %shift_left3A_82, %shift_right_logical3A_85 : vector<512x256xi32>
    %xor3A_87 = arith.xori %add3A_79, %or3A_86 : vector<512x256xi32>
    %add3A_88 = arith.addi %add3A_79, %xor3A_87 : vector<512x256xi32>
    %shift_left3A_89 = arith.constant 16 : i32
    %shift_left3A_90 = vector.broadcast %shift_left3A_89 : i32 to vector<512x256xi32>
    %shift_left3A_91 = arith.shli %xor3A_87, %shift_left3A_90 : vector<512x256xi32>
    %shift_right_logical3A_92 = arith.constant 16 : i32
    %shift_right_logical3A_93 = vector.broadcast %shift_right_logical3A_92 : i32 to vector<512x256xi32>
    %shift_right_logical3A_94 = arith.shrui %xor3A_87, %shift_right_logical3A_93 : vector<512x256xi32>
    %or3A_95 = arith.ori %shift_left3A_91, %shift_right_logical3A_94 : vector<512x256xi32>
    %xor3A_96 = arith.xori %add3A_88, %or3A_95 : vector<512x256xi32>
    %add3A_97 = arith.addi %add3A_88, %xor3A_96 : vector<512x256xi32>
    %shift_left3A_98 = arith.constant 24 : i32
    %shift_left3A_99 = vector.broadcast %shift_left3A_98 : i32 to vector<512x256xi32>
    %shift_left3A_100 = arith.shli %xor3A_96, %shift_left3A_99 : vector<512x256xi32>
    %shift_right_logical3A_101 = arith.constant 8 : i32
    %shift_right_logical3A_102 = vector.broadcast %shift_right_logical3A_101 : i32 to vector<512x256xi32>
    %shift_right_logical3A_103 = arith.shrui %xor3A_96, %shift_right_logical3A_102 : vector<512x256xi32>
    %or3A_104 = arith.ori %shift_left3A_100, %shift_right_logical3A_103 : vector<512x256xi32>
    %xor3A_105 = arith.xori %add3A_97, %or3A_104 : vector<512x256xi32>
    %add3A_106 = arith.constant 1724713080 : i32
    %add3A_107 = vector.broadcast %add3A_106 : i32 to vector<512x256xi32>
    %add3A_108 = arith.addi %add3A_97, %add3A_107 : vector<512x256xi32>
    %add3A_109 = arith.constant 1832780945 : i32
    %add3A_110 = vector.broadcast %add3A_109 : i32 to vector<512x256xi32>
    %add3A_111 = arith.addi %xor3A_105, %add3A_110 : vector<512x256xi32>
    %add3A_112 = arith.addi %add3A_108, %add3A_111 : vector<512x256xi32>
    %shift_left3A_113 = arith.constant 13 : i32
    %shift_left3A_114 = vector.broadcast %shift_left3A_113 : i32 to vector<512x256xi32>
    %shift_left3A_115 = arith.shli %add3A_111, %shift_left3A_114 : vector<512x256xi32>
    %shift_right_logical3A_116 = arith.constant 19 : i32
    %shift_right_logical3A_117 = vector.broadcast %shift_right_logical3A_116 : i32 to vector<512x256xi32>
    %shift_right_logical3A_118 = arith.shrui %add3A_111, %shift_right_logical3A_117 : vector<512x256xi32>
    %or3A_119 = arith.ori %shift_left3A_115, %shift_right_logical3A_118 : vector<512x256xi32>
    %xor3A_120 = arith.xori %add3A_112, %or3A_119 : vector<512x256xi32>
    %add3A_121 = arith.addi %add3A_112, %xor3A_120 : vector<512x256xi32>
    %shift_left3A_122 = arith.constant 15 : i32
    %shift_left3A_123 = vector.broadcast %shift_left3A_122 : i32 to vector<512x256xi32>
    %shift_left3A_124 = arith.shli %xor3A_120, %shift_left3A_123 : vector<512x256xi32>
    %shift_right_logical3A_125 = arith.constant 17 : i32
    %shift_right_logical3A_126 = vector.broadcast %shift_right_logical3A_125 : i32 to vector<512x256xi32>
    %shift_right_logical3A_127 = arith.shrui %xor3A_120, %shift_right_logical3A_126 : vector<512x256xi32>
    %or3A_128 = arith.ori %shift_left3A_124, %shift_right_logical3A_127 : vector<512x256xi32>
    %xor3A_129 = arith.xori %add3A_121, %or3A_128 : vector<512x256xi32>
    %add3A_130 = arith.addi %add3A_121, %xor3A_129 : vector<512x256xi32>
    %shift_left3A_131 = arith.constant 26 : i32
    %shift_left3A_132 = vector.broadcast %shift_left3A_131 : i32 to vector<512x256xi32>
    %shift_left3A_133 = arith.shli %xor3A_129, %shift_left3A_132 : vector<512x256xi32>
    %shift_right_logical3A_134 = arith.constant 6 : i32
    %shift_right_logical3A_135 = vector.broadcast %shift_right_logical3A_134 : i32 to vector<512x256xi32>
    %shift_right_logical3A_136 = arith.shrui %xor3A_129, %shift_right_logical3A_135 : vector<512x256xi32>
    %or3A_137 = arith.ori %shift_left3A_133, %shift_right_logical3A_136 : vector<512x256xi32>
    %xor3A_138 = arith.xori %add3A_130, %or3A_137 : vector<512x256xi32>
    %add3A_139 = arith.addi %add3A_130, %xor3A_138 : vector<512x256xi32>
    %shift_left3A_140 = arith.constant 6 : i32
    %shift_left3A_141 = vector.broadcast %shift_left3A_140 : i32 to vector<512x256xi32>
    %shift_left3A_142 = arith.shli %xor3A_138, %shift_left3A_141 : vector<512x256xi32>
    %shift_right_logical3A_143 = arith.constant 26 : i32
    %shift_right_logical3A_144 = vector.broadcast %shift_right_logical3A_143 : i32 to vector<512x256xi32>
    %shift_right_logical3A_145 = arith.shrui %xor3A_138, %shift_right_logical3A_144 : vector<512x256xi32>
    %or3A_146 = arith.ori %shift_left3A_142, %shift_right_logical3A_145 : vector<512x256xi32>
    %xor3A_147 = arith.xori %add3A_139, %or3A_146 : vector<512x256xi32>
    %add3A_148 = arith.constant 1832780943 : i32
    %add3A_149 = vector.broadcast %add3A_148 : i32 to vector<512x256xi32>
    %add3A_150 = arith.addi %add3A_139, %add3A_149 : vector<512x256xi32>
    %add3A_151 = arith.constant 270669616 : i32
    %add3A_152 = vector.broadcast %add3A_151 : i32 to vector<512x256xi32>
    %add3A_153 = arith.addi %xor3A_147, %add3A_152 : vector<512x256xi32>
    %add3A_154 = arith.addi %add3A_150, %add3A_153 : vector<512x256xi32>
    %shift_left3A_155 = arith.constant 17 : i32
    %shift_left3A_156 = vector.broadcast %shift_left3A_155 : i32 to vector<512x256xi32>
    %shift_left3A_157 = arith.shli %add3A_153, %shift_left3A_156 : vector<512x256xi32>
    %shift_right_logical3A_158 = arith.constant 15 : i32
    %shift_right_logical3A_159 = vector.broadcast %shift_right_logical3A_158 : i32 to vector<512x256xi32>
    %shift_right_logical3A_160 = arith.shrui %add3A_153, %shift_right_logical3A_159 : vector<512x256xi32>
    %or3A_161 = arith.ori %shift_left3A_157, %shift_right_logical3A_160 : vector<512x256xi32>
    %xor3A_162 = arith.xori %add3A_154, %or3A_161 : vector<512x256xi32>
    %add3A_163 = arith.addi %add3A_154, %xor3A_162 : vector<512x256xi32>
    %shift_left3A_164 = arith.constant 29 : i32
    %shift_left3A_165 = vector.broadcast %shift_left3A_164 : i32 to vector<512x256xi32>
    %shift_left3A_166 = arith.shli %xor3A_162, %shift_left3A_165 : vector<512x256xi32>
    %shift_right_logical3A_167 = arith.constant 3 : i32
    %shift_right_logical3A_168 = vector.broadcast %shift_right_logical3A_167 : i32 to vector<512x256xi32>
    %shift_right_logical3A_169 = arith.shrui %xor3A_162, %shift_right_logical3A_168 : vector<512x256xi32>
    %or3A_170 = arith.ori %shift_left3A_166, %shift_right_logical3A_169 : vector<512x256xi32>
    %xor3A_171 = arith.xori %add3A_163, %or3A_170 : vector<512x256xi32>
    %add3A_172 = arith.addi %add3A_163, %xor3A_171 : vector<512x256xi32>
    %shift_left3A_173 = arith.constant 16 : i32
    %shift_left3A_174 = vector.broadcast %shift_left3A_173 : i32 to vector<512x256xi32>
    %shift_left3A_175 = arith.shli %xor3A_171, %shift_left3A_174 : vector<512x256xi32>
    %shift_right_logical3A_176 = arith.constant 16 : i32
    %shift_right_logical3A_177 = vector.broadcast %shift_right_logical3A_176 : i32 to vector<512x256xi32>
    %shift_right_logical3A_178 = arith.shrui %xor3A_171, %shift_right_logical3A_177 : vector<512x256xi32>
    %or3A_179 = arith.ori %shift_left3A_175, %shift_right_logical3A_178 : vector<512x256xi32>
    %xor3A_180 = arith.xori %add3A_172, %or3A_179 : vector<512x256xi32>
    %add3A_181 = arith.addi %add3A_172, %xor3A_180 : vector<512x256xi32>
    %shift_left3A_182 = arith.constant 24 : i32
    %shift_left3A_183 = vector.broadcast %shift_left3A_182 : i32 to vector<512x256xi32>
    %shift_left3A_184 = arith.shli %xor3A_180, %shift_left3A_183 : vector<512x256xi32>
    %shift_right_logical3A_185 = arith.constant 8 : i32
    %shift_right_logical3A_186 = vector.broadcast %shift_right_logical3A_185 : i32 to vector<512x256xi32>
    %shift_right_logical3A_187 = arith.shrui %xor3A_180, %shift_right_logical3A_186 : vector<512x256xi32>
    %or3A_188 = arith.ori %shift_left3A_184, %shift_right_logical3A_187 : vector<512x256xi32>
    %xor3A_189 = arith.xori %add3A_181, %or3A_188 : vector<512x256xi32>
    %add3A_190 = arith.constant 270669613 : i32
    %add3A_191 = vector.broadcast %add3A_190 : i32 to vector<512x256xi32>
    %add3A_192 = arith.addi %add3A_181, %add3A_191 : vector<512x256xi32>
    %add3A_193 = arith.constant 1724713084 : i32
    %add3A_194 = vector.broadcast %add3A_193 : i32 to vector<512x256xi32>
    %add3A_195 = arith.addi %xor3A_189, %add3A_194 : vector<512x256xi32>
    %add3A_196 = arith.addi %add3A_192, %add3A_195 : vector<512x256xi32>
    %shift_left3A_197 = arith.constant 13 : i32
    %shift_left3A_198 = vector.broadcast %shift_left3A_197 : i32 to vector<512x256xi32>
    %shift_left3A_199 = arith.shli %add3A_195, %shift_left3A_198 : vector<512x256xi32>
    %shift_right_logical3A_200 = arith.constant 19 : i32
    %shift_right_logical3A_201 = vector.broadcast %shift_right_logical3A_200 : i32 to vector<512x256xi32>
    %shift_right_logical3A_202 = arith.shrui %add3A_195, %shift_right_logical3A_201 : vector<512x256xi32>
    %or3A_203 = arith.ori %shift_left3A_199, %shift_right_logical3A_202 : vector<512x256xi32>
    %xor3A_204 = arith.xori %add3A_196, %or3A_203 : vector<512x256xi32>
    %add3A_205 = arith.addi %add3A_196, %xor3A_204 : vector<512x256xi32>
    %shift_left3A_206 = arith.constant 15 : i32
    %shift_left3A_207 = vector.broadcast %shift_left3A_206 : i32 to vector<512x256xi32>
    %shift_left3A_208 = arith.shli %xor3A_204, %shift_left3A_207 : vector<512x256xi32>
    %shift_right_logical3A_209 = arith.constant 17 : i32
    %shift_right_logical3A_210 = vector.broadcast %shift_right_logical3A_209 : i32 to vector<512x256xi32>
    %shift_right_logical3A_211 = arith.shrui %xor3A_204, %shift_right_logical3A_210 : vector<512x256xi32>
    %or3A_212 = arith.ori %shift_left3A_208, %shift_right_logical3A_211 : vector<512x256xi32>
    %xor3A_213 = arith.xori %add3A_205, %or3A_212 : vector<512x256xi32>
    %add3A_214 = arith.addi %add3A_205, %xor3A_213 : vector<512x256xi32>
    %shift_left3A_215 = arith.constant 26 : i32
    %shift_left3A_216 = vector.broadcast %shift_left3A_215 : i32 to vector<512x256xi32>
    %shift_left3A_217 = arith.shli %xor3A_213, %shift_left3A_216 : vector<512x256xi32>
    %shift_right_logical3A_218 = arith.constant 6 : i32
    %shift_right_logical3A_219 = vector.broadcast %shift_right_logical3A_218 : i32 to vector<512x256xi32>
    %shift_right_logical3A_220 = arith.shrui %xor3A_213, %shift_right_logical3A_219 : vector<512x256xi32>
    %or3A_221 = arith.ori %shift_left3A_217, %shift_right_logical3A_220 : vector<512x256xi32>
    %xor3A_222 = arith.xori %add3A_214, %or3A_221 : vector<512x256xi32>
    %add3A_223 = arith.addi %add3A_214, %xor3A_222 : vector<512x256xi32>
    %shift_left3A_224 = arith.constant 6 : i32
    %shift_left3A_225 = vector.broadcast %shift_left3A_224 : i32 to vector<512x256xi32>
    %shift_left3A_226 = arith.shli %xor3A_222, %shift_left3A_225 : vector<512x256xi32>
    %shift_right_logical3A_227 = arith.constant 26 : i32
    %shift_right_logical3A_228 = vector.broadcast %shift_right_logical3A_227 : i32 to vector<512x256xi32>
    %shift_right_logical3A_229 = arith.shrui %xor3A_222, %shift_right_logical3A_228 : vector<512x256xi32>
    %or3A_230 = arith.ori %shift_left3A_226, %shift_right_logical3A_229 : vector<512x256xi32>
    %xor3A_231 = arith.xori %add3A_223, %or3A_230 : vector<512x256xi32>
    %add3A_232 = arith.constant 1724713080 : i32
    %add3A_233 = vector.broadcast %add3A_232 : i32 to vector<512x256xi32>
    %add3A_234 = arith.addi %add3A_223, %add3A_233 : vector<512x256xi32>
    %add3A_235 = arith.constant 1832780948 : i32
    %add3A_236 = vector.broadcast %add3A_235 : i32 to vector<512x256xi32>
    %add3A_237 = arith.addi %xor3A_231, %add3A_236 : vector<512x256xi32>
    %xor3A_238 = arith.xori %add3A_234, %add3A_237 : vector<512x256xi32>
    %shift_right_logical3A_239 = arith.constant 9 : i32
    %shift_right_logical3A_240 = vector.broadcast %shift_right_logical3A_239 : i32 to vector<512x256xi32>
    %shift_right_logical3A_241 = arith.shrui %xor3A_238, %shift_right_logical3A_240 : vector<512x256xi32>
    %or3A_242 = arith.constant 1065353216 : i32
    %or3A_243 = vector.broadcast %or3A_242 : i32 to vector<512x256xi32>
    %or3A_244 = arith.ori %shift_right_logical3A_241, %or3A_243 : vector<512x256xi32>
    %bitcast_convert_type3A = tpu.bitcast %or3A_244 : vector<512x256xi32> -> vector<512x256xf32>
    %sub3A_245 = arith.constant 1.000000e+00 : f32
    %sub3A_246 = vector.broadcast %sub3A_245 : f32 to vector<512x256xf32>
    %sub3A_247 = arith.subf %bitcast_convert_type3A, %sub3A_246 : vector<512x256xf32>
    %add3A_248 = arith.constant 1.17549435E-38 : f32
    %add3A_249 = vector.broadcast %add3A_248 : f32 to vector<512x256xf32>
    %add3A_250 = arith.addf %sub3A_247, %add3A_249 : vector<512x256xf32>
    %max3A = arith.constant 1.17549435E-38 : f32
    %max3A_251 = vector.broadcast %max3A : f32 to vector<512x256xf32>
    %max3A_252 = arith.maximumf %max3A_251, %add3A_250 : vector<512x256xf32>
    %log3A = math.log %max3A_252 : vector<512x256xf32>
    %neg3A = arith.constant 0.000000e+00 : f32
    %neg3A_253 = vector.broadcast %neg3A : f32 to vector<512x256xf32>
    %neg3A_254 = arith.subf %neg3A_253, %log3A : vector<512x256xf32>
    %log3A_255 = math.log %neg3A_254 : vector<512x256xf32>
    %neg3A_256 = arith.constant 0.000000e+00 : f32
    %neg3A_257 = vector.broadcast %neg3A_256 : f32 to vector<512x256xf32>
    %neg3A_258 = arith.subf %neg3A_257, %log3A_255 : vector<512x256xf32>
    %add3A_259 = arith.addf %neg3A_258, %sub3A_24 : vector<512x256xf32>
    %reduce_max3A = arith.constant dense<0xFF800000> : vector<512xf32>
    %reduce_max3A_260 = vector.multi_reduction <maximumf>, %add3A_259, %reduce_max3A [1] : vector<512x256xf32> to vector<512xf32>
    %broadcast_in_dim3A_261 = vector.shape_cast %reduce_max3A_260 : vector<512xf32> to vector<512x1xf32>
    %eq3A_262 = vector.broadcast %broadcast_in_dim3A_261 : vector<512x1xf32> to vector<512x256xf32>
    %eq3A_263 = arith.cmpf oeq, %add3A_259, %eq3A_262 : vector<512x256xf32>
    %jit3A = arith.constant 256 : i32
    %broadcast_in_dim3A_264 = vector.broadcast %jit3A : i32 to vector<512x256xi32>
    %select_n3A = arith.select %eq3A_263, %iota3A_15, %broadcast_in_dim3A_264 : vector<512x256xi1>, vector<512x256xi32>
    %reduce_min3A = arith.constant dense<2147483647> : vector<512xi32>
    %reduce_min3A_265 = vector.multi_reduction <minsi>, %select_n3A, %reduce_min3A [1] : vector<512x256xi32> to vector<512xi32>
    %broadcast_in_dim3A_266 = vector.shape_cast %reduce_min3A_265 : vector<512xi32> to vector<512x1xi32>
    %swap3A = arith.constant 0 : index
    %swap3A_267 = arith.constant 0 : index
    %swap3A_268 = vector.load %arg6[%swap3A, %swap3A_267] : memref<512x128xi32, #tpu.memory_space<vmem>>, vector<512x1xi32>
    tpu.vector_store %arg6[%swap3A, %swap3A_267], %broadcast_in_dim3A_266 {strides = array<i32>} : memref<512x128xi32, #tpu.memory_space<vmem>>, vector<512x1xi32>,
    %add3A_269 = arith.constant 4194304 : i32
    %add3A_270 = vector.broadcast %add3A_269 : i32 to vector<512x256xi32>
    %add3A_271 = arith.addi %add3A_19, %add3A_270 : vector<512x256xi32>
    %broadcast_in_dim3A_272 = arith.constant 1832780943 : i32
    %broadcast_in_dim3A_273 = vector.broadcast %broadcast_in_dim3A_272 : i32 to vector<512x256xi32>
    %add3A_274 = arith.constant 270669613 : i32
    %add3A_275 = vector.broadcast %add3A_274 : i32 to vector<512x256xi32>
    %add3A_276 = arith.addi %add3A_271, %add3A_275 : vector<512x256xi32>
    %add3A_277 = arith.addi %broadcast_in_dim3A_273, %add3A_276 : vector<512x256xi32>
    %shift_left3A_278 = arith.constant 13 : i32
    %shift_left3A_279 = vector.broadcast %shift_left3A_278 : i32 to vector<512x256xi32>
    %shift_left3A_280 = arith.shli %add3A_276, %shift_left3A_279 : vector<512x256xi32>
    %shift_right_logical3A_281 = arith.constant 19 : i32
    %shift_right_logical3A_282 = vector.broadcast %shift_right_logical3A_281 : i32 to vector<512x256xi32>
    %shift_right_logical3A_283 = arith.shrui %add3A_276, %shift_right_logical3A_282 : vector<512x256xi32>
    %or3A_284 = arith.ori %shift_left3A_280, %shift_right_logical3A_283 : vector<512x256xi32>
    %xor3A_285 = arith.xori %add3A_277, %or3A_284 : vector<512x256xi32>
    %add3A_286 = arith.addi %add3A_277, %xor3A_285 : vector<512x256xi32>
    %shift_left3A_287 = arith.constant 15 : i32
    %shift_left3A_288 = vector.broadcast %shift_left3A_287 : i32 to vector<512x256xi32>
    %shift_left3A_289 = arith.shli %xor3A_285, %shift_left3A_288 : vector<512x256xi32>
    %shift_right_logical3A_290 = arith.constant 17 : i32
    %shift_right_logical3A_291 = vector.broadcast %shift_right_logical3A_290 : i32 to vector<512x256xi32>
    %shift_right_logical3A_292 = arith.shrui %xor3A_285, %shift_right_logical3A_291 : vector<512x256xi32>
    %or3A_293 = arith.ori %shift_left3A_289, %shift_right_logical3A_292 : vector<512x256xi32>
    %xor3A_294 = arith.xori %add3A_286, %or3A_293 : vector<512x256xi32>
    %add3A_295 = arith.addi %add3A_286, %xor3A_294 : vector<512x256xi32>
    %shift_left3A_296 = arith.constant 26 : i32
    %shift_left3A_297 = vector.broadcast %shift_left3A_296 : i32 to vector<512x256xi32>
    %shift_left3A_298 = arith.shli %xor3A_294, %shift_left3A_297 : vector<512x256xi32>
    %shift_right_logical3A_299 = arith.constant 6 : i32
    %shift_right_logical3A_300 = vector.broadcast %shift_right_logical3A_299 : i32 to vector<512x256xi32>
    %shift_right_logical3A_301 = arith.shrui %xor3A_294, %shift_right_logical3A_300 : vector<512x256xi32>
    %or3A_302 = arith.ori %shift_left3A_298, %shift_right_logical3A_301 : vector<512x256xi32>
    %xor3A_303 = arith.xori %add3A_295, %or3A_302 : vector<512x256xi32>
    %add3A_304 = arith.addi %add3A_295, %xor3A_303 : vector<512x256xi32>
    %shift_left3A_305 = arith.constant 6 : i32
    %shift_left3A_306 = vector.broadcast %shift_left3A_305 : i32 to vector<512x256xi32>
    %shift_left3A_307 = arith.shli %xor3A_303, %shift_left3A_306 : vector<512x256xi32>
    %shift_right_logical3A_308 = arith.constant 26 : i32
    %shift_right_logical3A_309 = vector.broadcast %shift_right_logical3A_308 : i32 to vector<512x256xi32>
    %shift_right_logical3A_310 = arith.shrui %xor3A_303, %shift_right_logical3A_309 : vector<512x256xi32>
    %or3A_311 = arith.ori %shift_left3A_307, %shift_right_logical3A_310 : vector<512x256xi32>
    %xor3A_312 = arith.xori %add3A_304, %or3A_311 : vector<512x256xi32>
    %add3A_313 = arith.constant 270669613 : i32
    %add3A_314 = vector.broadcast %add3A_313 : i32 to vector<512x256xi32>
    %add3A_315 = arith.addi %add3A_304, %add3A_314 : vector<512x256xi32>
    %add3A_316 = arith.constant 1724713081 : i32
    %add3A_317 = vector.broadcast %add3A_316 : i32 to vector<512x256xi32>
    %add3A_318 = arith.addi %xor3A_312, %add3A_317 : vector<512x256xi32>
    %add3A_319 = arith.addi %add3A_315, %add3A_318 : vector<512x256xi32>
    %shift_left3A_320 = arith.constant 17 : i32
    %shift_left3A_321 = vector.broadcast %shift_left3A_320 : i32 to vector<512x256xi32>
    %shift_left3A_322 = arith.shli %add3A_318, %shift_left3A_321 : vector<512x256xi32>
    %shift_right_logical3A_323 = arith.constant 15 : i32
    %shift_right_logical3A_324 = vector.broadcast %shift_right_logical3A_323 : i32 to vector<512x256xi32>
    %shift_right_logical3A_325 = arith.shrui %add3A_318, %shift_right_logical3A_324 : vector<512x256xi32>
    %or3A_326 = arith.ori %shift_left3A_322, %shift_right_logical3A_325 : vector<512x256xi32>
    %xor3A_327 = arith.xori %add3A_319, %or3A_326 : vector<512x256xi32>
    %add3A_328 = arith.addi %add3A_319, %xor3A_327 : vector<512x256xi32>
    %shift_left3A_329 = arith.constant 29 : i32
    %shift_left3A_330 = vector.broadcast %shift_left3A_329 : i32 to vector<512x256xi32>
    %shift_left3A_331 = arith.shli %xor3A_327, %shift_left3A_330 : vector<512x256xi32>
    %shift_right_logical3A_332 = arith.constant 3 : i32
    %shift_right_logical3A_333 = vector.broadcast %shift_right_logical3A_332 : i32 to vector<512x256xi32>
    %shift_right_logical3A_334 = arith.shrui %xor3A_327, %shift_right_logical3A_333 : vector<512x256xi32>
    %or3A_335 = arith.ori %shift_left3A_331, %shift_right_logical3A_334 : vector<512x256xi32>
    %xor3A_336 = arith.xori %add3A_328, %or3A_335 : vector<512x256xi32>
    %add3A_337 = arith.addi %add3A_328, %xor3A_336 : vector<512x256xi32>
    %shift_left3A_338 = arith.constant 16 : i32
    %shift_left3A_339 = vector.broadcast %shift_left3A_338 : i32 to vector<512x256xi32>
    %shift_left3A_340 = arith.shli %xor3A_336, %shift_left3A_339 : vector<512x256xi32>
    %shift_right_logical3A_341 = arith.constant 16 : i32
    %shift_right_logical3A_342 = vector.broadcast %shift_right_logical3A_341 : i32 to vector<512x256xi32>
    %shift_right_logical3A_343 = arith.shrui %xor3A_336, %shift_right_logical3A_342 : vector<512x256xi32>
    %or3A_344 = arith.ori %shift_left3A_340, %shift_right_logical3A_343 : vector<512x256xi32>
    %xor3A_345 = arith.xori %add3A_337, %or3A_344 : vector<512x256xi32>
    %add3A_346 = arith.addi %add3A_337, %xor3A_345 : vector<512x256xi32>
    %shift_left3A_347 = arith.constant 24 : i32
    %shift_left3A_348 = vector.broadcast %shift_left3A_347 : i32 to vector<512x256xi32>
    %shift_left3A_349 = arith.shli %xor3A_345, %shift_left3A_348 : vector<512x256xi32>
    %shift_right_logical3A_350 = arith.constant 8 : i32
    %shift_right_logical3A_351 = vector.broadcast %shift_right_logical3A_350 : i32 to vector<512x256xi32>
    %shift_right_logical3A_352 = arith.shrui %xor3A_345, %shift_right_logical3A_351 : vector<512x256xi32>
    %or3A_353 = arith.ori %shift_left3A_349, %shift_right_logical3A_352 : vector<512x256xi32>
    %xor3A_354 = arith.xori %add3A_346, %or3A_353 : vector<512x256xi32>
    %add3A_355 = arith.constant 1724713080 : i32
    %add3A_356 = vector.broadcast %add3A_355 : i32 to vector<512x256xi32>
    %add3A_357 = arith.addi %add3A_346, %add3A_356 : vector<512x256xi32>
    %add3A_358 = arith.constant 1832780945 : i32
    %add3A_359 = vector.broadcast %add3A_358 : i32 to vector<512x256xi32>
    %add3A_360 = arith.addi %xor3A_354, %add3A_359 : vector<512x256xi32>
    %add3A_361 = arith.addi %add3A_357, %add3A_360 : vector<512x256xi32>
    %shift_left3A_362 = arith.constant 13 : i32
    %shift_left3A_363 = vector.broadcast %shift_left3A_362 : i32 to vector<512x256xi32>
    %shift_left3A_364 = arith.shli %add3A_360, %shift_left3A_363 : vector<512x256xi32>
    %shift_right_logical3A_365 = arith.constant 19 : i32
    %shift_right_logical3A_366 = vector.broadcast %shift_right_logical3A_365 : i32 to vector<512x256xi32>
    %shift_right_logical3A_367 = arith.shrui %add3A_360, %shift_right_logical3A_366 : vector<512x256xi32>
    %or3A_368 = arith.ori %shift_left3A_364, %shift_right_logical3A_367 : vector<512x256xi32>
    %xor3A_369 = arith.xori %add3A_361, %or3A_368 : vector<512x256xi32>
    %add3A_370 = arith.addi %add3A_361, %xor3A_369 : vector<512x256xi32>
    %shift_left3A_371 = arith.constant 15 : i32
    %shift_left3A_372 = vector.broadcast %shift_left3A_371 : i32 to vector<512x256xi32>
    %shift_left3A_373 = arith.shli %xor3A_369, %shift_left3A_372 : vector<512x256xi32>
    %shift_right_logical3A_374 = arith.constant 17 : i32
    %shift_right_logical3A_375 = vector.broadcast %shift_right_logical3A_374 : i32 to vector<512x256xi32>
    %shift_right_logical3A_376 = arith.shrui %xor3A_369, %shift_right_logical3A_375 : vector<512x256xi32>
    %or3A_377 = arith.ori %shift_left3A_373, %shift_right_logical3A_376 : vector<512x256xi32>
    %xor3A_378 = arith.xori %add3A_370, %or3A_377 : vector<512x256xi32>
    %add3A_379 = arith.addi %add3A_370, %xor3A_378 : vector<512x256xi32>
    %shift_left3A_380 = arith.constant 26 : i32
    %shift_left3A_381 = vector.broadcast %shift_left3A_380 : i32 to vector<512x256xi32>
    %shift_left3A_382 = arith.shli %xor3A_378, %shift_left3A_381 : vector<512x256xi32>
    %shift_right_logical3A_383 = arith.constant 6 : i32
    %shift_right_logical3A_384 = vector.broadcast %shift_right_logical3A_383 : i32 to vector<512x256xi32>
    %shift_right_logical3A_385 = arith.shrui %xor3A_378, %shift_right_logical3A_384 : vector<512x256xi32>
    %or3A_386 = arith.ori %shift_left3A_382, %shift_right_logical3A_385 : vector<512x256xi32>
    %xor3A_387 = arith.xori %add3A_379, %or3A_386 : vector<512x256xi32>
    %add3A_388 = arith.addi %add3A_379, %xor3A_387 : vector<512x256xi32>
    %shift_left3A_389 = arith.constant 6 : i32
    %shift_left3A_390 = vector.broadcast %shift_left3A_389 : i32 to vector<512x256xi32>
    %shift_left3A_391 = arith.shli %xor3A_387, %shift_left3A_390 : vector<512x256xi32>
    %shift_right_logical3A_392 = arith.constant 26 : i32
    %shift_right_logical3A_393 = vector.broadcast %shift_right_logical3A_392 : i32 to vector<512x256xi32>
    %shift_right_logical3A_394 = arith.shrui %xor3A_387, %shift_right_logical3A_393 : vector<512x256xi32>
    %or3A_395 = arith.ori %shift_left3A_391, %shift_right_logical3A_394 : vector<512x256xi32>
    %xor3A_396 = arith.xori %add3A_388, %or3A_395 : vector<512x256xi32>
    %add3A_397 = arith.constant 1832780943 : i32
    %add3A_398 = vector.broadcast %add3A_397 : i32 to vector<512x256xi32>
    %add3A_399 = arith.addi %add3A_388, %add3A_398 : vector<512x256xi32>
    %add3A_400 = arith.constant 270669616 : i32
    %add3A_401 = vector.broadcast %add3A_400 : i32 to vector<512x256xi32>
    %add3A_402 = arith.addi %xor3A_396, %add3A_401 : vector<512x256xi32>
    %add3A_403 = arith.addi %add3A_399, %add3A_402 : vector<512x256xi32>
    %shift_left3A_404 = arith.constant 17 : i32
    %shift_left3A_405 = vector.broadcast %shift_left3A_404 : i32 to vector<512x256xi32>
    %shift_left3A_406 = arith.shli %add3A_402, %shift_left3A_405 : vector<512x256xi32>
    %shift_right_logical3A_407 = arith.constant 15 : i32
    %shift_right_logical3A_408 = vector.broadcast %shift_right_logical3A_407 : i32 to vector<512x256xi32>
    %shift_right_logical3A_409 = arith.shrui %add3A_402, %shift_right_logical3A_408 : vector<512x256xi32>
    %or3A_410 = arith.ori %shift_left3A_406, %shift_right_logical3A_409 : vector<512x256xi32>
    %xor3A_411 = arith.xori %add3A_403, %or3A_410 : vector<512x256xi32>
    %add3A_412 = arith.addi %add3A_403, %xor3A_411 : vector<512x256xi32>
    %shift_left3A_413 = arith.constant 29 : i32
    %shift_left3A_414 = vector.broadcast %shift_left3A_413 : i32 to vector<512x256xi32>
    %shift_left3A_415 = arith.shli %xor3A_411, %shift_left3A_414 : vector<512x256xi32>
    %shift_right_logical3A_416 = arith.constant 3 : i32
    %shift_right_logical3A_417 = vector.broadcast %shift_right_logical3A_416 : i32 to vector<512x256xi32>
    %shift_right_logical3A_418 = arith.shrui %xor3A_411, %shift_right_logical3A_417 : vector<512x256xi32>
    %or3A_419 = arith.ori %shift_left3A_415, %shift_right_logical3A_418 : vector<512x256xi32>
    %xor3A_420 = arith.xori %add3A_412, %or3A_419 : vector<512x256xi32>
    %add3A_421 = arith.addi %add3A_412, %xor3A_420 : vector<512x256xi32>
    %shift_left3A_422 = arith.constant 16 : i32
    %shift_left3A_423 = vector.broadcast %shift_left3A_422 : i32 to vector<512x256xi32>
    %shift_left3A_424 = arith.shli %xor3A_420, %shift_left3A_423 : vector<512x256xi32>
    %shift_right_logical3A_425 = arith.constant 16 : i32
    %shift_right_logical3A_426 = vector.broadcast %shift_right_logical3A_425 : i32 to vector<512x256xi32>
    %shift_right_logical3A_427 = arith.shrui %xor3A_420, %shift_right_logical3A_426 : vector<512x256xi32>
    %or3A_428 = arith.ori %shift_left3A_424, %shift_right_logical3A_427 : vector<512x256xi32>
    %xor3A_429 = arith.xori %add3A_421, %or3A_428 : vector<512x256xi32>
    %add3A_430 = arith.addi %add3A_421, %xor3A_429 : vector<512x256xi32>
    %shift_left3A_431 = arith.constant 24 : i32
    %shift_left3A_432 = vector.broadcast %shift_left3A_431 : i32 to vector<512x256xi32>
    %shift_left3A_433 = arith.shli %xor3A_429, %shift_left3A_432 : vector<512x256xi32>
    %shift_right_logical3A_434 = arith.constant 8 : i32
    %shift_right_logical3A_435 = vector.broadcast %shift_right_logical3A_434 : i32 to vector<512x256xi32>
    %shift_right_logical3A_436 = arith.shrui %xor3A_429, %shift_right_logical3A_435 : vector<512x256xi32>
    %or3A_437 = arith.ori %shift_left3A_433, %shift_right_logical3A_436 : vector<512x256xi32>
    %xor3A_438 = arith.xori %add3A_430, %or3A_437 : vector<512x256xi32>
    %add3A_439 = arith.constant 270669613 : i32
    %add3A_440 = vector.broadcast %add3A_439 : i32 to vector<512x256xi32>
    %add3A_441 = arith.addi %add3A_430, %add3A_440 : vector<512x256xi32>
    %add3A_442 = arith.constant 1724713084 : i32
    %add3A_443 = vector.broadcast %add3A_442 : i32 to vector<512x256xi32>
    %add3A_444 = arith.addi %xor3A_438, %add3A_443 : vector<512x256xi32>
    %add3A_445 = arith.addi %add3A_441, %add3A_444 : vector<512x256xi32>
    %shift_left3A_446 = arith.constant 13 : i32
    %shift_left3A_447 = vector.broadcast %shift_left3A_446 : i32 to vector<512x256xi32>
    %shift_left3A_448 = arith.shli %add3A_444, %shift_left3A_447 : vector<512x256xi32>
    %shift_right_logical3A_449 = arith.constant 19 : i32
    %shift_right_logical3A_450 = vector.broadcast %shift_right_logical3A_449 : i32 to vector<512x256xi32>
    %shift_right_logical3A_451 = arith.shrui %add3A_444, %shift_right_logical3A_450 : vector<512x256xi32>
    %or3A_452 = arith.ori %shift_left3A_448, %shift_right_logical3A_451 : vector<512x256xi32>
    %xor3A_453 = arith.xori %add3A_445, %or3A_452 : vector<512x256xi32>
    %add3A_454 = arith.addi %add3A_445, %xor3A_453 : vector<512x256xi32>
    %shift_left3A_455 = arith.constant 15 : i32
    %shift_left3A_456 = vector.broadcast %shift_left3A_455 : i32 to vector<512x256xi32>
    %shift_left3A_457 = arith.shli %xor3A_453, %shift_left3A_456 : vector<512x256xi32>
    %shift_right_logical3A_458 = arith.constant 17 : i32
    %shift_right_logical3A_459 = vector.broadcast %shift_right_logical3A_458 : i32 to vector<512x256xi32>
    %shift_right_logical3A_460 = arith.shrui %xor3A_453, %shift_right_logical3A_459 : vector<512x256xi32>
    %or3A_461 = arith.ori %shift_left3A_457, %shift_right_logical3A_460 : vector<512x256xi32>
    %xor3A_462 = arith.xori %add3A_454, %or3A_461 : vector<512x256xi32>
    %add3A_463 = arith.addi %add3A_454, %xor3A_462 : vector<512x256xi32>
    %shift_left3A_464 = arith.constant 26 : i32
    %shift_left3A_465 = vector.broadcast %shift_left3A_464 : i32 to vector<512x256xi32>
    %shift_left3A_466 = arith.shli %xor3A_462, %shift_left3A_465 : vector<512x256xi32>
    %shift_right_logical3A_467 = arith.constant 6 : i32
    %shift_right_logical3A_468 = vector.broadcast %shift_right_logical3A_467 : i32 to vector<512x256xi32>
    %shift_right_logical3A_469 = arith.shrui %xor3A_462, %shift_right_logical3A_468 : vector<512x256xi32>
    %or3A_470 = arith.ori %shift_left3A_466, %shift_right_logical3A_469 : vector<512x256xi32>
    %xor3A_471 = arith.xori %add3A_463, %or3A_470 : vector<512x256xi32>
    %add3A_472 = arith.addi %add3A_463, %xor3A_471 : vector<512x256xi32>
    %shift_left3A_473 = arith.constant 6 : i32
    %shift_left3A_474 = vector.broadcast %shift_left3A_473 : i32 to vector<512x256xi32>
    %shift_left3A_475 = arith.shli %xor3A_471, %shift_left3A_474 : vector<512x256xi32>
    %shift_right_logical3A_476 = arith.constant 26 : i32
    %shift_right_logical3A_477 = vector.broadcast %shift_right_logical3A_476 : i32 to vector<512x256xi32>
    %shift_right_logical3A_478 = arith.shrui %xor3A_471, %shift_right_logical3A_477 : vector<512x256xi32>
    %or3A_479 = arith.ori %shift_left3A_475, %shift_right_logical3A_478 : vector<512x256xi32>
    %xor3A_480 = arith.xori %add3A_472, %or3A_479 : vector<512x256xi32>
    %add3A_481 = arith.constant 1724713080 : i32
    %add3A_482 = vector.broadcast %add3A_481 : i32 to vector<512x256xi32>
    %add3A_483 = arith.addi %add3A_472, %add3A_482 : vector<512x256xi32>
    %add3A_484 = arith.constant 1832780948 : i32
    %add3A_485 = vector.broadcast %add3A_484 : i32 to vector<512x256xi32>
    %add3A_486 = arith.addi %xor3A_480, %add3A_485 : vector<512x256xi32>
    %xor3A_487 = arith.xori %add3A_483, %add3A_486 : vector<512x256xi32>
    %shift_right_logical3A_488 = arith.constant 9 : i32
    %shift_right_logical3A_489 = vector.broadcast %shift_right_logical3A_488 : i32 to vector<512x256xi32>
    %shift_right_logical3A_490 = arith.shrui %xor3A_487, %shift_right_logical3A_489 : vector<512x256xi32>
    %or3A_491 = arith.constant 1065353216 : i32
    %or3A_492 = vector.broadcast %or3A_491 : i32 to vector<512x256xi32>
    %or3A_493 = arith.ori %shift_right_logical3A_490, %or3A_492 : vector<512x256xi32>
    %bitcast_convert_type3A_494 = tpu.bitcast %or3A_493 : vector<512x256xi32> -> vector<512x256xf32>
    %sub3A_495 = arith.constant 1.000000e+00 : f32
    %sub3A_496 = vector.broadcast %sub3A_495 : f32 to vector<512x256xf32>
    %sub3A_497 = arith.subf %bitcast_convert_type3A_494, %sub3A_496 : vector<512x256xf32>
    %add3A_498 = arith.constant 1.17549435E-38 : f32
    %add3A_499 = vector.broadcast %add3A_498 : f32 to vector<512x256xf32>
    %add3A_500 = arith.addf %sub3A_497, %add3A_499 : vector<512x256xf32>
    %max3A_501 = arith.constant 1.17549435E-38 : f32
    %max3A_502 = vector.broadcast %max3A_501 : f32 to vector<512x256xf32>
    %max3A_503 = arith.maximumf %max3A_502, %add3A_500 : vector<512x256xf32>
    %log3A_504 = math.log %max3A_503 : vector<512x256xf32>
    %neg3A_505 = arith.constant 0.000000e+00 : f32
    %neg3A_506 = vector.broadcast %neg3A_505 : f32 to vector<512x256xf32>
    %neg3A_507 = arith.subf %neg3A_506, %log3A_504 : vector<512x256xf32>
    %log3A_508 = math.log %neg3A_507 : vector<512x256xf32>
    %neg3A_509 = arith.constant 0.000000e+00 : f32
    %neg3A_510 = vector.broadcast %neg3A_509 : f32 to vector<512x256xf32>
    %neg3A_511 = arith.subf %neg3A_510, %log3A_508 : vector<512x256xf32>
    %add3A_512 = arith.addf %neg3A_511, %sub3A_24 : vector<512x256xf32>
    %reduce_max3A_513 = arith.constant dense<0xFF800000> : vector<512xf32>
    %reduce_max3A_514 = vector.multi_reduction <maximumf>, %add3A_512, %reduce_max3A_513 [1] : vector<512x256xf32> to vector<512xf32>
    %broadcast_in_dim3A_515 = vector.shape_cast %reduce_max3A_514 : vector<512xf32> to vector<512x1xf32>
    %eq3A_516 = vector.broadcast %broadcast_in_dim3A_515 : vector<512x1xf32> to vector<512x256xf32>
    %eq3A_517 = arith.cmpf oeq, %add3A_512, %eq3A_516 : vector<512x256xf32>
    %jit3A_518 = arith.constant 256 : i32
    %broadcast_in_dim3A_519 = vector.broadcast %jit3A_518 : i32 to vector<512x256xi32>
    %select_n3A_520 = arith.select %eq3A_517, %iota3A_15, %broadcast_in_dim3A_519 : vector<512x256xi1>, vector<512x256xi32>
    %reduce_min3A_521 = arith.constant dense<2147483647> : vector<512xi32>
    %reduce_min3A_522 = vector.multi_reduction <minsi>, %select_n3A_520, %reduce_min3A_521 [1] : vector<512x256xi32> to vector<512xi32>
    %broadcast_in_dim3A_523 = vector.shape_cast %reduce_min3A_522 : vector<512xi32> to vector<512x1xi32>
    %swap3A_524 = arith.constant 0 : index
    %swap3A_525 = arith.constant 3 : index
    %swap3A_526 = vector.load %arg6[%swap3A_524, %swap3A_525] : memref<512x128xi32, #tpu.memory_space<vmem>>, vector<512x1xi32>
    tpu.vector_store %arg6[%swap3A_524, %swap3A_525], %broadcast_in_dim3A_523 {strides = array<i32>} : memref<512x128xi32, #tpu.memory_space<vmem>>, vector<512x1xi32>,
    %add3A_527 = arith.constant 8388608 : i32
    %add3A_528 = vector.broadcast %add3A_527 : i32 to vector<512x256xi32>
    %add3A_529 = arith.addi %add3A_19, %add3A_528 : vector<512x256xi32>
    %broadcast_in_dim3A_530 = arith.constant 1832780943 : i32
    %broadcast_in_dim3A_531 = vector.broadcast %broadcast_in_dim3A_530 : i32 to vector<512x256xi32>
    %add3A_532 = arith.constant 270669613 : i32
    %add3A_533 = vector.broadcast %add3A_532 : i32 to vector<512x256xi32>
    %add3A_534 = arith.addi %add3A_529, %add3A_533 : vector<512x256xi32>
    %add3A_535 = arith.addi %broadcast_in_dim3A_531, %add3A_534 : vector<512x256xi32>
    %shift_left3A_536 = arith.constant 13 : i32
    %shift_left3A_537 = vector.broadcast %shift_left3A_536 : i32 to vector<512x256xi32>
    %shift_left3A_538 = arith.shli %add3A_534, %shift_left3A_537 : vector<512x256xi32>
    %shift_right_logical3A_539 = arith.constant 19 : i32
    %shift_right_logical3A_540 = vector.broadcast %shift_right_logical3A_539 : i32 to vector<512x256xi32>
    %shift_right_logical3A_541 = arith.shrui %add3A_534, %shift_right_logical3A_540 : vector<512x256xi32>
    %or3A_542 = arith.ori %shift_left3A_538, %shift_right_logical3A_541 : vector<512x256xi32>
    %xor3A_543 = arith.xori %add3A_535, %or3A_542 : vector<512x256xi32>
    %add3A_544 = arith.addi %add3A_535, %xor3A_543 : vector<512x256xi32>
    %shift_left3A_545 = arith.constant 15 : i32
    %shift_left3A_546 = vector.broadcast %shift_left3A_545 : i32 to vector<512x256xi32>
    %shift_left3A_547 = arith.shli %xor3A_543, %shift_left3A_546 : vector<512x256xi32>
    %shift_right_logical3A_548 = arith.constant 17 : i32
    %shift_right_logical3A_549 = vector.broadcast %shift_right_logical3A_548 : i32 to vector<512x256xi32>
    %shift_right_logical3A_550 = arith.shrui %xor3A_543, %shift_right_logical3A_549 : vector<512x256xi32>
    %or3A_551 = arith.ori %shift_left3A_547, %shift_right_logical3A_550 : vector<512x256xi32>
    %xor3A_552 = arith.xori %add3A_544, %or3A_551 : vector<512x256xi32>
    %add3A_553 = arith.addi %add3A_544, %xor3A_552 : vector<512x256xi32>
    %shift_left3A_554 = arith.constant 26 : i32
    %shift_left3A_555 = vector.broadcast %shift_left3A_554 : i32 to vector<512x256xi32>
    %shift_left3A_556 = arith.shli %xor3A_552, %shift_left3A_555 : vector<512x256xi32>
    %shift_right_logical3A_557 = arith.constant 6 : i32
    %shift_right_logical3A_558 = vector.broadcast %shift_right_logical3A_557 : i32 to vector<512x256xi32>
    %shift_right_logical3A_559 = arith.shrui %xor3A_552, %shift_right_logical3A_558 : vector<512x256xi32>
    %or3A_560 = arith.ori %shift_left3A_556, %shift_right_logical3A_559 : vector<512x256xi32>
    %xor3A_561 = arith.xori %add3A_553, %or3A_560 : vector<512x256xi32>
    %add3A_562 = arith.addi %add3A_553, %xor3A_561 : vector<512x256xi32>
    %shift_left3A_563 = arith.constant 6 : i32
    %shift_left3A_564 = vector.broadcast %shift_left3A_563 : i32 to vector<512x256xi32>
    %shift_left3A_565 = arith.shli %xor3A_561, %shift_left3A_564 : vector<512x256xi32>
    %shift_right_logical3A_566 = arith.constant 26 : i32
    %shift_right_logical3A_567 = vector.broadcast %shift_right_logical3A_566 : i32 to vector<512x256xi32>
    %shift_right_logical3A_568 = arith.shrui %xor3A_561, %shift_right_logical3A_567 : vector<512x256xi32>
    %or3A_569 = arith.ori %shift_left3A_565, %shift_right_logical3A_568 : vector<512x256xi32>
    %xor3A_570 = arith.xori %add3A_562, %or3A_569 : vector<512x256xi32>
    %add3A_571 = arith.constant 270669613 : i32
    %add3A_572 = vector.broadcast %add3A_571 : i32 to vector<512x256xi32>
    %add3A_573 = arith.addi %add3A_562, %add3A_572 : vector<512x256xi32>
    %add3A_574 = arith.constant 1724713081 : i32
    %add3A_575 = vector.broadcast %add3A_574 : i32 to vector<512x256xi32>
    %add3A_576 = arith.addi %xor3A_570, %add3A_575 : vector<512x256xi32>
    %add3A_577 = arith.addi %add3A_573, %add3A_576 : vector<512x256xi32>
    %shift_left3A_578 = arith.constant 17 : i32
    %shift_left3A_579 = vector.broadcast %shift_left3A_578 : i32 to vector<512x256xi32>
    %shift_left3A_580 = arith.shli %add3A_576, %shift_left3A_579 : vector<512x256xi32>
    %shift_right_logical3A_581 = arith.constant 15 : i32
    %shift_right_logical3A_582 = vector.broadcast %shift_right_logical3A_581 : i32 to vector<512x256xi32>
    %shift_right_logical3A_583 = arith.shrui %add3A_576, %shift_right_logical3A_582 : vector<512x256xi32>
    %or3A_584 = arith.ori %shift_left3A_580, %shift_right_logical3A_583 : vector<512x256xi32>
    %xor3A_585 = arith.xori %add3A_577, %or3A_584 : vector<512x256xi32>
    %add3A_586 = arith.addi %add3A_577, %xor3A_585 : vector<512x256xi32>
    %shift_left3A_587 = arith.constant 29 : i32
    %shift_left3A_588 = vector.broadcast %shift_left3A_587 : i32 to vector<512x256xi32>
    %shift_left3A_589 = arith.shli %xor3A_585, %shift_left3A_588 : vector<512x256xi32>
    %shift_right_logical3A_590 = arith.constant 3 : i32
    %shift_right_logical3A_591 = vector.broadcast %shift_right_logical3A_590 : i32 to vector<512x256xi32>
    %shift_right_logical3A_592 = arith.shrui %xor3A_585, %shift_right_logical3A_591 : vector<512x256xi32>
    %or3A_593 = arith.ori %shift_left3A_589, %shift_right_logical3A_592 : vector<512x256xi32>
    %xor3A_594 = arith.xori %add3A_586, %or3A_593 : vector<512x256xi32>
    %add3A_595 = arith.addi %add3A_586, %xor3A_594 : vector<512x256xi32>
    %shift_left3A_596 = arith.constant 16 : i32
    %shift_left3A_597 = vector.broadcast %shift_left3A_596 : i32 to vector<512x256xi32>
    %shift_left3A_598 = arith.shli %xor3A_594, %shift_left3A_597 : vector<512x256xi32>
    %shift_right_logical3A_599 = arith.constant 16 : i32
    %shift_right_logical3A_600 = vector.broadcast %shift_right_logical3A_599 : i32 to vector<512x256xi32>
    %shift_right_logical3A_601 = arith.shrui %xor3A_594, %shift_right_logical3A_600 : vector<512x256xi32>
    %or3A_602 = arith.ori %shift_left3A_598, %shift_right_logical3A_601 : vector<512x256xi32>
    %xor3A_603 = arith.xori %add3A_595, %or3A_602 : vector<512x256xi32>
    %add3A_604 = arith.addi %add3A_595, %xor3A_603 : vector<512x256xi32>
    %shift_left3A_605 = arith.constant 24 : i32
    %shift_left3A_606 = vector.broadcast %shift_left3A_605 : i32 to vector<512x256xi32>
    %shift_left3A_607 = arith.shli %xor3A_603, %shift_left3A_606 : vector<512x256xi32>
    %shift_right_logical3A_608 = arith.constant 8 : i32
    %shift_right_logical3A_609 = vector.broadcast %shift_right_logical3A_608 : i32 to vector<512x256xi32>
    %shift_right_logical3A_610 = arith.shrui %xor3A_603, %shift_right_logical3A_609 : vector<512x256xi32>
    %or3A_611 = arith.ori %shift_left3A_607, %shift_right_logical3A_610 : vector<512x256xi32>
    %xor3A_612 = arith.xori %add3A_604, %or3A_611 : vector<512x256xi32>
    %add3A_613 = arith.constant 1724713080 : i32
    %add3A_614 = vector.broadcast %add3A_613 : i32 to vector<512x256xi32>
    %add3A_615 = arith.addi %add3A_604, %add3A_614 : vector<512x256xi32>
    %add3A_616 = arith.constant 1832780945 : i32
    %add3A_617 = vector.broadcast %add3A_616 : i32 to vector<512x256xi32>
    %add3A_618 = arith.addi %xor3A_612, %add3A_617 : vector<512x256xi32>
    %add3A_619 = arith.addi %add3A_615, %add3A_618 : vector<512x256xi32>
    %shift_left3A_620 = arith.constant 13 : i32
    %shift_left3A_621 = vector.broadcast %shift_left3A_620 : i32 to vector<512x256xi32>
    %shift_left3A_622 = arith.shli %add3A_618, %shift_left3A_621 : vector<512x256xi32>
    %shift_right_logical3A_623 = arith.constant 19 : i32
    %shift_right_logical3A_624 = vector.broadcast %shift_right_logical3A_623 : i32 to vector<512x256xi32>
    %shift_right_logical3A_625 = arith.shrui %add3A_618, %shift_right_logical3A_624 : vector<512x256xi32>
    %or3A_626 = arith.ori %shift_left3A_622, %shift_right_logical3A_625 : vector<512x256xi32>
    %xor3A_627 = arith.xori %add3A_619, %or3A_626 : vector<512x256xi32>
    %add3A_628 = arith.addi %add3A_619, %xor3A_627 : vector<512x256xi32>
    %shift_left3A_629 = arith.constant 15 : i32
    %shift_left3A_630 = vector.broadcast %shift_left3A_629 : i32 to vector<512x256xi32>
    %shift_left3A_631 = arith.shli %xor3A_627, %shift_left3A_630 : vector<512x256xi32>
    %shift_right_logical3A_632 = arith.constant 17 : i32
    %shift_right_logical3A_633 = vector.broadcast %shift_right_logical3A_632 : i32 to vector<512x256xi32>
    %shift_right_logical3A_634 = arith.shrui %xor3A_627, %shift_right_logical3A_633 : vector<512x256xi32>
    %or3A_635 = arith.ori %shift_left3A_631, %shift_right_logical3A_634 : vector<512x256xi32>
    %xor3A_636 = arith.xori %add3A_628, %or3A_635 : vector<512x256xi32>
    %add3A_637 = arith.addi %add3A_628, %xor3A_636 : vector<512x256xi32>
    %shift_left3A_638 = arith.constant 26 : i32
    %shift_left3A_639 = vector.broadcast %shift_left3A_638 : i32 to vector<512x256xi32>
    %shift_left3A_640 = arith.shli %xor3A_636, %shift_left3A_639 : vector<512x256xi32>
    %shift_right_logical3A_641 = arith.constant 6 : i32
    %shift_right_logical3A_642 = vector.broadcast %shift_right_logical3A_641 : i32 to vector<512x256xi32>
    %shift_right_logical3A_643 = arith.shrui %xor3A_636, %shift_right_logical3A_642 : vector<512x256xi32>
    %or3A_644 = arith.ori %shift_left3A_640, %shift_right_logical3A_643 : vector<512x256xi32>
    %xor3A_645 = arith.xori %add3A_637, %or3A_644 : vector<512x256xi32>
    %add3A_646 = arith.addi %add3A_637, %xor3A_645 : vector<512x256xi32>
    %shift_left3A_647 = arith.constant 6 : i32
    %shift_left3A_648 = vector.broadcast %shift_left3A_647 : i32 to vector<512x256xi32>
    %shift_left3A_649 = arith.shli %xor3A_645, %shift_left3A_648 : vector<512x256xi32>
    %shift_right_logical3A_650 = arith.constant 26 : i32
    %shift_right_logical3A_651 = vector.broadcast %shift_right_logical3A_650 : i32 to vector<512x256xi32>
    %shift_right_logical3A_652 = arith.shrui %xor3A_645, %shift_right_logical3A_651 : vector<512x256xi32>
    %or3A_653 = arith.ori %shift_left3A_649, %shift_right_logical3A_652 : vector<512x256xi32>
    %xor3A_654 = arith.xori %add3A_646, %or3A_653 : vector<512x256xi32>
    %add3A_655 = arith.constant 1832780943 : i32
    %add3A_656 = vector.broadcast %add3A_655 : i32 to vector<512x256xi32>
    %add3A_657 = arith.addi %add3A_646, %add3A_656 : vector<512x256xi32>
    %add3A_658 = arith.constant 270669616 : i32
    %add3A_659 = vector.broadcast %add3A_658 : i32 to vector<512x256xi32>
    %add3A_660 = arith.addi %xor3A_654, %add3A_659 : vector<512x256xi32>
    %add3A_661 = arith.addi %add3A_657, %add3A_660 : vector<512x256xi32>
    %shift_left3A_662 = arith.constant 17 : i32
    %shift_left3A_663 = vector.broadcast %shift_left3A_662 : i32 to vector<512x256xi32>
    %shift_left3A_664 = arith.shli %add3A_660, %shift_left3A_663 : vector<512x256xi32>
    %shift_right_logical3A_665 = arith.constant 15 : i32
    %shift_right_logical3A_666 = vector.broadcast %shift_right_logical3A_665 : i32 to vector<512x256xi32>
    %shift_right_logical3A_667 = arith.shrui %add3A_660, %shift_right_logical3A_666 : vector<512x256xi32>
    %or3A_668 = arith.ori %shift_left3A_664, %shift_right_logical3A_667 : vector<512x256xi32>
    %xor3A_669 = arith.xori %add3A_661, %or3A_668 : vector<512x256xi32>
    %add3A_670 = arith.addi %add3A_661, %xor3A_669 : vector<512x256xi32>
    %shift_left3A_671 = arith.constant 29 : i32
    %shift_left3A_672 = vector.broadcast %shift_left3A_671 : i32 to vector<512x256xi32>
    %shift_left3A_673 = arith.shli %xor3A_669, %shift_left3A_672 : vector<512x256xi32>
    %shift_right_logical3A_674 = arith.constant 3 : i32
    %shift_right_logical3A_675 = vector.broadcast %shift_right_logical3A_674 : i32 to vector<512x256xi32>
    %shift_right_logical3A_676 = arith.shrui %xor3A_669, %shift_right_logical3A_675 : vector<512x256xi32>
    %or3A_677 = arith.ori %shift_left3A_673, %shift_right_logical3A_676 : vector<512x256xi32>
    %xor3A_678 = arith.xori %add3A_670, %or3A_677 : vector<512x256xi32>
    %add3A_679 = arith.addi %add3A_670, %xor3A_678 : vector<512x256xi32>
    %shift_left3A_680 = arith.constant 16 : i32
    %shift_left3A_681 = vector.broadcast %shift_left3A_680 : i32 to vector<512x256xi32>
    %shift_left3A_682 = arith.shli %xor3A_678, %shift_left3A_681 : vector<512x256xi32>
    %shift_right_logical3A_683 = arith.constant 16 : i32
    %shift_right_logical3A_684 = vector.broadcast %shift_right_logical3A_683 : i32 to vector<512x256xi32>
    %shift_right_logical3A_685 = arith.shrui %xor3A_678, %shift_right_logical3A_684 : vector<512x256xi32>
    %or3A_686 = arith.ori %shift_left3A_682, %shift_right_logical3A_685 : vector<512x256xi32>
    %xor3A_687 = arith.xori %add3A_679, %or3A_686 : vector<512x256xi32>
    %add3A_688 = arith.addi %add3A_679, %xor3A_687 : vector<512x256xi32>
    %shift_left3A_689 = arith.constant 24 : i32
    %shift_left3A_690 = vector.broadcast %shift_left3A_689 : i32 to vector<512x256xi32>
    %shift_left3A_691 = arith.shli %xor3A_687, %shift_left3A_690 : vector<512x256xi32>
    %shift_right_logical3A_692 = arith.constant 8 : i32
    %shift_right_logical3A_693 = vector.broadcast %shift_right_logical3A_692 : i32 to vector<512x256xi32>
    %shift_right_logical3A_694 = arith.shrui %xor3A_687, %shift_right_logical3A_693 : vector<512x256xi32>
    %or3A_695 = arith.ori %shift_left3A_691, %shift_right_logical3A_694 : vector<512x256xi32>
    %xor3A_696 = arith.xori %add3A_688, %or3A_695 : vector<512x256xi32>
    %add3A_697 = arith.constant 270669613 : i32
    %add3A_698 = vector.broadcast %add3A_697 : i32 to vector<512x256xi32>
    %add3A_699 = arith.addi %add3A_688, %add3A_698 : vector<512x256xi32>
    %add3A_700 = arith.constant 1724713084 : i32
    %add3A_701 = vector.broadcast %add3A_700 : i32 to vector<512x256xi32>
    %add3A_702 = arith.addi %xor3A_696, %add3A_701 : vector<512x256xi32>
    %add3A_703 = arith.addi %add3A_699, %add3A_702 : vector<512x256xi32>
    %shift_left3A_704 = arith.constant 13 : i32
    %shift_left3A_705 = vector.broadcast %shift_left3A_704 : i32 to vector<512x256xi32>
    %shift_left3A_706 = arith.shli %add3A_702, %shift_left3A_705 : vector<512x256xi32>
    %shift_right_logical3A_707 = arith.constant 19 : i32
    %shift_right_logical3A_708 = vector.broadcast %shift_right_logical3A_707 : i32 to vector<512x256xi32>
    %shift_right_logical3A_709 = arith.shrui %add3A_702, %shift_right_logical3A_708 : vector<512x256xi32>
    %or3A_710 = arith.ori %shift_left3A_706, %shift_right_logical3A_709 : vector<512x256xi32>
    %xor3A_711 = arith.xori %add3A_703, %or3A_710 : vector<512x256xi32>
    %add3A_712 = arith.addi %add3A_703, %xor3A_711 : vector<512x256xi32>
    %shift_left3A_713 = arith.constant 15 : i32
    %shift_left3A_714 = vector.broadcast %shift_left3A_713 : i32 to vector<512x256xi32>
    %shift_left3A_715 = arith.shli %xor3A_711, %shift_left3A_714 : vector<512x256xi32>
    %shift_right_logical3A_716 = arith.constant 17 : i32
    %shift_right_logical3A_717 = vector.broadcast %shift_right_logical3A_716 : i32 to vector<512x256xi32>
    %shift_right_logical3A_718 = arith.shrui %xor3A_711, %shift_right_logical3A_717 : vector<512x256xi32>
    %or3A_719 = arith.ori %shift_left3A_715, %shift_right_logical3A_718 : vector<512x256xi32>
    %xor3A_720 = arith.xori %add3A_712, %or3A_719 : vector<512x256xi32>
    %add3A_721 = arith.addi %add3A_712, %xor3A_720 : vector<512x256xi32>
    %shift_left3A_722 = arith.constant 26 : i32
    %shift_left3A_723 = vector.broadcast %shift_left3A_722 : i32 to vector<512x256xi32>
    %shift_left3A_724 = arith.shli %xor3A_720, %shift_left3A_723 : vector<512x256xi32>
    %shift_right_logical3A_725 = arith.constant 6 : i32
    %shift_right_logical3A_726 = vector.broadcast %shift_right_logical3A_725 : i32 to vector<512x256xi32>
    %shift_right_logical3A_727 = arith.shrui %xor3A_720, %shift_right_logical3A_726 : vector<512x256xi32>
    %or3A_728 = arith.ori %shift_left3A_724, %shift_right_logical3A_727 : vector<512x256xi32>
    %xor3A_729 = arith.xori %add3A_721, %or3A_728 : vector<512x256xi32>
    %add3A_730 = arith.addi %add3A_721, %xor3A_729 : vector<512x256xi32>
    %shift_left3A_731 = arith.constant 6 : i32
    %shift_left3A_732 = vector.broadcast %shift_left3A_731 : i32 to vector<512x256xi32>
    %shift_left3A_733 = arith.shli %xor3A_729, %shift_left3A_732 : vector<512x256xi32>
    %shift_right_logical3A_734 = arith.constant 26 : i32
    %shift_right_logical3A_735 = vector.broadcast %shift_right_logical3A_734 : i32 to vector<512x256xi32>
    %shift_right_logical3A_736 = arith.shrui %xor3A_729, %shift_right_logical3A_735 : vector<512x256xi32>
    %or3A_737 = arith.ori %shift_left3A_733, %shift_right_logical3A_736 : vector<512x256xi32>
    %xor3A_738 = arith.xori %add3A_730, %or3A_737 : vector<512x256xi32>
    %add3A_739 = arith.constant 1724713080 : i32
    %add3A_740 = vector.broadcast %add3A_739 : i32 to vector<512x256xi32>
    %add3A_741 = arith.addi %add3A_730, %add3A_740 : vector<512x256xi32>
    %add3A_742 = arith.constant 1832780948 : i32
    %add3A_743 = vector.broadcast %add3A_742 : i32 to vector<512x256xi32>
    %add3A_744 = arith.addi %xor3A_738, %add3A_743 : vector<512x256xi32>
    %xor3A_745 = arith.xori %add3A_741, %add3A_744 : vector<512x256xi32>
    %shift_right_logical3A_746 = arith.constant 9 : i32
    %shift_right_logical3A_747 = vector.broadcast %shift_right_logical3A_746 : i32 to vector<512x256xi32>
    %shift_right_logical3A_748 = arith.shrui %xor3A_745, %shift_right_logical3A_747 : vector<512x256xi32>
    %or3A_749 = arith.constant 1065353216 : i32
    %or3A_750 = vector.broadcast %or3A_749 : i32 to vector<512x256xi32>
    %or3A_751 = arith.ori %shift_right_logical3A_748, %or3A_750 : vector<512x256xi32>
    %bitcast_convert_type3A_752 = tpu.bitcast %or3A_751 : vector<512x256xi32> -> vector<512x256xf32>
    %sub3A_753 = arith.constant 1.000000e+00 : f32
    %sub3A_754 = vector.broadcast %sub3A_753 : f32 to vector<512x256xf32>
    %sub3A_755 = arith.subf %bitcast_convert_type3A_752, %sub3A_754 : vector<512x256xf32>
    %add3A_756 = arith.constant 1.17549435E-38 : f32
    %add3A_757 = vector.broadcast %add3A_756 : f32 to vector<512x256xf32>
    %add3A_758 = arith.addf %sub3A_755, %add3A_757 : vector<512x256xf32>
    %max3A_759 = arith.constant 1.17549435E-38 : f32
    %max3A_760 = vector.broadcast %max3A_759 : f32 to vector<512x256xf32>
    %max3A_761 = arith.maximumf %max3A_760, %add3A_758 : vector<512x256xf32>
    %log3A_762 = math.log %max3A_761 : vector<512x256xf32>
    %neg3A_763 = arith.constant 0.000000e+00 : f32
    %neg3A_764 = vector.broadcast %neg3A_763 : f32 to vector<512x256xf32>
    %neg3A_765 = arith.subf %neg3A_764, %log3A_762 : vector<512x256xf32>
    %log3A_766 = math.log %neg3A_765 : vector<512x256xf32>
    %neg3A_767 = arith.constant 0.000000e+00 : f32
    %neg3A_768 = vector.broadcast %neg3A_767 : f32 to vector<512x256xf32>
    %neg3A_769 = arith.subf %neg3A_768, %log3A_766 : vector<512x256xf32>
    %add3A_770 = arith.addf %neg3A_769, %sub3A_24 : vector<512x256xf32>
    %reduce_max3A_771 = arith.constant dense<0xFF800000> : vector<512xf32>
    %reduce_max3A_772 = vector.multi_reduction <maximumf>, %add3A_770, %reduce_max3A_771 [1] : vector<512x256xf32> to vector<512xf32>
    %broadcast_in_dim3A_773 = vector.shape_cast %reduce_max3A_772 : vector<512xf32> to vector<512x1xf32>
    %eq3A_774 = vector.broadcast %broadcast_in_dim3A_773 : vector<512x1xf32> to vector<512x256xf32>
    %eq3A_775 = arith.cmpf oeq, %add3A_770, %eq3A_774 : vector<512x256xf32>
    %jit3A_776 = arith.constant 256 : i32
    %broadcast_in_dim3A_777 = vector.broadcast %jit3A_776 : i32 to vector<512x256xi32>
    %select_n3A_778 = arith.select %eq3A_775, %iota3A_15, %broadcast_in_dim3A_777 : vector<512x256xi1>, vector<512x256xi32>
    %reduce_min3A_779 = arith.constant dense<2147483647> : vector<512xi32>
    %reduce_min3A_780 = vector.multi_reduction <minsi>, %select_n3A_778, %reduce_min3A_779 [1] : vector<512x256xi32> to vector<512xi32>
    %broadcast_in_dim3A_781 = vector.shape_cast %reduce_min3A_780 : vector<512xi32> to vector<512x1xi32>
    %swap3A_782 = arith.constant 0 : index
    %swap3A_783 = arith.constant 6 : index
    %swap3A_784 = vector.load %arg6[%swap3A_782, %swap3A_783] : memref<512x128xi32, #tpu.memory_space<vmem>>, vector<512x1xi32>
    tpu.vector_store %arg6[%swap3A_782, %swap3A_783], %broadcast_in_dim3A_781 {strides = array<i32>} : memref<512x128xi32, #tpu.memory_space<vmem>>, vector<512x1xi32>,
    %get3A_785 = arith.constant 0 : index
    %get3A_786 = arith.constant 0 : index
    %get3A_787 = vector.load %arg7[%get3A_785, %get3A_786] : memref<2x256xf32, #tpu.memory_space<vmem>>, vector<1x256xf32>
    %mul3A_788 = vector.broadcast %get3A_787 : vector<1x256xf32> to vector<512x256xf32>
    %mul3A_789 = arith.mulf %add3A_12, %mul3A_788 : vector<512x256xf32>
    %reduce_sum3A = arith.constant dense<0.000000e+00> : vector<512xf32>
    %reduce_sum3A_790 = vector.multi_reduction <add>, %mul3A_789, %reduce_sum3A [1] : vector<512x256xf32> to vector<512xf32>
    %broadcast_in_dim3A_791 = vector.shape_cast %reduce_sum3A_790 : vector<512xf32> to vector<512x1xf32>
    %mul3A_792 = arith.constant 1.000000e+00 : f32
    %mul3A_793 = vector.broadcast %mul3A_792 : f32 to vector<512x1xf32>
    %mul3A_794 = arith.mulf %mul3A_793, %broadcast_in_dim3A_791 : vector<512x1xf32>
    %sub3A_795 = vector.broadcast %mul3A_794 : vector<512x1xf32> to vector<512x256xf32>
    %sub3A_796 = arith.subf %add3A_12, %sub3A_795 : vector<512x256xf32>
    %add3A_797 = arith.constant 0 : i32
    %add3A_798 = vector.broadcast %add3A_797 : i32 to vector<512x256xi32>
    %add3A_799 = arith.addi %add3A_19, %add3A_798 : vector<512x256xi32>
    %broadcast_in_dim3A_800 = arith.constant 64467757 : i32
    %broadcast_in_dim3A_801 = vector.broadcast %broadcast_in_dim3A_800 : i32 to vector<512x256xi32>
    %add3A_802 = arith.constant -1378843660 : i32
    %add3A_803 = vector.broadcast %add3A_802 : i32 to vector<512x256xi32>
    %add3A_804 = arith.addi %add3A_799, %add3A_803 : vector<512x256xi32>
    %add3A_805 = arith.addi %broadcast_in_dim3A_801, %add3A_804 : vector<512x256xi32>
    %shift_left3A_806 = arith.constant 13 : i32
    %shift_left3A_807 = vector.broadcast %shift_left3A_806 : i32 to vector<512x256xi32>
    %shift_left3A_808 = arith.shli %add3A_804, %shift_left3A_807 : vector<512x256xi32>
    %shift_right_logical3A_809 = arith.constant 19 : i32
    %shift_right_logical3A_810 = vector.broadcast %shift_right_logical3A_809 : i32 to vector<512x256xi32>
    %shift_right_logical3A_811 = arith.shrui %add3A_804, %shift_right_logical3A_810 : vector<512x256xi32>
    %or3A_812 = arith.ori %shift_left3A_808, %shift_right_logical3A_811 : vector<512x256xi32>
    %xor3A_813 = arith.xori %add3A_805, %or3A_812 : vector<512x256xi32>
    %add3A_814 = arith.addi %add3A_805, %xor3A_813 : vector<512x256xi32>
    %shift_left3A_815 = arith.constant 15 : i32
    %shift_left3A_816 = vector.broadcast %shift_left3A_815 : i32 to vector<512x256xi32>
    %shift_left3A_817 = arith.shli %xor3A_813, %shift_left3A_816 : vector<512x256xi32>
    %shift_right_logical3A_818 = arith.constant 17 : i32
    %shift_right_logical3A_819 = vector.broadcast %shift_right_logical3A_818 : i32 to vector<512x256xi32>
    %shift_right_logical3A_820 = arith.shrui %xor3A_813, %shift_right_logical3A_819 : vector<512x256xi32>
    %or3A_821 = arith.ori %shift_left3A_817, %shift_right_logical3A_820 : vector<512x256xi32>
    %xor3A_822 = arith.xori %add3A_814, %or3A_821 : vector<512x256xi32>
    %add3A_823 = arith.addi %add3A_814, %xor3A_822 : vector<512x256xi32>
    %shift_left3A_824 = arith.constant 26 : i32
    %shift_left3A_825 = vector.broadcast %shift_left3A_824 : i32 to vector<512x256xi32>
    %shift_left3A_826 = arith.shli %xor3A_822, %shift_left3A_825 : vector<512x256xi32>
    %shift_right_logical3A_827 = arith.constant 6 : i32
    %shift_right_logical3A_828 = vector.broadcast %shift_right_logical3A_827 : i32 to vector<512x256xi32>
    %shift_right_logical3A_829 = arith.shrui %xor3A_822, %shift_right_logical3A_828 : vector<512x256xi32>
    %or3A_830 = arith.ori %shift_left3A_826, %shift_right_logical3A_829 : vector<512x256xi32>
    %xor3A_831 = arith.xori %add3A_823, %or3A_830 : vector<512x256xi32>
    %add3A_832 = arith.addi %add3A_823, %xor3A_831 : vector<512x256xi32>
    %shift_left3A_833 = arith.constant 6 : i32
    %shift_left3A_834 = vector.broadcast %shift_left3A_833 : i32 to vector<512x256xi32>
    %shift_left3A_835 = arith.shli %xor3A_831, %shift_left3A_834 : vector<512x256xi32>
    %shift_right_logical3A_836 = arith.constant 26 : i32
    %shift_right_logical3A_837 = vector.broadcast %shift_right_logical3A_836 : i32 to vector<512x256xi32>
    %shift_right_logical3A_838 = arith.shrui %xor3A_831, %shift_right_logical3A_837 : vector<512x256xi32>
    %or3A_839 = arith.ori %shift_left3A_835, %shift_right_logical3A_838 : vector<512x256xi32>
    %xor3A_840 = arith.xori %add3A_832, %or3A_839 : vector<512x256xi32>
    %add3A_841 = arith.constant -1378843660 : i32
    %add3A_842 = vector.broadcast %add3A_841 : i32 to vector<512x256xi32>
    %add3A_843 = arith.addi %add3A_832, %add3A_842 : vector<512x256xi32>
    %add3A_844 = arith.constant -1244255484 : i32
    %add3A_845 = vector.broadcast %add3A_844 : i32 to vector<512x256xi32>
    %add3A_846 = arith.addi %xor3A_840, %add3A_845 : vector<512x256xi32>
    %add3A_847 = arith.addi %add3A_843, %add3A_846 : vector<512x256xi32>
    %shift_left3A_848 = arith.constant 17 : i32
    %shift_left3A_849 = vector.broadcast %shift_left3A_848 : i32 to vector<512x256xi32>
    %shift_left3A_850 = arith.shli %add3A_846, %shift_left3A_849 : vector<512x256xi32>
    %shift_right_logical3A_851 = arith.constant 15 : i32
    %shift_right_logical3A_852 = vector.broadcast %shift_right_logical3A_851 : i32 to vector<512x256xi32>
    %shift_right_logical3A_853 = arith.shrui %add3A_846, %shift_right_logical3A_852 : vector<512x256xi32>
    %or3A_854 = arith.ori %shift_left3A_850, %shift_right_logical3A_853 : vector<512x256xi32>
    %xor3A_855 = arith.xori %add3A_847, %or3A_854 : vector<512x256xi32>
    %add3A_856 = arith.addi %add3A_847, %xor3A_855 : vector<512x256xi32>
    %shift_left3A_857 = arith.constant 29 : i32
    %shift_left3A_858 = vector.broadcast %shift_left3A_857 : i32 to vector<512x256xi32>
    %shift_left3A_859 = arith.shli %xor3A_855, %shift_left3A_858 : vector<512x256xi32>
    %shift_right_logical3A_860 = arith.constant 3 : i32
    %shift_right_logical3A_861 = vector.broadcast %shift_right_logical3A_860 : i32 to vector<512x256xi32>
    %shift_right_logical3A_862 = arith.shrui %xor3A_855, %shift_right_logical3A_861 : vector<512x256xi32>
    %or3A_863 = arith.ori %shift_left3A_859, %shift_right_logical3A_862 : vector<512x256xi32>
    %xor3A_864 = arith.xori %add3A_856, %or3A_863 : vector<512x256xi32>
    %add3A_865 = arith.addi %add3A_856, %xor3A_864 : vector<512x256xi32>
    %shift_left3A_866 = arith.constant 16 : i32
    %shift_left3A_867 = vector.broadcast %shift_left3A_866 : i32 to vector<512x256xi32>
    %shift_left3A_868 = arith.shli %xor3A_864, %shift_left3A_867 : vector<512x256xi32>
    %shift_right_logical3A_869 = arith.constant 16 : i32
    %shift_right_logical3A_870 = vector.broadcast %shift_right_logical3A_869 : i32 to vector<512x256xi32>
    %shift_right_logical3A_871 = arith.shrui %xor3A_864, %shift_right_logical3A_870 : vector<512x256xi32>
    %or3A_872 = arith.ori %shift_left3A_868, %shift_right_logical3A_871 : vector<512x256xi32>
    %xor3A_873 = arith.xori %add3A_865, %or3A_872 : vector<512x256xi32>
    %add3A_874 = arith.addi %add3A_865, %xor3A_873 : vector<512x256xi32>
    %shift_left3A_875 = arith.constant 24 : i32
    %shift_left3A_876 = vector.broadcast %shift_left3A_875 : i32 to vector<512x256xi32>
    %shift_left3A_877 = arith.shli %xor3A_873, %shift_left3A_876 : vector<512x256xi32>
    %shift_right_logical3A_878 = arith.constant 8 : i32
    %shift_right_logical3A_879 = vector.broadcast %shift_right_logical3A_878 : i32 to vector<512x256xi32>
    %shift_right_logical3A_880 = arith.shrui %xor3A_873, %shift_right_logical3A_879 : vector<512x256xi32>
    %or3A_881 = arith.ori %shift_left3A_877, %shift_right_logical3A_880 : vector<512x256xi32>
    %xor3A_882 = arith.xori %add3A_874, %or3A_881 : vector<512x256xi32>
    %add3A_883 = arith.constant -1244255485 : i32
    %add3A_884 = vector.broadcast %add3A_883 : i32 to vector<512x256xi32>
    %add3A_885 = arith.addi %add3A_874, %add3A_884 : vector<512x256xi32>
    %add3A_886 = arith.constant 64467759 : i32
    %add3A_887 = vector.broadcast %add3A_886 : i32 to vector<512x256xi32>
    %add3A_888 = arith.addi %xor3A_882, %add3A_887 : vector<512x256xi32>
    %add3A_889 = arith.addi %add3A_885, %add3A_888 : vector<512x256xi32>
    %shift_left3A_890 = arith.constant 13 : i32
    %shift_left3A_891 = vector.broadcast %shift_left3A_890 : i32 to vector<512x256xi32>
    %shift_left3A_892 = arith.shli %add3A_888, %shift_left3A_891 : vector<512x256xi32>
    %shift_right_logical3A_893 = arith.constant 19 : i32
    %shift_right_logical3A_894 = vector.broadcast %shift_right_logical3A_893 : i32 to vector<512x256xi32>
    %shift_right_logical3A_895 = arith.shrui %add3A_888, %shift_right_logical3A_894 : vector<512x256xi32>
    %or3A_896 = arith.ori %shift_left3A_892, %shift_right_logical3A_895 : vector<512x256xi32>
    %xor3A_897 = arith.xori %add3A_889, %or3A_896 : vector<512x256xi32>
    %add3A_898 = arith.addi %add3A_889, %xor3A_897 : vector<512x256xi32>
    %shift_left3A_899 = arith.constant 15 : i32
    %shift_left3A_900 = vector.broadcast %shift_left3A_899 : i32 to vector<512x256xi32>
    %shift_left3A_901 = arith.shli %xor3A_897, %shift_left3A_900 : vector<512x256xi32>
    %shift_right_logical3A_902 = arith.constant 17 : i32
    %shift_right_logical3A_903 = vector.broadcast %shift_right_logical3A_902 : i32 to vector<512x256xi32>
    %shift_right_logical3A_904 = arith.shrui %xor3A_897, %shift_right_logical3A_903 : vector<512x256xi32>
    %or3A_905 = arith.ori %shift_left3A_901, %shift_right_logical3A_904 : vector<512x256xi32>
    %xor3A_906 = arith.xori %add3A_898, %or3A_905 : vector<512x256xi32>
    %add3A_907 = arith.addi %add3A_898, %xor3A_906 : vector<512x256xi32>
    %shift_left3A_908 = arith.constant 26 : i32
    %shift_left3A_909 = vector.broadcast %shift_left3A_908 : i32 to vector<512x256xi32>
    %shift_left3A_910 = arith.shli %xor3A_906, %shift_left3A_909 : vector<512x256xi32>
    %shift_right_logical3A_911 = arith.constant 6 : i32
    %shift_right_logical3A_912 = vector.broadcast %shift_right_logical3A_911 : i32 to vector<512x256xi32>
    %shift_right_logical3A_913 = arith.shrui %xor3A_906, %shift_right_logical3A_912 : vector<512x256xi32>
    %or3A_914 = arith.ori %shift_left3A_910, %shift_right_logical3A_913 : vector<512x256xi32>
    %xor3A_915 = arith.xori %add3A_907, %or3A_914 : vector<512x256xi32>
    %add3A_916 = arith.addi %add3A_907, %xor3A_915 : vector<512x256xi32>
    %shift_left3A_917 = arith.constant 6 : i32
    %shift_left3A_918 = vector.broadcast %shift_left3A_917 : i32 to vector<512x256xi32>
    %shift_left3A_919 = arith.shli %xor3A_915, %shift_left3A_918 : vector<512x256xi32>
    %shift_right_logical3A_920 = arith.constant 26 : i32
    %shift_right_logical3A_921 = vector.broadcast %shift_right_logical3A_920 : i32 to vector<512x256xi32>
    %shift_right_logical3A_922 = arith.shrui %xor3A_915, %shift_right_logical3A_921 : vector<512x256xi32>
    %or3A_923 = arith.ori %shift_left3A_919, %shift_right_logical3A_922 : vector<512x256xi32>
    %xor3A_924 = arith.xori %add3A_916, %or3A_923 : vector<512x256xi32>
    %add3A_925 = arith.constant 64467757 : i32
    %add3A_926 = vector.broadcast %add3A_925 : i32 to vector<512x256xi32>
    %add3A_927 = arith.addi %add3A_916, %add3A_926 : vector<512x256xi32>
    %add3A_928 = arith.constant -1378843657 : i32
    %add3A_929 = vector.broadcast %add3A_928 : i32 to vector<512x256xi32>
    %add3A_930 = arith.addi %xor3A_924, %add3A_929 : vector<512x256xi32>
    %add3A_931 = arith.addi %add3A_927, %add3A_930 : vector<512x256xi32>
    %shift_left3A_932 = arith.constant 17 : i32
    %shift_left3A_933 = vector.broadcast %shift_left3A_932 : i32 to vector<512x256xi32>
    %shift_left3A_934 = arith.shli %add3A_930, %shift_left3A_933 : vector<512x256xi32>
    %shift_right_logical3A_935 = arith.constant 15 : i32
    %shift_right_logical3A_936 = vector.broadcast %shift_right_logical3A_935 : i32 to vector<512x256xi32>
    %shift_right_logical3A_937 = arith.shrui %add3A_930, %shift_right_logical3A_936 : vector<512x256xi32>
    %or3A_938 = arith.ori %shift_left3A_934, %shift_right_logical3A_937 : vector<512x256xi32>
    %xor3A_939 = arith.xori %add3A_931, %or3A_938 : vector<512x256xi32>
    %add3A_940 = arith.addi %add3A_931, %xor3A_939 : vector<512x256xi32>
    %shift_left3A_941 = arith.constant 29 : i32
    %shift_left3A_942 = vector.broadcast %shift_left3A_941 : i32 to vector<512x256xi32>
    %shift_left3A_943 = arith.shli %xor3A_939, %shift_left3A_942 : vector<512x256xi32>
    %shift_right_logical3A_944 = arith.constant 3 : i32
    %shift_right_logical3A_945 = vector.broadcast %shift_right_logical3A_944 : i32 to vector<512x256xi32>
    %shift_right_logical3A_946 = arith.shrui %xor3A_939, %shift_right_logical3A_945 : vector<512x256xi32>
    %or3A_947 = arith.ori %shift_left3A_943, %shift_right_logical3A_946 : vector<512x256xi32>
    %xor3A_948 = arith.xori %add3A_940, %or3A_947 : vector<512x256xi32>
    %add3A_949 = arith.addi %add3A_940, %xor3A_948 : vector<512x256xi32>
    %shift_left3A_950 = arith.constant 16 : i32
    %shift_left3A_951 = vector.broadcast %shift_left3A_950 : i32 to vector<512x256xi32>
    %shift_left3A_952 = arith.shli %xor3A_948, %shift_left3A_951 : vector<512x256xi32>
    %shift_right_logical3A_953 = arith.constant 16 : i32
    %shift_right_logical3A_954 = vector.broadcast %shift_right_logical3A_953 : i32 to vector<512x256xi32>
    %shift_right_logical3A_955 = arith.shrui %xor3A_948, %shift_right_logical3A_954 : vector<512x256xi32>
    %or3A_956 = arith.ori %shift_left3A_952, %shift_right_logical3A_955 : vector<512x256xi32>
    %xor3A_957 = arith.xori %add3A_949, %or3A_956 : vector<512x256xi32>
    %add3A_958 = arith.addi %add3A_949, %xor3A_957 : vector<512x256xi32>
    %shift_left3A_959 = arith.constant 24 : i32
    %shift_left3A_960 = vector.broadcast %shift_left3A_959 : i32 to vector<512x256xi32>
    %shift_left3A_961 = arith.shli %xor3A_957, %shift_left3A_960 : vector<512x256xi32>
    %shift_right_logical3A_962 = arith.constant 8 : i32
    %shift_right_logical3A_963 = vector.broadcast %shift_right_logical3A_962 : i32 to vector<512x256xi32>
    %shift_right_logical3A_964 = arith.shrui %xor3A_957, %shift_right_logical3A_963 : vector<512x256xi32>
    %or3A_965 = arith.ori %shift_left3A_961, %shift_right_logical3A_964 : vector<512x256xi32>
    %xor3A_966 = arith.xori %add3A_958, %or3A_965 : vector<512x256xi32>
    %add3A_967 = arith.constant -1378843660 : i32
    %add3A_968 = vector.broadcast %add3A_967 : i32 to vector<512x256xi32>
    %add3A_969 = arith.addi %add3A_958, %add3A_968 : vector<512x256xi32>
    %add3A_970 = arith.constant -1244255481 : i32
    %add3A_971 = vector.broadcast %add3A_970 : i32 to vector<512x256xi32>
    %add3A_972 = arith.addi %xor3A_966, %add3A_971 : vector<512x256xi32>
    %add3A_973 = arith.addi %add3A_969, %add3A_972 : vector<512x256xi32>
    %shift_left3A_974 = arith.constant 13 : i32
    %shift_left3A_975 = vector.broadcast %shift_left3A_974 : i32 to vector<512x256xi32>
    %shift_left3A_976 = arith.shli %add3A_972, %shift_left3A_975 : vector<512x256xi32>
    %shift_right_logical3A_977 = arith.constant 19 : i32
    %shift_right_logical3A_978 = vector.broadcast %shift_right_logical3A_977 : i32 to vector<512x256xi32>
    %shift_right_logical3A_979 = arith.shrui %add3A_972, %shift_right_logical3A_978 : vector<512x256xi32>
    %or3A_980 = arith.ori %shift_left3A_976, %shift_right_logical3A_979 : vector<512x256xi32>
    %xor3A_981 = arith.xori %add3A_973, %or3A_980 : vector<512x256xi32>
    %add3A_982 = arith.addi %add3A_973, %xor3A_981 : vector<512x256xi32>
    %shift_left3A_983 = arith.constant 15 : i32
    %shift_left3A_984 = vector.broadcast %shift_left3A_983 : i32 to vector<512x256xi32>
    %shift_left3A_985 = arith.shli %xor3A_981, %shift_left3A_984 : vector<512x256xi32>
    %shift_right_logical3A_986 = arith.constant 17 : i32
    %shift_right_logical3A_987 = vector.broadcast %shift_right_logical3A_986 : i32 to vector<512x256xi32>
    %shift_right_logical3A_988 = arith.shrui %xor3A_981, %shift_right_logical3A_987 : vector<512x256xi32>
    %or3A_989 = arith.ori %shift_left3A_985, %shift_right_logical3A_988 : vector<512x256xi32>
    %xor3A_990 = arith.xori %add3A_982, %or3A_989 : vector<512x256xi32>
    %add3A_991 = arith.addi %add3A_982, %xor3A_990 : vector<512x256xi32>
    %shift_left3A_992 = arith.constant 26 : i32
    %shift_left3A_993 = vector.broadcast %shift_left3A_992 : i32 to vector<512x256xi32>
    %shift_left3A_994 = arith.shli %xor3A_990, %shift_left3A_993 : vector<512x256xi32>
    %shift_right_logical3A_995 = arith.constant 6 : i32
    %shift_right_logical3A_996 = vector.broadcast %shift_right_logical3A_995 : i32 to vector<512x256xi32>
    %shift_right_logical3A_997 = arith.shrui %xor3A_990, %shift_right_logical3A_996 : vector<512x256xi32>
    %or3A_998 = arith.ori %shift_left3A_994, %shift_right_logical3A_997 : vector<512x256xi32>
    %xor3A_999 = arith.xori %add3A_991, %or3A_998 : vector<512x256xi32>
    %add3A_1000 = arith.addi %add3A_991, %xor3A_999 : vector<512x256xi32>
    %shift_left3A_1001 = arith.constant 6 : i32
    %shift_left3A_1002 = vector.broadcast %shift_left3A_1001 : i32 to vector<512x256xi32>
    %shift_left3A_1003 = arith.shli %xor3A_999, %shift_left3A_1002 : vector<512x256xi32>
    %shift_right_logical3A_1004 = arith.constant 26 : i32
    %shift_right_logical3A_1005 = vector.broadcast %shift_right_logical3A_1004 : i32 to vector<512x256xi32>
    %shift_right_logical3A_1006 = arith.shrui %xor3A_999, %shift_right_logical3A_1005 : vector<512x256xi32>
    %or3A_1007 = arith.ori %shift_left3A_1003, %shift_right_logical3A_1006 : vector<512x256xi32>
    %xor3A_1008 = arith.xori %add3A_1000, %or3A_1007 : vector<512x256xi32>
    %add3A_1009 = arith.constant -1244255485 : i32
    %add3A_1010 = vector.broadcast %add3A_1009 : i32 to vector<512x256xi32>
    %add3A_1011 = arith.addi %add3A_1000, %add3A_1010 : vector<512x256xi32>
    %add3A_1012 = arith.constant 64467762 : i32
    %add3A_1013 = vector.broadcast %add3A_1012 : i32 to vector<512x256xi32>
    %add3A_1014 = arith.addi %xor3A_1008, %add3A_1013 : vector<512x256xi32>
    %xor3A_1015 = arith.xori %add3A_1011, %add3A_1014 : vector<512x256xi32>
    %shift_right_logical3A_1016 = arith.constant 9 : i32
    %shift_right_logical3A_1017 = vector.broadcast %shift_right_logical3A_1016 : i32 to vector<512x256xi32>
    %shift_right_logical3A_1018 = arith.shrui %xor3A_1015, %shift_right_logical3A_1017 : vector<512x256xi32>
    %or3A_1019 = arith.constant 1065353216 : i32
    %or3A_1020 = vector.broadcast %or3A_1019 : i32 to vector<512x256xi32>
    %or3A_1021 = arith.ori %shift_right_logical3A_1018, %or3A_1020 : vector<512x256xi32>
    %bitcast_convert_type3A_1022 = tpu.bitcast %or3A_1021 : vector<512x256xi32> -> vector<512x256xf32>
    %sub3A_1023 = arith.constant 1.000000e+00 : f32
    %sub3A_1024 = vector.broadcast %sub3A_1023 : f32 to vector<512x256xf32>
    %sub3A_1025 = arith.subf %bitcast_convert_type3A_1022, %sub3A_1024 : vector<512x256xf32>
    %add3A_1026 = arith.constant 1.17549435E-38 : f32
    %add3A_1027 = vector.broadcast %add3A_1026 : f32 to vector<512x256xf32>
    %add3A_1028 = arith.addf %sub3A_1025, %add3A_1027 : vector<512x256xf32>
    %max3A_1029 = arith.constant 1.17549435E-38 : f32
    %max3A_1030 = vector.broadcast %max3A_1029 : f32 to vector<512x256xf32>
    %max3A_1031 = arith.maximumf %max3A_1030, %add3A_1028 : vector<512x256xf32>
    %log3A_1032 = math.log %max3A_1031 : vector<512x256xf32>
    %neg3A_1033 = arith.constant 0.000000e+00 : f32
    %neg3A_1034 = vector.broadcast %neg3A_1033 : f32 to vector<512x256xf32>
    %neg3A_1035 = arith.subf %neg3A_1034, %log3A_1032 : vector<512x256xf32>
    %log3A_1036 = math.log %neg3A_1035 : vector<512x256xf32>
    %neg3A_1037 = arith.constant 0.000000e+00 : f32
    %neg3A_1038 = vector.broadcast %neg3A_1037 : f32 to vector<512x256xf32>
    %neg3A_1039 = arith.subf %neg3A_1038, %log3A_1036 : vector<512x256xf32>
    %add3A_1040 = arith.addf %neg3A_1039, %sub3A_796 : vector<512x256xf32>
    %reduce_max3A_1041 = arith.constant dense<0xFF800000> : vector<512xf32>
    %reduce_max3A_1042 = vector.multi_reduction <maximumf>, %add3A_1040, %reduce_max3A_1041 [1] : vector<512x256xf32> to vector<512xf32>
    %broadcast_in_dim3A_1043 = vector.shape_cast %reduce_max3A_1042 : vector<512xf32> to vector<512x1xf32>
    %eq3A_1044 = vector.broadcast %broadcast_in_dim3A_1043 : vector<512x1xf32> to vector<512x256xf32>
    %eq3A_1045 = arith.cmpf oeq, %add3A_1040, %eq3A_1044 : vector<512x256xf32>
    %jit3A_1046 = arith.constant 256 : i32
    %broadcast_in_dim3A_1047 = vector.broadcast %jit3A_1046 : i32 to vector<512x256xi32>
    %select_n3A_1048 = arith.select %eq3A_1045, %iota3A_15, %broadcast_in_dim3A_1047 : vector<512x256xi1>, vector<512x256xi32>
    %reduce_min3A_1049 = arith.constant dense<2147483647> : vector<512xi32>
    %reduce_min3A_1050 = vector.multi_reduction <minsi>, %select_n3A_1048, %reduce_min3A_1049 [1] : vector<512x256xi32> to vector<512xi32>
    %broadcast_in_dim3A_1051 = vector.shape_cast %reduce_min3A_1050 : vector<512xi32> to vector<512x1xi32>
    %swap3A_1052 = arith.constant 0 : index
    %swap3A_1053 = arith.constant 1 : index
    %swap3A_1054 = vector.load %arg6[%swap3A_1052, %swap3A_1053] : memref<512x128xi32, #tpu.memory_space<vmem>>, vector<512x1xi32>
    tpu.vector_store %arg6[%swap3A_1052, %swap3A_1053], %broadcast_in_dim3A_1051 {strides = array<i32>} : memref<512x128xi32, #tpu.memory_space<vmem>>, vector<512x1xi32>,
    %add3A_1055 = arith.constant 4194304 : i32
    %add3A_1056 = vector.broadcast %add3A_1055 : i32 to vector<512x256xi32>
    %add3A_1057 = arith.addi %add3A_19, %add3A_1056 : vector<512x256xi32>
    %broadcast_in_dim3A_1058 = arith.constant 64467757 : i32
    %broadcast_in_dim3A_1059 = vector.broadcast %broadcast_in_dim3A_1058 : i32 to vector<512x256xi32>
    %add3A_1060 = arith.constant -1378843660 : i32
    %add3A_1061 = vector.broadcast %add3A_1060 : i32 to vector<512x256xi32>
    %add3A_1062 = arith.addi %add3A_1057, %add3A_1061 : vector<512x256xi32>
    %add3A_1063 = arith.addi %broadcast_in_dim3A_1059, %add3A_1062 : vector<512x256xi32>
    %shift_left3A_1064 = arith.constant 13 : i32
    %shift_left3A_1065 = vector.broadcast %shift_left3A_1064 : i32 to vector<512x256xi32>
    %shift_left3A_1066 = arith.shli %add3A_1062, %shift_left3A_1065 : vector<512x256xi32>
    %shift_right_logical3A_1067 = arith.constant 19 : i32
    %shift_right_logical3A_1068 = vector.broadcast %shift_right_logical3A_1067 : i32 to vector<512x256xi32>
    %shift_right_logical3A_1069 = arith.shrui %add3A_1062, %shift_right_logical3A_1068 : vector<512x256xi32>
    %or3A_1070 = arith.ori %shift_left3A_1066, %shift_right_logical3A_1069 : vector<512x256xi32>
    %xor3A_1071 = arith.xori %add3A_1063, %or3A_1070 : vector<512x256xi32>
    %add3A_1072 = arith.addi %add3A_1063, %xor3A_1071 : vector<512x256xi32>
    %shift_left3A_1073 = arith.constant 15 : i32
    %shift_left3A_1074 = vector.broadcast %shift_left3A_1073 : i32 to vector<512x256xi32>
    %shift_left3A_1075 = arith.shli %xor3A_1071, %shift_left3A_1074 : vector<512x256xi32>
    %shift_right_logical3A_1076 = arith.constant 17 : i32
    %shift_right_logical3A_1077 = vector.broadcast %shift_right_logical3A_1076 : i32 to vector<512x256xi32>
    %shift_right_logical3A_1078 = arith.shrui %xor3A_1071, %shift_right_logical3A_1077 : vector<512x256xi32>
    %or3A_1079 = arith.ori %shift_left3A_1075, %shift_right_logical3A_1078 : vector<512x256xi32>
    %xor3A_1080 = arith.xori %add3A_1072, %or3A_1079 : vector<512x256xi32>
    %add3A_1081 = arith.addi %add3A_1072, %xor3A_1080 : vector<512x256xi32>
    %shift_left3A_1082 = arith.constant 26 : i32
    %shift_left3A_1083 = vector.broadcast %shift_left3A_1082 : i32 to vector<512x256xi32>
    %shift_left3A_1084 = arith.shli %xor3A_1080, %shift_left3A_1083 : vector<512x256xi32>
    %shift_right_logical3A_1085 = arith.constant 6 : i32
    %shift_right_logical3A_1086 = vector.broadcast %shift_right_logical3A_1085 : i32 to vector<512x256xi32>
    %shift_right_logical3A_1087 = arith.shrui %xor3A_1080, %shift_right_logical3A_1086 : vector<512x256xi32>
    %or3A_1088 = arith.ori %shift_left3A_1084, %shift_right_logical3A_1087 : vector<512x256xi32>
    %xor3A_1089 = arith.xori %add3A_1081, %or3A_1088 : vector<512x256xi32>
    %add3A_1090 = arith.addi %add3A_1081, %xor3A_1089 : vector<512x256xi32>
    %shift_left3A_1091 = arith.constant 6 : i32
    %shift_left3A_1092 = vector.broadcast %shift_left3A_1091 : i32 to vector<512x256xi32>
    %shift_left3A_1093 = arith.shli %xor3A_1089, %shift_left3A_1092 : vector<512x256xi32>
    %shift_right_logical3A_1094 = arith.constant 26 : i32
    %shift_right_logical3A_1095 = vector.broadcast %shift_right_logical3A_1094 : i32 to vector<512x256xi32>
    %shift_right_logical3A_1096 = arith.shrui %xor3A_1089, %shift_right_logical3A_1095 : vector<512x256xi32>
    %or3A_1097 = arith.ori %shift_left3A_1093, %shift_right_logical3A_1096 : vector<512x256xi32>
    %xor3A_1098 = arith.xori %add3A_1090, %or3A_1097 : vector<512x256xi32>
    %add3A_1099 = arith.constant -1378843660 : i32
    %add3A_1100 = vector.broadcast %add3A_1099 : i32 to vector<512x256xi32>
    %add3A_1101 = arith.addi %add3A_1090, %add3A_1100 : vector<512x256xi32>
    %add3A_1102 = arith.constant -1244255484 : i32
    %add3A_1103 = vector.broadcast %add3A_1102 : i32 to vector<512x256xi32>
    %add3A_1104 = arith.addi %xor3A_1098, %add3A_1103 : vector<512x256xi32>
    %add3A_1105 = arith.addi %add3A_1101, %add3A_1104 : vector<512x256xi32>
    %shift_left3A_1106 = arith.constant 17 : i32
    %shift_left3A_1107 = vector.broadcast %shift_left3A_1106 : i32 to vector<512x256xi32>
    %shift_left3A_1108 = arith.shli %add3A_1104, %shift_left3A_1107 : vector<512x256xi32>
    %shift_right_logical3A_1109 = arith.constant 15 : i32
    %shift_right_logical3A_1110 = vector.broadcast %shift_right_logical3A_1109 : i32 to vector<512x256xi32>
    %shift_right_logical3A_1111 = arith.shrui %add3A_1104, %shift_right_logical3A_1110 : vector<512x256xi32>
    %or3A_1112 = arith.ori %shift_left3A_1108, %shift_right_logical3A_1111 : vector<512x256xi32>
    %xor3A_1113 = arith.xori %add3A_1105, %or3A_1112 : vector<512x256xi32>
    %add3A_1114 = arith.addi %add3A_1105, %xor3A_1113 : vector<512x256xi32>
    %shift_left3A_1115 = arith.constant 29 : i32
    %shift_left3A_1116 = vector.broadcast %shift_left3A_1115 : i32 to vector<512x256xi32>
    %shift_left3A_1117 = arith.shli %xor3A_1113, %shift_left3A_1116 : vector<512x256xi32>
    %shift_right_logical3A_1118 = arith.constant 3 : i32
    %shift_right_logical3A_1119 = vector.broadcast %shift_right_logical3A_1118 : i32 to vector<512x256xi32>
    %shift_right_logical3A_1120 = arith.shrui %xor3A_1113, %shift_right_logical3A_1119 : vector<512x256xi32>
    %or3A_1121 = arith.ori %shift_left3A_1117, %shift_right_logical3A_1120 : vector<512x256xi32>
    %xor3A_1122 = arith.xori %add3A_1114, %or3A_1121 : vector<512x256xi32>
    %add3A_1123 = arith.addi %add3A_1114, %xor3A_1122 : vector<512x256xi32>
    %shift_left3A_1124 = arith.constant 16 : i32
    %shift_left3A_1125 = vector.broadcast %shift_left3A_1124 : i32 to vector<512x256xi32>
    %shift_left3A_1126 = arith.shli %xor3A_1122, %shift_left3A_1125 : vector<512x256xi32>
    %shift_right_logical3A_1127 = arith.constant 16 : i32
    %shift_right_logical3A_1128 = vector.broadcast %shift_right_logical3A_1127 : i32 to vector<512x256xi32>
    %shift_right_logical3A_1129 = arith.shrui %xor3A_1122, %shift_right_logical3A_1128 : vector<512x256xi32>
    %or3A_1130 = arith.ori %shift_left3A_1126, %shift_right_logical3A_1129 : vector<512x256xi32>
    %xor3A_1131 = arith.xori %add3A_1123, %or3A_1130 : vector<512x256xi32>
    %add3A_1132 = arith.addi %add3A_1123, %xor3A_1131 : vector<512x256xi32>
    %shift_left3A_1133 = arith.constant 24 : i32
    %shift_left3A_1134 = vector.broadcast %shift_left3A_1133 : i32 to vector<512x256xi32>
    %shift_left3A_1135 = arith.shli %xor3A_1131, %shift_left3A_1134 : vector<512x256xi32>
    %shift_right_logical3A_1136 = arith.constant 8 : i32
    %shift_right_logical3A_1137 = vector.broadcast %shift_right_logical3A_1136 : i32 to vector<512x256xi32>
    %shift_right_logical3A_1138 = arith.shrui %xor3A_1131, %shift_right_logical3A_1137 : vector<512x256xi32>
    %or3A_1139 = arith.ori %shift_left3A_1135, %shift_right_logical3A_1138 : vector<512x256xi32>
    %xor3A_1140 = arith.xori %add3A_1132, %or3A_1139 : vector<512x256xi32>
    %add3A_1141 = arith.constant -1244255485 : i32
    %add3A_1142 = vector.broadcast %add3A_1141 : i32 to vector<512x256xi32>
    %add3A_1143 = arith.addi %add3A_1132, %add3A_1142 : vector<512x256xi32>
    %add3A_1144 = arith.constant 64467759 : i32
    %add3A_1145 = vector.broadcast %add3A_1144 : i32 to vector<512x256xi32>
    %add3A_1146 = arith.addi %xor3A_1140, %add3A_1145 : vector<512x256xi32>
    %add3A_1147 = arith.addi %add3A_1143, %add3A_1146 : vector<512x256xi32>
    %shift_left3A_1148 = arith.constant 13 : i32
    %shift_left3A_1149 = vector.broadcast %shift_left3A_1148 : i32 to vector<512x256xi32>
    %shift_left3A_1150 = arith.shli %add3A_1146, %shift_left3A_1149 : vector<512x256xi32>
    %shift_right_logical3A_1151 = arith.constant 19 : i32
    %shift_right_logical3A_1152 = vector.broadcast %shift_right_logical3A_1151 : i32 to vector<512x256xi32>
    %shift_right_logical3A_1153 = arith.shrui %add3A_1146, %shift_right_logical3A_1152 : vector<512x256xi32>
    %or3A_1154 = arith.ori %shift_left3A_1150, %shift_right_logical3A_1153 : vector<512x256xi32>
    %xor3A_1155 = arith.xori %add3A_1147, %or3A_1154 : vector<512x256xi32>
    %add3A_1156 = arith.addi %add3A_1147, %xor3A_1155 : vector<512x256xi32>
    %shift_left3A_1157 = arith.constant 15 : i32
    %shift_left3A_1158 = vector.broadcast %shift_left3A_1157 : i32 to vector<512x256xi32>
    %shift_left3A_1159 = arith.shli %xor3A_1155, %shift_left3A_1158 : vector<512x256xi32>
    %shift_right_logical3A_1160 = arith.constant 17 : i32
    %shift_right_logical3A_1161 = vector.broadcast %shift_right_logical3A_1160 : i32 to vector<512x256xi32>
    %shift_right_logical3A_1162 = arith.shrui %xor3A_1155, %shift_right_logical3A_1161 : vector<512x256xi32>
    %or3A_1163 = arith.ori %shift_left3A_1159, %shift_right_logical3A_1162 : vector<512x256xi32>
    %xor3A_1164 = arith.xori %add3A_1156, %or3A_1163 : vector<512x256xi32>
    %add3A_1165 = arith.addi %add3A_1156, %xor3A_1164 : vector<512x256xi32>
    %shift_left3A_1166 = arith.constant 26 : i32
    %shift_left3A_1167 = vector.broadcast %shift_left3A_1166 : i32 to vector<512x256xi32>
    %shift_left3A_1168 = arith.shli %xor3A_1164, %shift_left3A_1167 : vector<512x256xi32>
    %shift_right_logical3A_1169 = arith.constant 6 : i32
    %shift_right_logical3A_1170 = vector.broadcast %shift_right_logical3A_1169 : i32 to vector<512x256xi32>
    %shift_right_logical3A_1171 = arith.shrui %xor3A_1164, %shift_right_logical3A_1170 : vector<512x256xi32>
    %or3A_1172 = arith.ori %shift_left3A_1168, %shift_right_logical3A_1171 : vector<512x256xi32>
    %xor3A_1173 = arith.xori %add3A_1165, %or3A_1172 : vector<512x256xi32>
    %add3A_1174 = arith.addi %add3A_1165, %xor3A_1173 : vector<512x256xi32>
    %shift_left3A_1175 = arith.constant 6 : i32
    %shift_left3A_1176 = vector.broadcast %shift_left3A_1175 : i32 to vector<512x256xi32>
    %shift_left3A_1177 = arith.shli %xor3A_1173, %shift_left3A_1176 : vector<512x256xi32>
    %shift_right_logical3A_1178 = arith.constant 26 : i32
    %shift_right_logical3A_1179 = vector.broadcast %shift_right_logical3A_1178 : i32 to vector<512x256xi32>
    %shift_right_logical3A_1180 = arith.shrui %xor3A_1173, %shift_right_logical3A_1179 : vector<512x256xi32>
    %or3A_1181 = arith.ori %shift_left3A_1177, %shift_right_logical3A_1180 : vector<512x256xi32>
    %xor3A_1182 = arith.xori %add3A_1174, %or3A_1181 : vector<512x256xi32>
    %add3A_1183 = arith.constant 64467757 : i32
    %add3A_1184 = vector.broadcast %add3A_1183 : i32 to vector<512x256xi32>
    %add3A_1185 = arith.addi %add3A_1174, %add3A_1184 : vector<512x256xi32>
    %add3A_1186 = arith.constant -1378843657 : i32
    %add3A_1187 = vector.broadcast %add3A_1186 : i32 to vector<512x256xi32>
    %add3A_1188 = arith.addi %xor3A_1182, %add3A_1187 : vector<512x256xi32>
    %add3A_1189 = arith.addi %add3A_1185, %add3A_1188 : vector<512x256xi32>
    %shift_left3A_1190 = arith.constant 17 : i32
    %shift_left3A_1191 = vector.broadcast %shift_left3A_1190 : i32 to vector<512x256xi32>
    %shift_left3A_1192 = arith.shli %add3A_1188, %shift_left3A_1191 : vector<512x256xi32>
    %shift_right_logical3A_1193 = arith.constant 15 : i32
    %shift_right_logical3A_1194 = vector.broadcast %shift_right_logical3A_1193 : i32 to vector<512x256xi32>
    %shift_right_logical3A_1195 = arith.shrui %add3A_1188, %shift_right_logical3A_1194 : vector<512x256xi32>
    %or3A_1196 = arith.ori %shift_left3A_1192, %shift_right_logical3A_1195 : vector<512x256xi32>
    %xor3A_1197 = arith.xori %add3A_1189, %or3A_1196 : vector<512x256xi32>
    %add3A_1198 = arith.addi %add3A_1189, %xor3A_1197 : vector<512x256xi32>
    %shift_left3A_1199 = arith.constant 29 : i32
    %shift_left3A_1200 = vector.broadcast %shift_left3A_1199 : i32 to vector<512x256xi32>
    %shift_left3A_1201 = arith.shli %xor3A_1197, %shift_left3A_1200 : vector<512x256xi32>
    %shift_right_logical3A_1202 = arith.constant 3 : i32
    %shift_right_logical3A_1203 = vector.broadcast %shift_right_logical3A_1202 : i32 to vector<512x256xi32>
    %shift_right_logical3A_1204 = arith.shrui %xor3A_1197, %shift_right_logical3A_1203 : vector<512x256xi32>
    %or3A_1205 = arith.ori %shift_left3A_1201, %shift_right_logical3A_1204 : vector<512x256xi32>
    %xor3A_1206 = arith.xori %add3A_1198, %or3A_1205 : vector<512x256xi32>
    %add3A_1207 = arith.addi %add3A_1198, %xor3A_1206 : vector<512x256xi32>
    %shift_left3A_1208 = arith.constant 16 : i32
    %shift_left3A_1209 = vector.broadcast %shift_left3A_1208 : i32 to vector<512x256xi32>
    %shift_left3A_1210 = arith.shli %xor3A_1206, %shift_left3A_1209 : vector<512x256xi32>
    %shift_right_logical3A_1211 = arith.constant 16 : i32
    %shift_right_logical3A_1212 = vector.broadcast %shift_right_logical3A_1211 : i32 to vector<512x256xi32>
    %shift_right_logical3A_1213 = arith.shrui %xor3A_1206, %shift_right_logical3A_1212 : vector<512x256xi32>
    %or3A_1214 = arith.ori %shift_left3A_1210, %shift_right_logical3A_1213 : vector<512x256xi32>
    %xor3A_1215 = arith.xori %add3A_1207, %or3A_1214 : vector<512x256xi32>
    %add3A_1216 = arith.addi %add3A_1207, %xor3A_1215 : vector<512x256xi32>
    %shift_left3A_1217 = arith.constant 24 : i32
    %shift_left3A_1218 = vector.broadcast %shift_left3A_1217 : i32 to vector<512x256xi32>
    %shift_left3A_1219 = arith.shli %xor3A_1215, %shift_left3A_1218 : vector<512x256xi32>
    %shift_right_logical3A_1220 = arith.constant 8 : i32
    %shift_right_logical3A_1221 = vector.broadcast %shift_right_logical3A_1220 : i32 to vector<512x256xi32>
    %shift_right_logical3A_1222 = arith.shrui %xor3A_1215, %shift_right_logical3A_1221 : vector<512x256xi32>
    %or3A_1223 = arith.ori %shift_left3A_1219, %shift_right_logical3A_1222 : vector<512x256xi32>
    %xor3A_1224 = arith.xori %add3A_1216, %or3A_1223 : vector<512x256xi32>
    %add3A_1225 = arith.constant -1378843660 : i32
    %add3A_1226 = vector.broadcast %add3A_1225 : i32 to vector<512x256xi32>
    %add3A_1227 = arith.addi %add3A_1216, %add3A_1226 : vector<512x256xi32>
    %add3A_1228 = arith.constant -1244255481 : i32
    %add3A_1229 = vector.broadcast %add3A_1228 : i32 to vector<512x256xi32>
    %add3A_1230 = arith.addi %xor3A_1224, %add3A_1229 : vector<512x256xi32>
    %add3A_1231 = arith.addi %add3A_1227, %add3A_1230 : vector<512x256xi32>
    %shift_left3A_1232 = arith.constant 13 : i32
    %shift_left3A_1233 = vector.broadcast %shift_left3A_1232 : i32 to vector<512x256xi32>
    %shift_left3A_1234 = arith.shli %add3A_1230, %shift_left3A_1233 : vector<512x256xi32>
    %shift_right_logical3A_1235 = arith.constant 19 : i32
    %shift_right_logical3A_1236 = vector.broadcast %shift_right_logical3A_1235 : i32 to vector<512x256xi32>
    %shift_right_logical3A_1237 = arith.shrui %add3A_1230, %shift_right_logical3A_1236 : vector<512x256xi32>
    %or3A_1238 = arith.ori %shift_left3A_1234, %shift_right_logical3A_1237 : vector<512x256xi32>
    %xor3A_1239 = arith.xori %add3A_1231, %or3A_1238 : vector<512x256xi32>
    %add3A_1240 = arith.addi %add3A_1231, %xor3A_1239 : vector<512x256xi32>
    %shift_left3A_1241 = arith.constant 15 : i32
    %shift_left3A_1242 = vector.broadcast %shift_left3A_1241 : i32 to vector<512x256xi32>
    %shift_left3A_1243 = arith.shli %xor3A_1239, %shift_left3A_1242 : vector<512x256xi32>
    %shift_right_logical3A_1244 = arith.constant 17 : i32
    %shift_right_logical3A_1245 = vector.broadcast %shift_right_logical3A_1244 : i32 to vector<512x256xi32>
    %shift_right_logical3A_1246 = arith.shrui %xor3A_1239, %shift_right_logical3A_1245 : vector<512x256xi32>
    %or3A_1247 = arith.ori %shift_left3A_1243, %shift_right_logical3A_1246 : vector<512x256xi32>
    %xor3A_1248 = arith.xori %add3A_1240, %or3A_1247 : vector<512x256xi32>
    %add3A_1249 = arith.addi %add3A_1240, %xor3A_1248 : vector<512x256xi32>
    %shift_left3A_1250 = arith.constant 26 : i32
    %shift_left3A_1251 = vector.broadcast %shift_left3A_1250 : i32 to vector<512x256xi32>
    %shift_left3A_1252 = arith.shli %xor3A_1248, %shift_left3A_1251 : vector<512x256xi32>
    %shift_right_logical3A_1253 = arith.constant 6 : i32
    %shift_right_logical3A_1254 = vector.broadcast %shift_right_logical3A_1253 : i32 to vector<512x256xi32>
    %shift_right_logical3A_1255 = arith.shrui %xor3A_1248, %shift_right_logical3A_1254 : vector<512x256xi32>
    %or3A_1256 = arith.ori %shift_left3A_1252, %shift_right_logical3A_1255 : vector<512x256xi32>
    %xor3A_1257 = arith.xori %add3A_1249, %or3A_1256 : vector<512x256xi32>
    %add3A_1258 = arith.addi %add3A_1249, %xor3A_1257 : vector<512x256xi32>
    %shift_left3A_1259 = arith.constant 6 : i32
    %shift_left3A_1260 = vector.broadcast %shift_left3A_1259 : i32 to vector<512x256xi32>
    %shift_left3A_1261 = arith.shli %xor3A_1257, %shift_left3A_1260 : vector<512x256xi32>
    %shift_right_logical3A_1262 = arith.constant 26 : i32
    %shift_right_logical3A_1263 = vector.broadcast %shift_right_logical3A_1262 : i32 to vector<512x256xi32>
    %shift_right_logical3A_1264 = arith.shrui %xor3A_1257, %shift_right_logical3A_1263 : vector<512x256xi32>
    %or3A_1265 = arith.ori %shift_left3A_1261, %shift_right_logical3A_1264 : vector<512x256xi32>
    %xor3A_1266 = arith.xori %add3A_1258, %or3A_1265 : vector<512x256xi32>
    %add3A_1267 = arith.constant -1244255485 : i32
    %add3A_1268 = vector.broadcast %add3A_1267 : i32 to vector<512x256xi32>
    %add3A_1269 = arith.addi %add3A_1258, %add3A_1268 : vector<512x256xi32>
    %add3A_1270 = arith.constant 64467762 : i32
    %add3A_1271 = vector.broadcast %add3A_1270 : i32 to vector<512x256xi32>
    %add3A_1272 = arith.addi %xor3A_1266, %add3A_1271 : vector<512x256xi32>
    %xor3A_1273 = arith.xori %add3A_1269, %add3A_1272 : vector<512x256xi32>
    %shift_right_logical3A_1274 = arith.constant 9 : i32
    %shift_right_logical3A_1275 = vector.broadcast %shift_right_logical3A_1274 : i32 to vector<512x256xi32>
    %shift_right_logical3A_1276 = arith.shrui %xor3A_1273, %shift_right_logical3A_1275 : vector<512x256xi32>
    %or3A_1277 = arith.constant 1065353216 : i32
    %or3A_1278 = vector.broadcast %or3A_1277 : i32 to vector<512x256xi32>
    %or3A_1279 = arith.ori %shift_right_logical3A_1276, %or3A_1278 : vector<512x256xi32>
    %bitcast_convert_type3A_1280 = tpu.bitcast %or3A_1279 : vector<512x256xi32> -> vector<512x256xf32>
    %sub3A_1281 = arith.constant 1.000000e+00 : f32
    %sub3A_1282 = vector.broadcast %sub3A_1281 : f32 to vector<512x256xf32>
    %sub3A_1283 = arith.subf %bitcast_convert_type3A_1280, %sub3A_1282 : vector<512x256xf32>
    %add3A_1284 = arith.constant 1.17549435E-38 : f32
    %add3A_1285 = vector.broadcast %add3A_1284 : f32 to vector<512x256xf32>
    %add3A_1286 = arith.addf %sub3A_1283, %add3A_1285 : vector<512x256xf32>
    %max3A_1287 = arith.constant 1.17549435E-38 : f32
    %max3A_1288 = vector.broadcast %max3A_1287 : f32 to vector<512x256xf32>
    %max3A_1289 = arith.maximumf %max3A_1288, %add3A_1286 : vector<512x256xf32>
    %log3A_1290 = math.log %max3A_1289 : vector<512x256xf32>
    %neg3A_1291 = arith.constant 0.000000e+00 : f32
    %neg3A_1292 = vector.broadcast %neg3A_1291 : f32 to vector<512x256xf32>
    %neg3A_1293 = arith.subf %neg3A_1292, %log3A_1290 : vector<512x256xf32>
    %log3A_1294 = math.log %neg3A_1293 : vector<512x256xf32>
    %neg3A_1295 = arith.constant 0.000000e+00 : f32
    %neg3A_1296 = vector.broadcast %neg3A_1295 : f32 to vector<512x256xf32>
    %neg3A_1297 = arith.subf %neg3A_1296, %log3A_1294 : vector<512x256xf32>
    %add3A_1298 = arith.addf %neg3A_1297, %sub3A_796 : vector<512x256xf32>
    %reduce_max3A_1299 = arith.constant dense<0xFF800000> : vector<512xf32>
    %reduce_max3A_1300 = vector.multi_reduction <maximumf>, %add3A_1298, %reduce_max3A_1299 [1] : vector<512x256xf32> to vector<512xf32>
    %broadcast_in_dim3A_1301 = vector.shape_cast %reduce_max3A_1300 : vector<512xf32> to vector<512x1xf32>
    %eq3A_1302 = vector.broadcast %broadcast_in_dim3A_1301 : vector<512x1xf32> to vector<512x256xf32>
    %eq3A_1303 = arith.cmpf oeq, %add3A_1298, %eq3A_1302 : vector<512x256xf32>
    %jit3A_1304 = arith.constant 256 : i32
    %broadcast_in_dim3A_1305 = vector.broadcast %jit3A_1304 : i32 to vector<512x256xi32>
    %select_n3A_1306 = arith.select %eq3A_1303, %iota3A_15, %broadcast_in_dim3A_1305 : vector<512x256xi1>, vector<512x256xi32>
    %reduce_min3A_1307 = arith.constant dense<2147483647> : vector<512xi32>
    %reduce_min3A_1308 = vector.multi_reduction <minsi>, %select_n3A_1306, %reduce_min3A_1307 [1] : vector<512x256xi32> to vector<512xi32>
    %broadcast_in_dim3A_1309 = vector.shape_cast %reduce_min3A_1308 : vector<512xi32> to vector<512x1xi32>
    %swap3A_1310 = arith.constant 0 : index
    %swap3A_1311 = arith.constant 4 : index
    %swap3A_1312 = vector.load %arg6[%swap3A_1310, %swap3A_1311] : memref<512x128xi32, #tpu.memory_space<vmem>>, vector<512x1xi32>
    tpu.vector_store %arg6[%swap3A_1310, %swap3A_1311], %broadcast_in_dim3A_1309 {strides = array<i32>} : memref<512x128xi32, #tpu.memory_space<vmem>>, vector<512x1xi32>,
    %add3A_1313 = arith.constant 8388608 : i32
    %add3A_1314 = vector.broadcast %add3A_1313 : i32 to vector<512x256xi32>
    %add3A_1315 = arith.addi %add3A_19, %add3A_1314 : vector<512x256xi32>
    %broadcast_in_dim3A_1316 = arith.constant 64467757 : i32
    %broadcast_in_dim3A_1317 = vector.broadcast %broadcast_in_dim3A_1316 : i32 to vector<512x256xi32>
    %add3A_1318 = arith.constant -1378843660 : i32
    %add3A_1319 = vector.broadcast %add3A_1318 : i32 to vector<512x256xi32>
    %add3A_1320 = arith.addi %add3A_1315, %add3A_1319 : vector<512x256xi32>
    %add3A_1321 = arith.addi %broadcast_in_dim3A_1317, %add3A_1320 : vector<512x256xi32>
    %shift_left3A_1322 = arith.constant 13 : i32
    %shift_left3A_1323 = vector.broadcast %shift_left3A_1322 : i32 to vector<512x256xi32>
    %shift_left3A_1324 = arith.shli %add3A_1320, %shift_left3A_1323 : vector<512x256xi32>
    %shift_right_logical3A_1325 = arith.constant 19 : i32
    %shift_right_logical3A_1326 = vector.broadcast %shift_right_logical3A_1325 : i32 to vector<512x256xi32>
    %shift_right_logical3A_1327 = arith.shrui %add3A_1320, %shift_right_logical3A_1326 : vector<512x256xi32>
    %or3A_1328 = arith.ori %shift_left3A_1324, %shift_right_logical3A_1327 : vector<512x256xi32>
    %xor3A_1329 = arith.xori %add3A_1321, %or3A_1328 : vector<512x256xi32>
    %add3A_1330 = arith.addi %add3A_1321, %xor3A_1329 : vector<512x256xi32>
    %shift_left3A_1331 = arith.constant 15 : i32
    %shift_left3A_1332 = vector.broadcast %shift_left3A_1331 : i32 to vector<512x256xi32>
    %shift_left3A_1333 = arith.shli %xor3A_1329, %shift_left3A_1332 : vector<512x256xi32>
    %shift_right_logical3A_1334 = arith.constant 17 : i32
    %shift_right_logical3A_1335 = vector.broadcast %shift_right_logical3A_1334 : i32 to vector<512x256xi32>
    %shift_right_logical3A_1336 = arith.shrui %xor3A_1329, %shift_right_logical3A_1335 : vector<512x256xi32>
    %or3A_1337 = arith.ori %shift_left3A_1333, %shift_right_logical3A_1336 : vector<512x256xi32>
    %xor3A_1338 = arith.xori %add3A_1330, %or3A_1337 : vector<512x256xi32>
    %add3A_1339 = arith.addi %add3A_1330, %xor3A_1338 : vector<512x256xi32>
    %shift_left3A_1340 = arith.constant 26 : i32
    %shift_left3A_1341 = vector.broadcast %shift_left3A_1340 : i32 to vector<512x256xi32>
    %shift_left3A_1342 = arith.shli %xor3A_1338, %shift_left3A_1341 : vector<512x256xi32>
    %shift_right_logical3A_1343 = arith.constant 6 : i32
    %shift_right_logical3A_1344 = vector.broadcast %shift_right_logical3A_1343 : i32 to vector<512x256xi32>
    %shift_right_logical3A_1345 = arith.shrui %xor3A_1338, %shift_right_logical3A_1344 : vector<512x256xi32>
    %or3A_1346 = arith.ori %shift_left3A_1342, %shift_right_logical3A_1345 : vector<512x256xi32>
    %xor3A_1347 = arith.xori %add3A_1339, %or3A_1346 : vector<512x256xi32>
    %add3A_1348 = arith.addi %add3A_1339, %xor3A_1347 : vector<512x256xi32>
    %shift_left3A_1349 = arith.constant 6 : i32
    %shift_left3A_1350 = vector.broadcast %shift_left3A_1349 : i32 to vector<512x256xi32>
    %shift_left3A_1351 = arith.shli %xor3A_1347, %shift_left3A_1350 : vector<512x256xi32>
    %shift_right_logical3A_1352 = arith.constant 26 : i32
    %shift_right_logical3A_1353 = vector.broadcast %shift_right_logical3A_1352 : i32 to vector<512x256xi32>
    %shift_right_logical3A_1354 = arith.shrui %xor3A_1347, %shift_right_logical3A_1353 : vector<512x256xi32>
    %or3A_1355 = arith.ori %shift_left3A_1351, %shift_right_logical3A_1354 : vector<512x256xi32>
    %xor3A_1356 = arith.xori %add3A_1348, %or3A_1355 : vector<512x256xi32>
    %add3A_1357 = arith.constant -1378843660 : i32
    %add3A_1358 = vector.broadcast %add3A_1357 : i32 to vector<512x256xi32>
    %add3A_1359 = arith.addi %add3A_1348, %add3A_1358 : vector<512x256xi32>
    %add3A_1360 = arith.constant -1244255484 : i32
    %add3A_1361 = vector.broadcast %add3A_1360 : i32 to vector<512x256xi32>
    %add3A_1362 = arith.addi %xor3A_1356, %add3A_1361 : vector<512x256xi32>
    %add3A_1363 = arith.addi %add3A_1359, %add3A_1362 : vector<512x256xi32>
    %shift_left3A_1364 = arith.constant 17 : i32
    %shift_left3A_1365 = vector.broadcast %shift_left3A_1364 : i32 to vector<512x256xi32>
    %shift_left3A_1366 = arith.shli %add3A_1362, %shift_left3A_1365 : vector<512x256xi32>
    %shift_right_logical3A_1367 = arith.constant 15 : i32
    %shift_right_logical3A_1368 = vector.broadcast %shift_right_logical3A_1367 : i32 to vector<512x256xi32>
    %shift_right_logical3A_1369 = arith.shrui %add3A_1362, %shift_right_logical3A_1368 : vector<512x256xi32>
    %or3A_1370 = arith.ori %shift_left3A_1366, %shift_right_logical3A_1369 : vector<512x256xi32>
    %xor3A_1371 = arith.xori %add3A_1363, %or3A_1370 : vector<512x256xi32>
    %add3A_1372 = arith.addi %add3A_1363, %xor3A_1371 : vector<512x256xi32>
    %shift_left3A_1373 = arith.constant 29 : i32
    %shift_left3A_1374 = vector.broadcast %shift_left3A_1373 : i32 to vector<512x256xi32>
    %shift_left3A_1375 = arith.shli %xor3A_1371, %shift_left3A_1374 : vector<512x256xi32>
    %shift_right_logical3A_1376 = arith.constant 3 : i32
    %shift_right_logical3A_1377 = vector.broadcast %shift_right_logical3A_1376 : i32 to vector<512x256xi32>
    %shift_right_logical3A_1378 = arith.shrui %xor3A_1371, %shift_right_logical3A_1377 : vector<512x256xi32>
    %or3A_1379 = arith.ori %shift_left3A_1375, %shift_right_logical3A_1378 : vector<512x256xi32>
    %xor3A_1380 = arith.xori %add3A_1372, %or3A_1379 : vector<512x256xi32>
    %add3A_1381 = arith.addi %add3A_1372, %xor3A_1380 : vector<512x256xi32>
    %shift_left3A_1382 = arith.constant 16 : i32
    %shift_left3A_1383 = vector.broadcast %shift_left3A_1382 : i32 to vector<512x256xi32>
    %shift_left3A_1384 = arith.shli %xor3A_1380, %shift_left3A_1383 : vector<512x256xi32>
    %shift_right_logical3A_1385 = arith.constant 16 : i32
    %shift_right_logical3A_1386 = vector.broadcast %shift_right_logical3A_1385 : i32 to vector<512x256xi32>
    %shift_right_logical3A_1387 = arith.shrui %xor3A_1380, %shift_right_logical3A_1386 : vector<512x256xi32>
    %or3A_1388 = arith.ori %shift_left3A_1384, %shift_right_logical3A_1387 : vector<512x256xi32>
    %xor3A_1389 = arith.xori %add3A_1381, %or3A_1388 : vector<512x256xi32>
    %add3A_1390 = arith.addi %add3A_1381, %xor3A_1389 : vector<512x256xi32>
    %shift_left3A_1391 = arith.constant 24 : i32
    %shift_left3A_1392 = vector.broadcast %shift_left3A_1391 : i32 to vector<512x256xi32>
    %shift_left3A_1393 = arith.shli %xor3A_1389, %shift_left3A_1392 : vector<512x256xi32>
    %shift_right_logical3A_1394 = arith.constant 8 : i32
    %shift_right_logical3A_1395 = vector.broadcast %shift_right_logical3A_1394 : i32 to vector<512x256xi32>
    %shift_right_logical3A_1396 = arith.shrui %xor3A_1389, %shift_right_logical3A_1395 : vector<512x256xi32>
    %or3A_1397 = arith.ori %shift_left3A_1393, %shift_right_logical3A_1396 : vector<512x256xi32>
    %xor3A_1398 = arith.xori %add3A_1390, %or3A_1397 : vector<512x256xi32>
    %add3A_1399 = arith.constant -1244255485 : i32
    %add3A_1400 = vector.broadcast %add3A_1399 : i32 to vector<512x256xi32>
    %add3A_1401 = arith.addi %add3A_1390, %add3A_1400 : vector<512x256xi32>
    %add3A_1402 = arith.constant 64467759 : i32
    %add3A_1403 = vector.broadcast %add3A_1402 : i32 to vector<512x256xi32>
    %add3A_1404 = arith.addi %xor3A_1398, %add3A_1403 : vector<512x256xi32>
    %add3A_1405 = arith.addi %add3A_1401, %add3A_1404 : vector<512x256xi32>
    %shift_left3A_1406 = arith.constant 13 : i32
    %shift_left3A_1407 = vector.broadcast %shift_left3A_1406 : i32 to vector<512x256xi32>
    %shift_left3A_1408 = arith.shli %add3A_1404, %shift_left3A_1407 : vector<512x256xi32>
    %shift_right_logical3A_1409 = arith.constant 19 : i32
    %shift_right_logical3A_1410 = vector.broadcast %shift_right_logical3A_1409 : i32 to vector<512x256xi32>
    %shift_right_logical3A_1411 = arith.shrui %add3A_1404, %shift_right_logical3A_1410 : vector<512x256xi32>
    %or3A_1412 = arith.ori %shift_left3A_1408, %shift_right_logical3A_1411 : vector<512x256xi32>
    %xor3A_1413 = arith.xori %add3A_1405, %or3A_1412 : vector<512x256xi32>
    %add3A_1414 = arith.addi %add3A_1405, %xor3A_1413 : vector<512x256xi32>
    %shift_left3A_1415 = arith.constant 15 : i32
    %shift_left3A_1416 = vector.broadcast %shift_left3A_1415 : i32 to vector<512x256xi32>
    %shift_left3A_1417 = arith.shli %xor3A_1413, %shift_left3A_1416 : vector<512x256xi32>
    %shift_right_logical3A_1418 = arith.constant 17 : i32
    %shift_right_logical3A_1419 = vector.broadcast %shift_right_logical3A_1418 : i32 to vector<512x256xi32>
    %shift_right_logical3A_1420 = arith.shrui %xor3A_1413, %shift_right_logical3A_1419 : vector<512x256xi32>
    %or3A_1421 = arith.ori %shift_left3A_1417, %shift_right_logical3A_1420 : vector<512x256xi32>
    %xor3A_1422 = arith.xori %add3A_1414, %or3A_1421 : vector<512x256xi32>
    %add3A_1423 = arith.addi %add3A_1414, %xor3A_1422 : vector<512x256xi32>
    %shift_left3A_1424 = arith.constant 26 : i32
    %shift_left3A_1425 = vector.broadcast %shift_left3A_1424 : i32 to vector<512x256xi32>
    %shift_left3A_1426 = arith.shli %xor3A_1422, %shift_left3A_1425 : vector<512x256xi32>
    %shift_right_logical3A_1427 = arith.constant 6 : i32
    %shift_right_logical3A_1428 = vector.broadcast %shift_right_logical3A_1427 : i32 to vector<512x256xi32>
    %shift_right_logical3A_1429 = arith.shrui %xor3A_1422, %shift_right_logical3A_1428 : vector<512x256xi32>
    %or3A_1430 = arith.ori %shift_left3A_1426, %shift_right_logical3A_1429 : vector<512x256xi32>
    %xor3A_1431 = arith.xori %add3A_1423, %or3A_1430 : vector<512x256xi32>
    %add3A_1432 = arith.addi %add3A_1423, %xor3A_1431 : vector<512x256xi32>
    %shift_left3A_1433 = arith.constant 6 : i32
    %shift_left3A_1434 = vector.broadcast %shift_left3A_1433 : i32 to vector<512x256xi32>
    %shift_left3A_1435 = arith.shli %xor3A_1431, %shift_left3A_1434 : vector<512x256xi32>
    %shift_right_logical3A_1436 = arith.constant 26 : i32
    %shift_right_logical3A_1437 = vector.broadcast %shift_right_logical3A_1436 : i32 to vector<512x256xi32>
    %shift_right_logical3A_1438 = arith.shrui %xor3A_1431, %shift_right_logical3A_1437 : vector<512x256xi32>
    %or3A_1439 = arith.ori %shift_left3A_1435, %shift_right_logical3A_1438 : vector<512x256xi32>
    %xor3A_1440 = arith.xori %add3A_1432, %or3A_1439 : vector<512x256xi32>
    %add3A_1441 = arith.constant 64467757 : i32
    %add3A_1442 = vector.broadcast %add3A_1441 : i32 to vector<512x256xi32>
    %add3A_1443 = arith.addi %add3A_1432, %add3A_1442 : vector<512x256xi32>
    %add3A_1444 = arith.constant -1378843657 : i32
    %add3A_1445 = vector.broadcast %add3A_1444 : i32 to vector<512x256xi32>
    %add3A_1446 = arith.addi %xor3A_1440, %add3A_1445 : vector<512x256xi32>
    %add3A_1447 = arith.addi %add3A_1443, %add3A_1446 : vector<512x256xi32>
    %shift_left3A_1448 = arith.constant 17 : i32
    %shift_left3A_1449 = vector.broadcast %shift_left3A_1448 : i32 to vector<512x256xi32>
    %shift_left3A_1450 = arith.shli %add3A_1446, %shift_left3A_1449 : vector<512x256xi32>
    %shift_right_logical3A_1451 = arith.constant 15 : i32
    %shift_right_logical3A_1452 = vector.broadcast %shift_right_logical3A_1451 : i32 to vector<512x256xi32>
    %shift_right_logical3A_1453 = arith.shrui %add3A_1446, %shift_right_logical3A_1452 : vector<512x256xi32>
    %or3A_1454 = arith.ori %shift_left3A_1450, %shift_right_logical3A_1453 : vector<512x256xi32>
    %xor3A_1455 = arith.xori %add3A_1447, %or3A_1454 : vector<512x256xi32>
    %add3A_1456 = arith.addi %add3A_1447, %xor3A_1455 : vector<512x256xi32>
    %shift_left3A_1457 = arith.constant 29 : i32
    %shift_left3A_1458 = vector.broadcast %shift_left3A_1457 : i32 to vector<512x256xi32>
    %shift_left3A_1459 = arith.shli %xor3A_1455, %shift_left3A_1458 : vector<512x256xi32>
    %shift_right_logical3A_1460 = arith.constant 3 : i32
    %shift_right_logical3A_1461 = vector.broadcast %shift_right_logical3A_1460 : i32 to vector<512x256xi32>
    %shift_right_logical3A_1462 = arith.shrui %xor3A_1455, %shift_right_logical3A_1461 : vector<512x256xi32>
    %or3A_1463 = arith.ori %shift_left3A_1459, %shift_right_logical3A_1462 : vector<512x256xi32>
    %xor3A_1464 = arith.xori %add3A_1456, %or3A_1463 : vector<512x256xi32>
    %add3A_1465 = arith.addi %add3A_1456, %xor3A_1464 : vector<512x256xi32>
    %shift_left3A_1466 = arith.constant 16 : i32
    %shift_left3A_1467 = vector.broadcast %shift_left3A_1466 : i32 to vector<512x256xi32>
    %shift_left3A_1468 = arith.shli %xor3A_1464, %shift_left3A_1467 : vector<512x256xi32>
    %shift_right_logical3A_1469 = arith.constant 16 : i32
    %shift_right_logical3A_1470 = vector.broadcast %shift_right_logical3A_1469 : i32 to vector<512x256xi32>
    %shift_right_logical3A_1471 = arith.shrui %xor3A_1464, %shift_right_logical3A_1470 : vector<512x256xi32>
    %or3A_1472 = arith.ori %shift_left3A_1468, %shift_right_logical3A_1471 : vector<512x256xi32>
    %xor3A_1473 = arith.xori %add3A_1465, %or3A_1472 : vector<512x256xi32>
    %add3A_1474 = arith.addi %add3A_1465, %xor3A_1473 : vector<512x256xi32>
    %shift_left3A_1475 = arith.constant 24 : i32
    %shift_left3A_1476 = vector.broadcast %shift_left3A_1475 : i32 to vector<512x256xi32>
    %shift_left3A_1477 = arith.shli %xor3A_1473, %shift_left3A_1476 : vector<512x256xi32>
    %shift_right_logical3A_1478 = arith.constant 8 : i32
    %shift_right_logical3A_1479 = vector.broadcast %shift_right_logical3A_1478 : i32 to vector<512x256xi32>
    %shift_right_logical3A_1480 = arith.shrui %xor3A_1473, %shift_right_logical3A_1479 : vector<512x256xi32>
    %or3A_1481 = arith.ori %shift_left3A_1477, %shift_right_logical3A_1480 : vector<512x256xi32>
    %xor3A_1482 = arith.xori %add3A_1474, %or3A_1481 : vector<512x256xi32>
    %add3A_1483 = arith.constant -1378843660 : i32
    %add3A_1484 = vector.broadcast %add3A_1483 : i32 to vector<512x256xi32>
    %add3A_1485 = arith.addi %add3A_1474, %add3A_1484 : vector<512x256xi32>
    %add3A_1486 = arith.constant -1244255481 : i32
    %add3A_1487 = vector.broadcast %add3A_1486 : i32 to vector<512x256xi32>
    %add3A_1488 = arith.addi %xor3A_1482, %add3A_1487 : vector<512x256xi32>
    %add3A_1489 = arith.addi %add3A_1485, %add3A_1488 : vector<512x256xi32>
    %shift_left3A_1490 = arith.constant 13 : i32
    %shift_left3A_1491 = vector.broadcast %shift_left3A_1490 : i32 to vector<512x256xi32>
    %shift_left3A_1492 = arith.shli %add3A_1488, %shift_left3A_1491 : vector<512x256xi32>
    %shift_right_logical3A_1493 = arith.constant 19 : i32
    %shift_right_logical3A_1494 = vector.broadcast %shift_right_logical3A_1493 : i32 to vector<512x256xi32>
    %shift_right_logical3A_1495 = arith.shrui %add3A_1488, %shift_right_logical3A_1494 : vector<512x256xi32>
    %or3A_1496 = arith.ori %shift_left3A_1492, %shift_right_logical3A_1495 : vector<512x256xi32>
    %xor3A_1497 = arith.xori %add3A_1489, %or3A_1496 : vector<512x256xi32>
    %add3A_1498 = arith.addi %add3A_1489, %xor3A_1497 : vector<512x256xi32>
    %shift_left3A_1499 = arith.constant 15 : i32
    %shift_left3A_1500 = vector.broadcast %shift_left3A_1499 : i32 to vector<512x256xi32>
    %shift_left3A_1501 = arith.shli %xor3A_1497, %shift_left3A_1500 : vector<512x256xi32>
    %shift_right_logical3A_1502 = arith.constant 17 : i32
    %shift_right_logical3A_1503 = vector.broadcast %shift_right_logical3A_1502 : i32 to vector<512x256xi32>
    %shift_right_logical3A_1504 = arith.shrui %xor3A_1497, %shift_right_logical3A_1503 : vector<512x256xi32>
    %or3A_1505 = arith.ori %shift_left3A_1501, %shift_right_logical3A_1504 : vector<512x256xi32>
    %xor3A_1506 = arith.xori %add3A_1498, %or3A_1505 : vector<512x256xi32>
    %add3A_1507 = arith.addi %add3A_1498, %xor3A_1506 : vector<512x256xi32>
    %shift_left3A_1508 = arith.constant 26 : i32
    %shift_left3A_1509 = vector.broadcast %shift_left3A_1508 : i32 to vector<512x256xi32>
    %shift_left3A_1510 = arith.shli %xor3A_1506, %shift_left3A_1509 : vector<512x256xi32>
    %shift_right_logical3A_1511 = arith.constant 6 : i32
    %shift_right_logical3A_1512 = vector.broadcast %shift_right_logical3A_1511 : i32 to vector<512x256xi32>
    %shift_right_logical3A_1513 = arith.shrui %xor3A_1506, %shift_right_logical3A_1512 : vector<512x256xi32>
    %or3A_1514 = arith.ori %shift_left3A_1510, %shift_right_logical3A_1513 : vector<512x256xi32>
    %xor3A_1515 = arith.xori %add3A_1507, %or3A_1514 : vector<512x256xi32>
    %add3A_1516 = arith.addi %add3A_1507, %xor3A_1515 : vector<512x256xi32>
    %shift_left3A_1517 = arith.constant 6 : i32
    %shift_left3A_1518 = vector.broadcast %shift_left3A_1517 : i32 to vector<512x256xi32>
    %shift_left3A_1519 = arith.shli %xor3A_1515, %shift_left3A_1518 : vector<512x256xi32>
    %shift_right_logical3A_1520 = arith.constant 26 : i32
    %shift_right_logical3A_1521 = vector.broadcast %shift_right_logical3A_1520 : i32 to vector<512x256xi32>
    %shift_right_logical3A_1522 = arith.shrui %xor3A_1515, %shift_right_logical3A_1521 : vector<512x256xi32>
    %or3A_1523 = arith.ori %shift_left3A_1519, %shift_right_logical3A_1522 : vector<512x256xi32>
    %xor3A_1524 = arith.xori %add3A_1516, %or3A_1523 : vector<512x256xi32>
    %add3A_1525 = arith.constant -1244255485 : i32
    %add3A_1526 = vector.broadcast %add3A_1525 : i32 to vector<512x256xi32>
    %add3A_1527 = arith.addi %add3A_1516, %add3A_1526 : vector<512x256xi32>
    %add3A_1528 = arith.constant 64467762 : i32
    %add3A_1529 = vector.broadcast %add3A_1528 : i32 to vector<512x256xi32>
    %add3A_1530 = arith.addi %xor3A_1524, %add3A_1529 : vector<512x256xi32>
    %xor3A_1531 = arith.xori %add3A_1527, %add3A_1530 : vector<512x256xi32>
    %shift_right_logical3A_1532 = arith.constant 9 : i32
    %shift_right_logical3A_1533 = vector.broadcast %shift_right_logical3A_1532 : i32 to vector<512x256xi32>
    %shift_right_logical3A_1534 = arith.shrui %xor3A_1531, %shift_right_logical3A_1533 : vector<512x256xi32>
    %or3A_1535 = arith.constant 1065353216 : i32
    %or3A_1536 = vector.broadcast %or3A_1535 : i32 to vector<512x256xi32>
    %or3A_1537 = arith.ori %shift_right_logical3A_1534, %or3A_1536 : vector<512x256xi32>
    %bitcast_convert_type3A_1538 = tpu.bitcast %or3A_1537 : vector<512x256xi32> -> vector<512x256xf32>
    %sub3A_1539 = arith.constant 1.000000e+00 : f32
    %sub3A_1540 = vector.broadcast %sub3A_1539 : f32 to vector<512x256xf32>
    %sub3A_1541 = arith.subf %bitcast_convert_type3A_1538, %sub3A_1540 : vector<512x256xf32>
    %add3A_1542 = arith.constant 1.17549435E-38 : f32
    %add3A_1543 = vector.broadcast %add3A_1542 : f32 to vector<512x256xf32>
    %add3A_1544 = arith.addf %sub3A_1541, %add3A_1543 : vector<512x256xf32>
    %max3A_1545 = arith.constant 1.17549435E-38 : f32
    %max3A_1546 = vector.broadcast %max3A_1545 : f32 to vector<512x256xf32>
    %max3A_1547 = arith.maximumf %max3A_1546, %add3A_1544 : vector<512x256xf32>
    %log3A_1548 = math.log %max3A_1547 : vector<512x256xf32>
    %neg3A_1549 = arith.constant 0.000000e+00 : f32
    %neg3A_1550 = vector.broadcast %neg3A_1549 : f32 to vector<512x256xf32>
    %neg3A_1551 = arith.subf %neg3A_1550, %log3A_1548 : vector<512x256xf32>
    %log3A_1552 = math.log %neg3A_1551 : vector<512x256xf32>
    %neg3A_1553 = arith.constant 0.000000e+00 : f32
    %neg3A_1554 = vector.broadcast %neg3A_1553 : f32 to vector<512x256xf32>
    %neg3A_1555 = arith.subf %neg3A_1554, %log3A_1552 : vector<512x256xf32>
    %add3A_1556 = arith.addf %neg3A_1555, %sub3A_796 : vector<512x256xf32>
    %reduce_max3A_1557 = arith.constant dense<0xFF800000> : vector<512xf32>
    %reduce_max3A_1558 = vector.multi_reduction <maximumf>, %add3A_1556, %reduce_max3A_1557 [1] : vector<512x256xf32> to vector<512xf32>
    %broadcast_in_dim3A_1559 = vector.shape_cast %reduce_max3A_1558 : vector<512xf32> to vector<512x1xf32>
    %eq3A_1560 = vector.broadcast %broadcast_in_dim3A_1559 : vector<512x1xf32> to vector<512x256xf32>
    %eq3A_1561 = arith.cmpf oeq, %add3A_1556, %eq3A_1560 : vector<512x256xf32>
    %jit3A_1562 = arith.constant 256 : i32
    %broadcast_in_dim3A_1563 = vector.broadcast %jit3A_1562 : i32 to vector<512x256xi32>
    %select_n3A_1564 = arith.select %eq3A_1561, %iota3A_15, %broadcast_in_dim3A_1563 : vector<512x256xi1>, vector<512x256xi32>
    %reduce_min3A_1565 = arith.constant dense<2147483647> : vector<512xi32>
    %reduce_min3A_1566 = vector.multi_reduction <minsi>, %select_n3A_1564, %reduce_min3A_1565 [1] : vector<512x256xi32> to vector<512xi32>
    %broadcast_in_dim3A_1567 = vector.shape_cast %reduce_min3A_1566 : vector<512xi32> to vector<512x1xi32>
    %swap3A_1568 = arith.constant 0 : index
    %swap3A_1569 = arith.constant 7 : index
    %swap3A_1570 = vector.load %arg6[%swap3A_1568, %swap3A_1569] : memref<512x128xi32, #tpu.memory_space<vmem>>, vector<512x1xi32>
    tpu.vector_store %arg6[%swap3A_1568, %swap3A_1569], %broadcast_in_dim3A_1567 {strides = array<i32>} : memref<512x128xi32, #tpu.memory_space<vmem>>, vector<512x1xi32>,
    %get3A_1571 = arith.constant 1 : index
    %get3A_1572 = arith.constant 0 : index
    %get3A_1573 = vector.load %arg7[%get3A_1571, %get3A_1572] : memref<2x256xf32, #tpu.memory_space<vmem>>, vector<1x256xf32>
    %mul3A_1574 = vector.broadcast %get3A_1573 : vector<1x256xf32> to vector<512x256xf32>
    %mul3A_1575 = arith.mulf %add3A_12, %mul3A_1574 : vector<512x256xf32>
    %reduce_sum3A_1576 = arith.constant dense<0.000000e+00> : vector<512xf32>
    %reduce_sum3A_1577 = vector.multi_reduction <add>, %mul3A_1575, %reduce_sum3A_1576 [1] : vector<512x256xf32> to vector<512xf32>
    %broadcast_in_dim3A_1578 = vector.shape_cast %reduce_sum3A_1577 : vector<512xf32> to vector<512x1xf32>
    %mul3A_1579 = arith.constant 1.000000e+00 : f32
    %mul3A_1580 = vector.broadcast %mul3A_1579 : f32 to vector<512x1xf32>
    %mul3A_1581 = arith.mulf %mul3A_1580, %broadcast_in_dim3A_1578 : vector<512x1xf32>
    %sub3A_1582 = vector.broadcast %mul3A_1581 : vector<512x1xf32> to vector<512x256xf32>
    %sub3A_1583 = arith.subf %add3A_12, %sub3A_1582 : vector<512x256xf32>
    %add3A_1584 = arith.constant 0 : i32
    %add3A_1585 = vector.broadcast %add3A_1584 : i32 to vector<512x256xi32>
    %add3A_1586 = arith.addi %add3A_19, %add3A_1585 : vector<512x256xi32>
    %broadcast_in_dim3A_1587 = arith.constant -1829035798 : i32
    %broadcast_in_dim3A_1588 = vector.broadcast %broadcast_in_dim3A_1587 : i32 to vector<512x256xi32>
    %add3A_1589 = arith.constant 255383827 : i32
    %add3A_1590 = vector.broadcast %add3A_1589 : i32 to vector<512x256xi32>
    %add3A_1591 = arith.addi %add3A_1586, %add3A_1590 : vector<512x256xi32>
    %add3A_1592 = arith.addi %broadcast_in_dim3A_1588, %add3A_1591 : vector<512x256xi32>
    %shift_left3A_1593 = arith.constant 13 : i32
    %shift_left3A_1594 = vector.broadcast %shift_left3A_1593 : i32 to vector<512x256xi32>
    %shift_left3A_1595 = arith.shli %add3A_1591, %shift_left3A_1594 : vector<512x256xi32>
    %shift_right_logical3A_1596 = arith.constant 19 : i32
    %shift_right_logical3A_1597 = vector.broadcast %shift_right_logical3A_1596 : i32 to vector<512x256xi32>
    %shift_right_logical3A_1598 = arith.shrui %add3A_1591, %shift_right_logical3A_1597 : vector<512x256xi32>
    %or3A_1599 = arith.ori %shift_left3A_1595, %shift_right_logical3A_1598 : vector<512x256xi32>
    %xor3A_1600 = arith.xori %add3A_1592, %or3A_1599 : vector<512x256xi32>
    %add3A_1601 = arith.addi %add3A_1592, %xor3A_1600 : vector<512x256xi32>
    %shift_left3A_1602 = arith.constant 15 : i32
    %shift_left3A_1603 = vector.broadcast %shift_left3A_1602 : i32 to vector<512x256xi32>
    %shift_left3A_1604 = arith.shli %xor3A_1600, %shift_left3A_1603 : vector<512x256xi32>
    %shift_right_logical3A_1605 = arith.constant 17 : i32
    %shift_right_logical3A_1606 = vector.broadcast %shift_right_logical3A_1605 : i32 to vector<512x256xi32>
    %shift_right_logical3A_1607 = arith.shrui %xor3A_1600, %shift_right_logical3A_1606 : vector<512x256xi32>
    %or3A_1608 = arith.ori %shift_left3A_1604, %shift_right_logical3A_1607 : vector<512x256xi32>
    %xor3A_1609 = arith.xori %add3A_1601, %or3A_1608 : vector<512x256xi32>
    %add3A_1610 = arith.addi %add3A_1601, %xor3A_1609 : vector<512x256xi32>
    %shift_left3A_1611 = arith.constant 26 : i32
    %shift_left3A_1612 = vector.broadcast %shift_left3A_1611 : i32 to vector<512x256xi32>
    %shift_left3A_1613 = arith.shli %xor3A_1609, %shift_left3A_1612 : vector<512x256xi32>
    %shift_right_logical3A_1614 = arith.constant 6 : i32
    %shift_right_logical3A_1615 = vector.broadcast %shift_right_logical3A_1614 : i32 to vector<512x256xi32>
    %shift_right_logical3A_1616 = arith.shrui %xor3A_1609, %shift_right_logical3A_1615 : vector<512x256xi32>
    %or3A_1617 = arith.ori %shift_left3A_1613, %shift_right_logical3A_1616 : vector<512x256xi32>
    %xor3A_1618 = arith.xori %add3A_1610, %or3A_1617 : vector<512x256xi32>
    %add3A_1619 = arith.addi %add3A_1610, %xor3A_1618 : vector<512x256xi32>
    %shift_left3A_1620 = arith.constant 6 : i32
    %shift_left3A_1621 = vector.broadcast %shift_left3A_1620 : i32 to vector<512x256xi32>
    %shift_left3A_1622 = arith.shli %xor3A_1618, %shift_left3A_1621 : vector<512x256xi32>
    %shift_right_logical3A_1623 = arith.constant 26 : i32
    %shift_right_logical3A_1624 = vector.broadcast %shift_right_logical3A_1623 : i32 to vector<512x256xi32>
    %shift_right_logical3A_1625 = arith.shrui %xor3A_1618, %shift_right_logical3A_1624 : vector<512x256xi32>
    %or3A_1626 = arith.ori %shift_left3A_1622, %shift_right_logical3A_1625 : vector<512x256xi32>
    %xor3A_1627 = arith.xori %add3A_1619, %or3A_1626 : vector<512x256xi32>
    %add3A_1628 = arith.constant 255383827 : i32
    %add3A_1629 = vector.broadcast %add3A_1628 : i32 to vector<512x256xi32>
    %add3A_1630 = arith.addi %add3A_1619, %add3A_1629 : vector<512x256xi32>
    %add3A_1631 = arith.constant -2045582812 : i32
    %add3A_1632 = vector.broadcast %add3A_1631 : i32 to vector<512x256xi32>
    %add3A_1633 = arith.addi %xor3A_1627, %add3A_1632 : vector<512x256xi32>
    %add3A_1634 = arith.addi %add3A_1630, %add3A_1633 : vector<512x256xi32>
    %shift_left3A_1635 = arith.constant 17 : i32
    %shift_left3A_1636 = vector.broadcast %shift_left3A_1635 : i32 to vector<512x256xi32>
    %shift_left3A_1637 = arith.shli %add3A_1633, %shift_left3A_1636 : vector<512x256xi32>
    %shift_right_logical3A_1638 = arith.constant 15 : i32
    %shift_right_logical3A_1639 = vector.broadcast %shift_right_logical3A_1638 : i32 to vector<512x256xi32>
    %shift_right_logical3A_1640 = arith.shrui %add3A_1633, %shift_right_logical3A_1639 : vector<512x256xi32>
    %or3A_1641 = arith.ori %shift_left3A_1637, %shift_right_logical3A_1640 : vector<512x256xi32>
    %xor3A_1642 = arith.xori %add3A_1634, %or3A_1641 : vector<512x256xi32>
    %add3A_1643 = arith.addi %add3A_1634, %xor3A_1642 : vector<512x256xi32>
    %shift_left3A_1644 = arith.constant 29 : i32
    %shift_left3A_1645 = vector.broadcast %shift_left3A_1644 : i32 to vector<512x256xi32>
    %shift_left3A_1646 = arith.shli %xor3A_1642, %shift_left3A_1645 : vector<512x256xi32>
    %shift_right_logical3A_1647 = arith.constant 3 : i32
    %shift_right_logical3A_1648 = vector.broadcast %shift_right_logical3A_1647 : i32 to vector<512x256xi32>
    %shift_right_logical3A_1649 = arith.shrui %xor3A_1642, %shift_right_logical3A_1648 : vector<512x256xi32>
    %or3A_1650 = arith.ori %shift_left3A_1646, %shift_right_logical3A_1649 : vector<512x256xi32>
    %xor3A_1651 = arith.xori %add3A_1643, %or3A_1650 : vector<512x256xi32>
    %add3A_1652 = arith.addi %add3A_1643, %xor3A_1651 : vector<512x256xi32>
    %shift_left3A_1653 = arith.constant 16 : i32
    %shift_left3A_1654 = vector.broadcast %shift_left3A_1653 : i32 to vector<512x256xi32>
    %shift_left3A_1655 = arith.shli %xor3A_1651, %shift_left3A_1654 : vector<512x256xi32>
    %shift_right_logical3A_1656 = arith.constant 16 : i32
    %shift_right_logical3A_1657 = vector.broadcast %shift_right_logical3A_1656 : i32 to vector<512x256xi32>
    %shift_right_logical3A_1658 = arith.shrui %xor3A_1651, %shift_right_logical3A_1657 : vector<512x256xi32>
    %or3A_1659 = arith.ori %shift_left3A_1655, %shift_right_logical3A_1658 : vector<512x256xi32>
    %xor3A_1660 = arith.xori %add3A_1652, %or3A_1659 : vector<512x256xi32>
    %add3A_1661 = arith.addi %add3A_1652, %xor3A_1660 : vector<512x256xi32>
    %shift_left3A_1662 = arith.constant 24 : i32
    %shift_left3A_1663 = vector.broadcast %shift_left3A_1662 : i32 to vector<512x256xi32>
    %shift_left3A_1664 = arith.shli %xor3A_1660, %shift_left3A_1663 : vector<512x256xi32>
    %shift_right_logical3A_1665 = arith.constant 8 : i32
    %shift_right_logical3A_1666 = vector.broadcast %shift_right_logical3A_1665 : i32 to vector<512x256xi32>
    %shift_right_logical3A_1667 = arith.shrui %xor3A_1660, %shift_right_logical3A_1666 : vector<512x256xi32>
    %or3A_1668 = arith.ori %shift_left3A_1664, %shift_right_logical3A_1667 : vector<512x256xi32>
    %xor3A_1669 = arith.xori %add3A_1661, %or3A_1668 : vector<512x256xi32>
    %add3A_1670 = arith.constant -2045582813 : i32
    %add3A_1671 = vector.broadcast %add3A_1670 : i32 to vector<512x256xi32>
    %add3A_1672 = arith.addi %add3A_1661, %add3A_1671 : vector<512x256xi32>
    %add3A_1673 = arith.constant -1829035796 : i32
    %add3A_1674 = vector.broadcast %add3A_1673 : i32 to vector<512x256xi32>
    %add3A_1675 = arith.addi %xor3A_1669, %add3A_1674 : vector<512x256xi32>
    %add3A_1676 = arith.addi %add3A_1672, %add3A_1675 : vector<512x256xi32>
    %shift_left3A_1677 = arith.constant 13 : i32
    %shift_left3A_1678 = vector.broadcast %shift_left3A_1677 : i32 to vector<512x256xi32>
    %shift_left3A_1679 = arith.shli %add3A_1675, %shift_left3A_1678 : vector<512x256xi32>
    %shift_right_logical3A_1680 = arith.constant 19 : i32
    %shift_right_logical3A_1681 = vector.broadcast %shift_right_logical3A_1680 : i32 to vector<512x256xi32>
    %shift_right_logical3A_1682 = arith.shrui %add3A_1675, %shift_right_logical3A_1681 : vector<512x256xi32>
    %or3A_1683 = arith.ori %shift_left3A_1679, %shift_right_logical3A_1682 : vector<512x256xi32>
    %xor3A_1684 = arith.xori %add3A_1676, %or3A_1683 : vector<512x256xi32>
    %add3A_1685 = arith.addi %add3A_1676, %xor3A_1684 : vector<512x256xi32>
    %shift_left3A_1686 = arith.constant 15 : i32
    %shift_left3A_1687 = vector.broadcast %shift_left3A_1686 : i32 to vector<512x256xi32>
    %shift_left3A_1688 = arith.shli %xor3A_1684, %shift_left3A_1687 : vector<512x256xi32>
    %shift_right_logical3A_1689 = arith.constant 17 : i32
    %shift_right_logical3A_1690 = vector.broadcast %shift_right_logical3A_1689 : i32 to vector<512x256xi32>
    %shift_right_logical3A_1691 = arith.shrui %xor3A_1684, %shift_right_logical3A_1690 : vector<512x256xi32>
    %or3A_1692 = arith.ori %shift_left3A_1688, %shift_right_logical3A_1691 : vector<512x256xi32>
    %xor3A_1693 = arith.xori %add3A_1685, %or3A_1692 : vector<512x256xi32>
    %add3A_1694 = arith.addi %add3A_1685, %xor3A_1693 : vector<512x256xi32>
    %shift_left3A_1695 = arith.constant 26 : i32
    %shift_left3A_1696 = vector.broadcast %shift_left3A_1695 : i32 to vector<512x256xi32>
    %shift_left3A_1697 = arith.shli %xor3A_1693, %shift_left3A_1696 : vector<512x256xi32>
    %shift_right_logical3A_1698 = arith.constant 6 : i32
    %shift_right_logical3A_1699 = vector.broadcast %shift_right_logical3A_1698 : i32 to vector<512x256xi32>
    %shift_right_logical3A_1700 = arith.shrui %xor3A_1693, %shift_right_logical3A_1699 : vector<512x256xi32>
    %or3A_1701 = arith.ori %shift_left3A_1697, %shift_right_logical3A_1700 : vector<512x256xi32>
    %xor3A_1702 = arith.xori %add3A_1694, %or3A_1701 : vector<512x256xi32>
    %add3A_1703 = arith.addi %add3A_1694, %xor3A_1702 : vector<512x256xi32>
    %shift_left3A_1704 = arith.constant 6 : i32
    %shift_left3A_1705 = vector.broadcast %shift_left3A_1704 : i32 to vector<512x256xi32>
    %shift_left3A_1706 = arith.shli %xor3A_1702, %shift_left3A_1705 : vector<512x256xi32>
    %shift_right_logical3A_1707 = arith.constant 26 : i32
    %shift_right_logical3A_1708 = vector.broadcast %shift_right_logical3A_1707 : i32 to vector<512x256xi32>
    %shift_right_logical3A_1709 = arith.shrui %xor3A_1702, %shift_right_logical3A_1708 : vector<512x256xi32>
    %or3A_1710 = arith.ori %shift_left3A_1706, %shift_right_logical3A_1709 : vector<512x256xi32>
    %xor3A_1711 = arith.xori %add3A_1703, %or3A_1710 : vector<512x256xi32>
    %add3A_1712 = arith.constant -1829035798 : i32
    %add3A_1713 = vector.broadcast %add3A_1712 : i32 to vector<512x256xi32>
    %add3A_1714 = arith.addi %add3A_1703, %add3A_1713 : vector<512x256xi32>
    %add3A_1715 = arith.constant 255383830 : i32
    %add3A_1716 = vector.broadcast %add3A_1715 : i32 to vector<512x256xi32>
    %add3A_1717 = arith.addi %xor3A_1711, %add3A_1716 : vector<512x256xi32>
    %add3A_1718 = arith.addi %add3A_1714, %add3A_1717 : vector<512x256xi32>
    %shift_left3A_1719 = arith.constant 17 : i32
    %shift_left3A_1720 = vector.broadcast %shift_left3A_1719 : i32 to vector<512x256xi32>
    %shift_left3A_1721 = arith.shli %add3A_1717, %shift_left3A_1720 : vector<512x256xi32>
    %shift_right_logical3A_1722 = arith.constant 15 : i32
    %shift_right_logical3A_1723 = vector.broadcast %shift_right_logical3A_1722 : i32 to vector<512x256xi32>
    %shift_right_logical3A_1724 = arith.shrui %add3A_1717, %shift_right_logical3A_1723 : vector<512x256xi32>
    %or3A_1725 = arith.ori %shift_left3A_1721, %shift_right_logical3A_1724 : vector<512x256xi32>
    %xor3A_1726 = arith.xori %add3A_1718, %or3A_1725 : vector<512x256xi32>
    %add3A_1727 = arith.addi %add3A_1718, %xor3A_1726 : vector<512x256xi32>
    %shift_left3A_1728 = arith.constant 29 : i32
    %shift_left3A_1729 = vector.broadcast %shift_left3A_1728 : i32 to vector<512x256xi32>
    %shift_left3A_1730 = arith.shli %xor3A_1726, %shift_left3A_1729 : vector<512x256xi32>
    %shift_right_logical3A_1731 = arith.constant 3 : i32
    %shift_right_logical3A_1732 = vector.broadcast %shift_right_logical3A_1731 : i32 to vector<512x256xi32>
    %shift_right_logical3A_1733 = arith.shrui %xor3A_1726, %shift_right_logical3A_1732 : vector<512x256xi32>
    %or3A_1734 = arith.ori %shift_left3A_1730, %shift_right_logical3A_1733 : vector<512x256xi32>
    %xor3A_1735 = arith.xori %add3A_1727, %or3A_1734 : vector<512x256xi32>
    %add3A_1736 = arith.addi %add3A_1727, %xor3A_1735 : vector<512x256xi32>
    %shift_left3A_1737 = arith.constant 16 : i32
    %shift_left3A_1738 = vector.broadcast %shift_left3A_1737 : i32 to vector<512x256xi32>
    %shift_left3A_1739 = arith.shli %xor3A_1735, %shift_left3A_1738 : vector<512x256xi32>
    %shift_right_logical3A_1740 = arith.constant 16 : i32
    %shift_right_logical3A_1741 = vector.broadcast %shift_right_logical3A_1740 : i32 to vector<512x256xi32>
    %shift_right_logical3A_1742 = arith.shrui %xor3A_1735, %shift_right_logical3A_1741 : vector<512x256xi32>
    %or3A_1743 = arith.ori %shift_left3A_1739, %shift_right_logical3A_1742 : vector<512x256xi32>
    %xor3A_1744 = arith.xori %add3A_1736, %or3A_1743 : vector<512x256xi32>
    %add3A_1745 = arith.addi %add3A_1736, %xor3A_1744 : vector<512x256xi32>
    %shift_left3A_1746 = arith.constant 24 : i32
    %shift_left3A_1747 = vector.broadcast %shift_left3A_1746 : i32 to vector<512x256xi32>
    %shift_left3A_1748 = arith.shli %xor3A_1744, %shift_left3A_1747 : vector<512x256xi32>
    %shift_right_logical3A_1749 = arith.constant 8 : i32
    %shift_right_logical3A_1750 = vector.broadcast %shift_right_logical3A_1749 : i32 to vector<512x256xi32>
    %shift_right_logical3A_1751 = arith.shrui %xor3A_1744, %shift_right_logical3A_1750 : vector<512x256xi32>
    %or3A_1752 = arith.ori %shift_left3A_1748, %shift_right_logical3A_1751 : vector<512x256xi32>
    %xor3A_1753 = arith.xori %add3A_1745, %or3A_1752 : vector<512x256xi32>
    %add3A_1754 = arith.constant 255383827 : i32
    %add3A_1755 = vector.broadcast %add3A_1754 : i32 to vector<512x256xi32>
    %add3A_1756 = arith.addi %add3A_1745, %add3A_1755 : vector<512x256xi32>
    %add3A_1757 = arith.constant -2045582809 : i32
    %add3A_1758 = vector.broadcast %add3A_1757 : i32 to vector<512x256xi32>
    %add3A_1759 = arith.addi %xor3A_1753, %add3A_1758 : vector<512x256xi32>
    %add3A_1760 = arith.addi %add3A_1756, %add3A_1759 : vector<512x256xi32>
    %shift_left3A_1761 = arith.constant 13 : i32
    %shift_left3A_1762 = vector.broadcast %shift_left3A_1761 : i32 to vector<512x256xi32>
    %shift_left3A_1763 = arith.shli %add3A_1759, %shift_left3A_1762 : vector<512x256xi32>
    %shift_right_logical3A_1764 = arith.constant 19 : i32
    %shift_right_logical3A_1765 = vector.broadcast %shift_right_logical3A_1764 : i32 to vector<512x256xi32>
    %shift_right_logical3A_1766 = arith.shrui %add3A_1759, %shift_right_logical3A_1765 : vector<512x256xi32>
    %or3A_1767 = arith.ori %shift_left3A_1763, %shift_right_logical3A_1766 : vector<512x256xi32>
    %xor3A_1768 = arith.xori %add3A_1760, %or3A_1767 : vector<512x256xi32>
    %add3A_1769 = arith.addi %add3A_1760, %xor3A_1768 : vector<512x256xi32>
    %shift_left3A_1770 = arith.constant 15 : i32
    %shift_left3A_1771 = vector.broadcast %shift_left3A_1770 : i32 to vector<512x256xi32>
    %shift_left3A_1772 = arith.shli %xor3A_1768, %shift_left3A_1771 : vector<512x256xi32>
    %shift_right_logical3A_1773 = arith.constant 17 : i32
    %shift_right_logical3A_1774 = vector.broadcast %shift_right_logical3A_1773 : i32 to vector<512x256xi32>
    %shift_right_logical3A_1775 = arith.shrui %xor3A_1768, %shift_right_logical3A_1774 : vector<512x256xi32>
    %or3A_1776 = arith.ori %shift_left3A_1772, %shift_right_logical3A_1775 : vector<512x256xi32>
    %xor3A_1777 = arith.xori %add3A_1769, %or3A_1776 : vector<512x256xi32>
    %add3A_1778 = arith.addi %add3A_1769, %xor3A_1777 : vector<512x256xi32>
    %shift_left3A_1779 = arith.constant 26 : i32
    %shift_left3A_1780 = vector.broadcast %shift_left3A_1779 : i32 to vector<512x256xi32>
    %shift_left3A_1781 = arith.shli %xor3A_1777, %shift_left3A_1780 : vector<512x256xi32>
    %shift_right_logical3A_1782 = arith.constant 6 : i32
    %shift_right_logical3A_1783 = vector.broadcast %shift_right_logical3A_1782 : i32 to vector<512x256xi32>
    %shift_right_logical3A_1784 = arith.shrui %xor3A_1777, %shift_right_logical3A_1783 : vector<512x256xi32>
    %or3A_1785 = arith.ori %shift_left3A_1781, %shift_right_logical3A_1784 : vector<512x256xi32>
    %xor3A_1786 = arith.xori %add3A_1778, %or3A_1785 : vector<512x256xi32>
    %add3A_1787 = arith.addi %add3A_1778, %xor3A_1786 : vector<512x256xi32>
    %shift_left3A_1788 = arith.constant 6 : i32
    %shift_left3A_1789 = vector.broadcast %shift_left3A_1788 : i32 to vector<512x256xi32>
    %shift_left3A_1790 = arith.shli %xor3A_1786, %shift_left3A_1789 : vector<512x256xi32>
    %shift_right_logical3A_1791 = arith.constant 26 : i32
    %shift_right_logical3A_1792 = vector.broadcast %shift_right_logical3A_1791 : i32 to vector<512x256xi32>
    %shift_right_logical3A_1793 = arith.shrui %xor3A_1786, %shift_right_logical3A_1792 : vector<512x256xi32>
    %or3A_1794 = arith.ori %shift_left3A_1790, %shift_right_logical3A_1793 : vector<512x256xi32>
    %xor3A_1795 = arith.xori %add3A_1787, %or3A_1794 : vector<512x256xi32>
    %add3A_1796 = arith.constant -2045582813 : i32
    %add3A_1797 = vector.broadcast %add3A_1796 : i32 to vector<512x256xi32>
    %add3A_1798 = arith.addi %add3A_1787, %add3A_1797 : vector<512x256xi32>
    %add3A_1799 = arith.constant -1829035793 : i32
    %add3A_1800 = vector.broadcast %add3A_1799 : i32 to vector<512x256xi32>
    %add3A_1801 = arith.addi %xor3A_1795, %add3A_1800 : vector<512x256xi32>
    %xor3A_1802 = arith.xori %add3A_1798, %add3A_1801 : vector<512x256xi32>
    %shift_right_logical3A_1803 = arith.constant 9 : i32
    %shift_right_logical3A_1804 = vector.broadcast %shift_right_logical3A_1803 : i32 to vector<512x256xi32>
    %shift_right_logical3A_1805 = arith.shrui %xor3A_1802, %shift_right_logical3A_1804 : vector<512x256xi32>
    %or3A_1806 = arith.constant 1065353216 : i32
    %or3A_1807 = vector.broadcast %or3A_1806 : i32 to vector<512x256xi32>
    %or3A_1808 = arith.ori %shift_right_logical3A_1805, %or3A_1807 : vector<512x256xi32>
    %bitcast_convert_type3A_1809 = tpu.bitcast %or3A_1808 : vector<512x256xi32> -> vector<512x256xf32>
    %sub3A_1810 = arith.constant 1.000000e+00 : f32
    %sub3A_1811 = vector.broadcast %sub3A_1810 : f32 to vector<512x256xf32>
    %sub3A_1812 = arith.subf %bitcast_convert_type3A_1809, %sub3A_1811 : vector<512x256xf32>
    %add3A_1813 = arith.constant 1.17549435E-38 : f32
    %add3A_1814 = vector.broadcast %add3A_1813 : f32 to vector<512x256xf32>
    %add3A_1815 = arith.addf %sub3A_1812, %add3A_1814 : vector<512x256xf32>
    %max3A_1816 = arith.constant 1.17549435E-38 : f32
    %max3A_1817 = vector.broadcast %max3A_1816 : f32 to vector<512x256xf32>
    %max3A_1818 = arith.maximumf %max3A_1817, %add3A_1815 : vector<512x256xf32>
    %log3A_1819 = math.log %max3A_1818 : vector<512x256xf32>
    %neg3A_1820 = arith.constant 0.000000e+00 : f32
    %neg3A_1821 = vector.broadcast %neg3A_1820 : f32 to vector<512x256xf32>
    %neg3A_1822 = arith.subf %neg3A_1821, %log3A_1819 : vector<512x256xf32>
    %log3A_1823 = math.log %neg3A_1822 : vector<512x256xf32>
    %neg3A_1824 = arith.constant 0.000000e+00 : f32
    %neg3A_1825 = vector.broadcast %neg3A_1824 : f32 to vector<512x256xf32>
    %neg3A_1826 = arith.subf %neg3A_1825, %log3A_1823 : vector<512x256xf32>
    %add3A_1827 = arith.addf %neg3A_1826, %sub3A_1583 : vector<512x256xf32>
    %reduce_max3A_1828 = arith.constant dense<0xFF800000> : vector<512xf32>
    %reduce_max3A_1829 = vector.multi_reduction <maximumf>, %add3A_1827, %reduce_max3A_1828 [1] : vector<512x256xf32> to vector<512xf32>
    %broadcast_in_dim3A_1830 = vector.shape_cast %reduce_max3A_1829 : vector<512xf32> to vector<512x1xf32>
    %eq3A_1831 = vector.broadcast %broadcast_in_dim3A_1830 : vector<512x1xf32> to vector<512x256xf32>
    %eq3A_1832 = arith.cmpf oeq, %add3A_1827, %eq3A_1831 : vector<512x256xf32>
    %jit3A_1833 = arith.constant 256 : i32
    %broadcast_in_dim3A_1834 = vector.broadcast %jit3A_1833 : i32 to vector<512x256xi32>
    %select_n3A_1835 = arith.select %eq3A_1832, %iota3A_15, %broadcast_in_dim3A_1834 : vector<512x256xi1>, vector<512x256xi32>
    %reduce_min3A_1836 = arith.constant dense<2147483647> : vector<512xi32>
    %reduce_min3A_1837 = vector.multi_reduction <minsi>, %select_n3A_1835, %reduce_min3A_1836 [1] : vector<512x256xi32> to vector<512xi32>
    %broadcast_in_dim3A_1838 = vector.shape_cast %reduce_min3A_1837 : vector<512xi32> to vector<512x1xi32>
    %swap3A_1839 = arith.constant 0 : index
    %swap3A_1840 = arith.constant 2 : index
    %swap3A_1841 = vector.load %arg6[%swap3A_1839, %swap3A_1840] : memref<512x128xi32, #tpu.memory_space<vmem>>, vector<512x1xi32>
    tpu.vector_store %arg6[%swap3A_1839, %swap3A_1840], %broadcast_in_dim3A_1838 {strides = array<i32>} : memref<512x128xi32, #tpu.memory_space<vmem>>, vector<512x1xi32>,
    %add3A_1842 = arith.constant 4194304 : i32
    %add3A_1843 = vector.broadcast %add3A_1842 : i32 to vector<512x256xi32>
    %add3A_1844 = arith.addi %add3A_19, %add3A_1843 : vector<512x256xi32>
    %broadcast_in_dim3A_1845 = arith.constant -1829035798 : i32
    %broadcast_in_dim3A_1846 = vector.broadcast %broadcast_in_dim3A_1845 : i32 to vector<512x256xi32>
    %add3A_1847 = arith.constant 255383827 : i32
    %add3A_1848 = vector.broadcast %add3A_1847 : i32 to vector<512x256xi32>
    %add3A_1849 = arith.addi %add3A_1844, %add3A_1848 : vector<512x256xi32>
    %add3A_1850 = arith.addi %broadcast_in_dim3A_1846, %add3A_1849 : vector<512x256xi32>
    %shift_left3A_1851 = arith.constant 13 : i32
    %shift_left3A_1852 = vector.broadcast %shift_left3A_1851 : i32 to vector<512x256xi32>
    %shift_left3A_1853 = arith.shli %add3A_1849, %shift_left3A_1852 : vector<512x256xi32>
    %shift_right_logical3A_1854 = arith.constant 19 : i32
    %shift_right_logical3A_1855 = vector.broadcast %shift_right_logical3A_1854 : i32 to vector<512x256xi32>
    %shift_right_logical3A_1856 = arith.shrui %add3A_1849, %shift_right_logical3A_1855 : vector<512x256xi32>
    %or3A_1857 = arith.ori %shift_left3A_1853, %shift_right_logical3A_1856 : vector<512x256xi32>
    %xor3A_1858 = arith.xori %add3A_1850, %or3A_1857 : vector<512x256xi32>
    %add3A_1859 = arith.addi %add3A_1850, %xor3A_1858 : vector<512x256xi32>
    %shift_left3A_1860 = arith.constant 15 : i32
    %shift_left3A_1861 = vector.broadcast %shift_left3A_1860 : i32 to vector<512x256xi32>
    %shift_left3A_1862 = arith.shli %xor3A_1858, %shift_left3A_1861 : vector<512x256xi32>
    %shift_right_logical3A_1863 = arith.constant 17 : i32
    %shift_right_logical3A_1864 = vector.broadcast %shift_right_logical3A_1863 : i32 to vector<512x256xi32>
    %shift_right_logical3A_1865 = arith.shrui %xor3A_1858, %shift_right_logical3A_1864 : vector<512x256xi32>
    %or3A_1866 = arith.ori %shift_left3A_1862, %shift_right_logical3A_1865 : vector<512x256xi32>
    %xor3A_1867 = arith.xori %add3A_1859, %or3A_1866 : vector<512x256xi32>
    %add3A_1868 = arith.addi %add3A_1859, %xor3A_1867 : vector<512x256xi32>
    %shift_left3A_1869 = arith.constant 26 : i32
    %shift_left3A_1870 = vector.broadcast %shift_left3A_1869 : i32 to vector<512x256xi32>
    %shift_left3A_1871 = arith.shli %xor3A_1867, %shift_left3A_1870 : vector<512x256xi32>
    %shift_right_logical3A_1872 = arith.constant 6 : i32
    %shift_right_logical3A_1873 = vector.broadcast %shift_right_logical3A_1872 : i32 to vector<512x256xi32>
    %shift_right_logical3A_1874 = arith.shrui %xor3A_1867, %shift_right_logical3A_1873 : vector<512x256xi32>
    %or3A_1875 = arith.ori %shift_left3A_1871, %shift_right_logical3A_1874 : vector<512x256xi32>
    %xor3A_1876 = arith.xori %add3A_1868, %or3A_1875 : vector<512x256xi32>
    %add3A_1877 = arith.addi %add3A_1868, %xor3A_1876 : vector<512x256xi32>
    %shift_left3A_1878 = arith.constant 6 : i32
    %shift_left3A_1879 = vector.broadcast %shift_left3A_1878 : i32 to vector<512x256xi32>
    %shift_left3A_1880 = arith.shli %xor3A_1876, %shift_left3A_1879 : vector<512x256xi32>
    %shift_right_logical3A_1881 = arith.constant 26 : i32
    %shift_right_logical3A_1882 = vector.broadcast %shift_right_logical3A_1881 : i32 to vector<512x256xi32>
    %shift_right_logical3A_1883 = arith.shrui %xor3A_1876, %shift_right_logical3A_1882 : vector<512x256xi32>
    %or3A_1884 = arith.ori %shift_left3A_1880, %shift_right_logical3A_1883 : vector<512x256xi32>
    %xor3A_1885 = arith.xori %add3A_1877, %or3A_1884 : vector<512x256xi32>
    %add3A_1886 = arith.constant 255383827 : i32
    %add3A_1887 = vector.broadcast %add3A_1886 : i32 to vector<512x256xi32>
    %add3A_1888 = arith.addi %add3A_1877, %add3A_1887 : vector<512x256xi32>
    %add3A_1889 = arith.constant -2045582812 : i32
    %add3A_1890 = vector.broadcast %add3A_1889 : i32 to vector<512x256xi32>
    %add3A_1891 = arith.addi %xor3A_1885, %add3A_1890 : vector<512x256xi32>
    %add3A_1892 = arith.addi %add3A_1888, %add3A_1891 : vector<512x256xi32>
    %shift_left3A_1893 = arith.constant 17 : i32
    %shift_left3A_1894 = vector.broadcast %shift_left3A_1893 : i32 to vector<512x256xi32>
    %shift_left3A_1895 = arith.shli %add3A_1891, %shift_left3A_1894 : vector<512x256xi32>
    %shift_right_logical3A_1896 = arith.constant 15 : i32
    %shift_right_logical3A_1897 = vector.broadcast %shift_right_logical3A_1896 : i32 to vector<512x256xi32>
    %shift_right_logical3A_1898 = arith.shrui %add3A_1891, %shift_right_logical3A_1897 : vector<512x256xi32>
    %or3A_1899 = arith.ori %shift_left3A_1895, %shift_right_logical3A_1898 : vector<512x256xi32>
    %xor3A_1900 = arith.xori %add3A_1892, %or3A_1899 : vector<512x256xi32>
    %add3A_1901 = arith.addi %add3A_1892, %xor3A_1900 : vector<512x256xi32>
    %shift_left3A_1902 = arith.constant 29 : i32
    %shift_left3A_1903 = vector.broadcast %shift_left3A_1902 : i32 to vector<512x256xi32>
    %shift_left3A_1904 = arith.shli %xor3A_1900, %shift_left3A_1903 : vector<512x256xi32>
    %shift_right_logical3A_1905 = arith.constant 3 : i32
    %shift_right_logical3A_1906 = vector.broadcast %shift_right_logical3A_1905 : i32 to vector<512x256xi32>
    %shift_right_logical3A_1907 = arith.shrui %xor3A_1900, %shift_right_logical3A_1906 : vector<512x256xi32>
    %or3A_1908 = arith.ori %shift_left3A_1904, %shift_right_logical3A_1907 : vector<512x256xi32>
    %xor3A_1909 = arith.xori %add3A_1901, %or3A_1908 : vector<512x256xi32>
    %add3A_1910 = arith.addi %add3A_1901, %xor3A_1909 : vector<512x256xi32>
    %shift_left3A_1911 = arith.constant 16 : i32
    %shift_left3A_1912 = vector.broadcast %shift_left3A_1911 : i32 to vector<512x256xi32>
    %shift_left3A_1913 = arith.shli %xor3A_1909, %shift_left3A_1912 : vector<512x256xi32>
    %shift_right_logical3A_1914 = arith.constant 16 : i32
    %shift_right_logical3A_1915 = vector.broadcast %shift_right_logical3A_1914 : i32 to vector<512x256xi32>
    %shift_right_logical3A_1916 = arith.shrui %xor3A_1909, %shift_right_logical3A_1915 : vector<512x256xi32>
    %or3A_1917 = arith.ori %shift_left3A_1913, %shift_right_logical3A_1916 : vector<512x256xi32>
    %xor3A_1918 = arith.xori %add3A_1910, %or3A_1917 : vector<512x256xi32>
    %add3A_1919 = arith.addi %add3A_1910, %xor3A_1918 : vector<512x256xi32>
    %shift_left3A_1920 = arith.constant 24 : i32
    %shift_left3A_1921 = vector.broadcast %shift_left3A_1920 : i32 to vector<512x256xi32>
    %shift_left3A_1922 = arith.shli %xor3A_1918, %shift_left3A_1921 : vector<512x256xi32>
    %shift_right_logical3A_1923 = arith.constant 8 : i32
    %shift_right_logical3A_1924 = vector.broadcast %shift_right_logical3A_1923 : i32 to vector<512x256xi32>
    %shift_right_logical3A_1925 = arith.shrui %xor3A_1918, %shift_right_logical3A_1924 : vector<512x256xi32>
    %or3A_1926 = arith.ori %shift_left3A_1922, %shift_right_logical3A_1925 : vector<512x256xi32>
    %xor3A_1927 = arith.xori %add3A_1919, %or3A_1926 : vector<512x256xi32>
    %add3A_1928 = arith.constant -2045582813 : i32
    %add3A_1929 = vector.broadcast %add3A_1928 : i32 to vector<512x256xi32>
    %add3A_1930 = arith.addi %add3A_1919, %add3A_1929 : vector<512x256xi32>
    %add3A_1931 = arith.constant -1829035796 : i32
    %add3A_1932 = vector.broadcast %add3A_1931 : i32 to vector<512x256xi32>
    %add3A_1933 = arith.addi %xor3A_1927, %add3A_1932 : vector<512x256xi32>
    %add3A_1934 = arith.addi %add3A_1930, %add3A_1933 : vector<512x256xi32>
    %shift_left3A_1935 = arith.constant 13 : i32
    %shift_left3A_1936 = vector.broadcast %shift_left3A_1935 : i32 to vector<512x256xi32>
    %shift_left3A_1937 = arith.shli %add3A_1933, %shift_left3A_1936 : vector<512x256xi32>
    %shift_right_logical3A_1938 = arith.constant 19 : i32
    %shift_right_logical3A_1939 = vector.broadcast %shift_right_logical3A_1938 : i32 to vector<512x256xi32>
    %shift_right_logical3A_1940 = arith.shrui %add3A_1933, %shift_right_logical3A_1939 : vector<512x256xi32>
    %or3A_1941 = arith.ori %shift_left3A_1937, %shift_right_logical3A_1940 : vector<512x256xi32>
    %xor3A_1942 = arith.xori %add3A_1934, %or3A_1941 : vector<512x256xi32>
    %add3A_1943 = arith.addi %add3A_1934, %xor3A_1942 : vector<512x256xi32>
    %shift_left3A_1944 = arith.constant 15 : i32
    %shift_left3A_1945 = vector.broadcast %shift_left3A_1944 : i32 to vector<512x256xi32>
    %shift_left3A_1946 = arith.shli %xor3A_1942, %shift_left3A_1945 : vector<512x256xi32>
    %shift_right_logical3A_1947 = arith.constant 17 : i32
    %shift_right_logical3A_1948 = vector.broadcast %shift_right_logical3A_1947 : i32 to vector<512x256xi32>
    %shift_right_logical3A_1949 = arith.shrui %xor3A_1942, %shift_right_logical3A_1948 : vector<512x256xi32>
    %or3A_1950 = arith.ori %shift_left3A_1946, %shift_right_logical3A_1949 : vector<512x256xi32>
    %xor3A_1951 = arith.xori %add3A_1943, %or3A_1950 : vector<512x256xi32>
    %add3A_1952 = arith.addi %add3A_1943, %xor3A_1951 : vector<512x256xi32>
    %shift_left3A_1953 = arith.constant 26 : i32
    %shift_left3A_1954 = vector.broadcast %shift_left3A_1953 : i32 to vector<512x256xi32>
    %shift_left3A_1955 = arith.shli %xor3A_1951, %shift_left3A_1954 : vector<512x256xi32>
    %shift_right_logical3A_1956 = arith.constant 6 : i32
    %shift_right_logical3A_1957 = vector.broadcast %shift_right_logical3A_1956 : i32 to vector<512x256xi32>
    %shift_right_logical3A_1958 = arith.shrui %xor3A_1951, %shift_right_logical3A_1957 : vector<512x256xi32>
    %or3A_1959 = arith.ori %shift_left3A_1955, %shift_right_logical3A_1958 : vector<512x256xi32>
    %xor3A_1960 = arith.xori %add3A_1952, %or3A_1959 : vector<512x256xi32>
    %add3A_1961 = arith.addi %add3A_1952, %xor3A_1960 : vector<512x256xi32>
    %shift_left3A_1962 = arith.constant 6 : i32
    %shift_left3A_1963 = vector.broadcast %shift_left3A_1962 : i32 to vector<512x256xi32>
    %shift_left3A_1964 = arith.shli %xor3A_1960, %shift_left3A_1963 : vector<512x256xi32>
    %shift_right_logical3A_1965 = arith.constant 26 : i32
    %shift_right_logical3A_1966 = vector.broadcast %shift_right_logical3A_1965 : i32 to vector<512x256xi32>
    %shift_right_logical3A_1967 = arith.shrui %xor3A_1960, %shift_right_logical3A_1966 : vector<512x256xi32>
    %or3A_1968 = arith.ori %shift_left3A_1964, %shift_right_logical3A_1967 : vector<512x256xi32>
    %xor3A_1969 = arith.xori %add3A_1961, %or3A_1968 : vector<512x256xi32>
    %add3A_1970 = arith.constant -1829035798 : i32
    %add3A_1971 = vector.broadcast %add3A_1970 : i32 to vector<512x256xi32>
    %add3A_1972 = arith.addi %add3A_1961, %add3A_1971 : vector<512x256xi32>
    %add3A_1973 = arith.constant 255383830 : i32
    %add3A_1974 = vector.broadcast %add3A_1973 : i32 to vector<512x256xi32>
    %add3A_1975 = arith.addi %xor3A_1969, %add3A_1974 : vector<512x256xi32>
    %add3A_1976 = arith.addi %add3A_1972, %add3A_1975 : vector<512x256xi32>
    %shift_left3A_1977 = arith.constant 17 : i32
    %shift_left3A_1978 = vector.broadcast %shift_left3A_1977 : i32 to vector<512x256xi32>
    %shift_left3A_1979 = arith.shli %add3A_1975, %shift_left3A_1978 : vector<512x256xi32>
    %shift_right_logical3A_1980 = arith.constant 15 : i32
    %shift_right_logical3A_1981 = vector.broadcast %shift_right_logical3A_1980 : i32 to vector<512x256xi32>
    %shift_right_logical3A_1982 = arith.shrui %add3A_1975, %shift_right_logical3A_1981 : vector<512x256xi32>
    %or3A_1983 = arith.ori %shift_left3A_1979, %shift_right_logical3A_1982 : vector<512x256xi32>
    %xor3A_1984 = arith.xori %add3A_1976, %or3A_1983 : vector<512x256xi32>
    %add3A_1985 = arith.addi %add3A_1976, %xor3A_1984 : vector<512x256xi32>
    %shift_left3A_1986 = arith.constant 29 : i32
    %shift_left3A_1987 = vector.broadcast %shift_left3A_1986 : i32 to vector<512x256xi32>
    %shift_left3A_1988 = arith.shli %xor3A_1984, %shift_left3A_1987 : vector<512x256xi32>
    %shift_right_logical3A_1989 = arith.constant 3 : i32
    %shift_right_logical3A_1990 = vector.broadcast %shift_right_logical3A_1989 : i32 to vector<512x256xi32>
    %shift_right_logical3A_1991 = arith.shrui %xor3A_1984, %shift_right_logical3A_1990 : vector<512x256xi32>
    %or3A_1992 = arith.ori %shift_left3A_1988, %shift_right_logical3A_1991 : vector<512x256xi32>
    %xor3A_1993 = arith.xori %add3A_1985, %or3A_1992 : vector<512x256xi32>
    %add3A_1994 = arith.addi %add3A_1985, %xor3A_1993 : vector<512x256xi32>
    %shift_left3A_1995 = arith.constant 16 : i32
    %shift_left3A_1996 = vector.broadcast %shift_left3A_1995 : i32 to vector<512x256xi32>
    %shift_left3A_1997 = arith.shli %xor3A_1993, %shift_left3A_1996 : vector<512x256xi32>
    %shift_right_logical3A_1998 = arith.constant 16 : i32
    %shift_right_logical3A_1999 = vector.broadcast %shift_right_logical3A_1998 : i32 to vector<512x256xi32>
    %shift_right_logical3A_2000 = arith.shrui %xor3A_1993, %shift_right_logical3A_1999 : vector<512x256xi32>
    %or3A_2001 = arith.ori %shift_left3A_1997, %shift_right_logical3A_2000 : vector<512x256xi32>
    %xor3A_2002 = arith.xori %add3A_1994, %or3A_2001 : vector<512x256xi32>
    %add3A_2003 = arith.addi %add3A_1994, %xor3A_2002 : vector<512x256xi32>
    %shift_left3A_2004 = arith.constant 24 : i32
    %shift_left3A_2005 = vector.broadcast %shift_left3A_2004 : i32 to vector<512x256xi32>
    %shift_left3A_2006 = arith.shli %xor3A_2002, %shift_left3A_2005 : vector<512x256xi32>
    %shift_right_logical3A_2007 = arith.constant 8 : i32
    %shift_right_logical3A_2008 = vector.broadcast %shift_right_logical3A_2007 : i32 to vector<512x256xi32>
    %shift_right_logical3A_2009 = arith.shrui %xor3A_2002, %shift_right_logical3A_2008 : vector<512x256xi32>
    %or3A_2010 = arith.ori %shift_left3A_2006, %shift_right_logical3A_2009 : vector<512x256xi32>
    %xor3A_2011 = arith.xori %add3A_2003, %or3A_2010 : vector<512x256xi32>
    %add3A_2012 = arith.constant 255383827 : i32
    %add3A_2013 = vector.broadcast %add3A_2012 : i32 to vector<512x256xi32>
    %add3A_2014 = arith.addi %add3A_2003, %add3A_2013 : vector<512x256xi32>
    %add3A_2015 = arith.constant -2045582809 : i32
    %add3A_2016 = vector.broadcast %add3A_2015 : i32 to vector<512x256xi32>
    %add3A_2017 = arith.addi %xor3A_2011, %add3A_2016 : vector<512x256xi32>
    %add3A_2018 = arith.addi %add3A_2014, %add3A_2017 : vector<512x256xi32>
    %shift_left3A_2019 = arith.constant 13 : i32
    %shift_left3A_2020 = vector.broadcast %shift_left3A_2019 : i32 to vector<512x256xi32>
    %shift_left3A_2021 = arith.shli %add3A_2017, %shift_left3A_2020 : vector<512x256xi32>
    %shift_right_logical3A_2022 = arith.constant 19 : i32
    %shift_right_logical3A_2023 = vector.broadcast %shift_right_logical3A_2022 : i32 to vector<512x256xi32>
    %shift_right_logical3A_2024 = arith.shrui %add3A_2017, %shift_right_logical3A_2023 : vector<512x256xi32>
    %or3A_2025 = arith.ori %shift_left3A_2021, %shift_right_logical3A_2024 : vector<512x256xi32>
    %xor3A_2026 = arith.xori %add3A_2018, %or3A_2025 : vector<512x256xi32>
    %add3A_2027 = arith.addi %add3A_2018, %xor3A_2026 : vector<512x256xi32>
    %shift_left3A_2028 = arith.constant 15 : i32
    %shift_left3A_2029 = vector.broadcast %shift_left3A_2028 : i32 to vector<512x256xi32>
    %shift_left3A_2030 = arith.shli %xor3A_2026, %shift_left3A_2029 : vector<512x256xi32>
    %shift_right_logical3A_2031 = arith.constant 17 : i32
    %shift_right_logical3A_2032 = vector.broadcast %shift_right_logical3A_2031 : i32 to vector<512x256xi32>
    %shift_right_logical3A_2033 = arith.shrui %xor3A_2026, %shift_right_logical3A_2032 : vector<512x256xi32>
    %or3A_2034 = arith.ori %shift_left3A_2030, %shift_right_logical3A_2033 : vector<512x256xi32>
    %xor3A_2035 = arith.xori %add3A_2027, %or3A_2034 : vector<512x256xi32>
    %add3A_2036 = arith.addi %add3A_2027, %xor3A_2035 : vector<512x256xi32>
    %shift_left3A_2037 = arith.constant 26 : i32
    %shift_left3A_2038 = vector.broadcast %shift_left3A_2037 : i32 to vector<512x256xi32>
    %shift_left3A_2039 = arith.shli %xor3A_2035, %shift_left3A_2038 : vector<512x256xi32>
    %shift_right_logical3A_2040 = arith.constant 6 : i32
    %shift_right_logical3A_2041 = vector.broadcast %shift_right_logical3A_2040 : i32 to vector<512x256xi32>
    %shift_right_logical3A_2042 = arith.shrui %xor3A_2035, %shift_right_logical3A_2041 : vector<512x256xi32>
    %or3A_2043 = arith.ori %shift_left3A_2039, %shift_right_logical3A_2042 : vector<512x256xi32>
    %xor3A_2044 = arith.xori %add3A_2036, %or3A_2043 : vector<512x256xi32>
    %add3A_2045 = arith.addi %add3A_2036, %xor3A_2044 : vector<512x256xi32>
    %shift_left3A_2046 = arith.constant 6 : i32
    %shift_left3A_2047 = vector.broadcast %shift_left3A_2046 : i32 to vector<512x256xi32>
    %shift_left3A_2048 = arith.shli %xor3A_2044, %shift_left3A_2047 : vector<512x256xi32>
    %shift_right_logical3A_2049 = arith.constant 26 : i32
    %shift_right_logical3A_2050 = vector.broadcast %shift_right_logical3A_2049 : i32 to vector<512x256xi32>
    %shift_right_logical3A_2051 = arith.shrui %xor3A_2044, %shift_right_logical3A_2050 : vector<512x256xi32>
    %or3A_2052 = arith.ori %shift_left3A_2048, %shift_right_logical3A_2051 : vector<512x256xi32>
    %xor3A_2053 = arith.xori %add3A_2045, %or3A_2052 : vector<512x256xi32>
    %add3A_2054 = arith.constant -2045582813 : i32
    %add3A_2055 = vector.broadcast %add3A_2054 : i32 to vector<512x256xi32>
    %add3A_2056 = arith.addi %add3A_2045, %add3A_2055 : vector<512x256xi32>
    %add3A_2057 = arith.constant -1829035793 : i32
    %add3A_2058 = vector.broadcast %add3A_2057 : i32 to vector<512x256xi32>
    %add3A_2059 = arith.addi %xor3A_2053, %add3A_2058 : vector<512x256xi32>
    %xor3A_2060 = arith.xori %add3A_2056, %add3A_2059 : vector<512x256xi32>
    %shift_right_logical3A_2061 = arith.constant 9 : i32
    %shift_right_logical3A_2062 = vector.broadcast %shift_right_logical3A_2061 : i32 to vector<512x256xi32>
    %shift_right_logical3A_2063 = arith.shrui %xor3A_2060, %shift_right_logical3A_2062 : vector<512x256xi32>
    %or3A_2064 = arith.constant 1065353216 : i32
    %or3A_2065 = vector.broadcast %or3A_2064 : i32 to vector<512x256xi32>
    %or3A_2066 = arith.ori %shift_right_logical3A_2063, %or3A_2065 : vector<512x256xi32>
    %bitcast_convert_type3A_2067 = tpu.bitcast %or3A_2066 : vector<512x256xi32> -> vector<512x256xf32>
    %sub3A_2068 = arith.constant 1.000000e+00 : f32
    %sub3A_2069 = vector.broadcast %sub3A_2068 : f32 to vector<512x256xf32>
    %sub3A_2070 = arith.subf %bitcast_convert_type3A_2067, %sub3A_2069 : vector<512x256xf32>
    %add3A_2071 = arith.constant 1.17549435E-38 : f32
    %add3A_2072 = vector.broadcast %add3A_2071 : f32 to vector<512x256xf32>
    %add3A_2073 = arith.addf %sub3A_2070, %add3A_2072 : vector<512x256xf32>
    %max3A_2074 = arith.constant 1.17549435E-38 : f32
    %max3A_2075 = vector.broadcast %max3A_2074 : f32 to vector<512x256xf32>
    %max3A_2076 = arith.maximumf %max3A_2075, %add3A_2073 : vector<512x256xf32>
    %log3A_2077 = math.log %max3A_2076 : vector<512x256xf32>
    %neg3A_2078 = arith.constant 0.000000e+00 : f32
    %neg3A_2079 = vector.broadcast %neg3A_2078 : f32 to vector<512x256xf32>
    %neg3A_2080 = arith.subf %neg3A_2079, %log3A_2077 : vector<512x256xf32>
    %log3A_2081 = math.log %neg3A_2080 : vector<512x256xf32>
    %neg3A_2082 = arith.constant 0.000000e+00 : f32
    %neg3A_2083 = vector.broadcast %neg3A_2082 : f32 to vector<512x256xf32>
    %neg3A_2084 = arith.subf %neg3A_2083, %log3A_2081 : vector<512x256xf32>
    %add3A_2085 = arith.addf %neg3A_2084, %sub3A_1583 : vector<512x256xf32>
    %reduce_max3A_2086 = arith.constant dense<0xFF800000> : vector<512xf32>
    %reduce_max3A_2087 = vector.multi_reduction <maximumf>, %add3A_2085, %reduce_max3A_2086 [1] : vector<512x256xf32> to vector<512xf32>
    %broadcast_in_dim3A_2088 = vector.shape_cast %reduce_max3A_2087 : vector<512xf32> to vector<512x1xf32>
    %eq3A_2089 = vector.broadcast %broadcast_in_dim3A_2088 : vector<512x1xf32> to vector<512x256xf32>
    %eq3A_2090 = arith.cmpf oeq, %add3A_2085, %eq3A_2089 : vector<512x256xf32>
    %jit3A_2091 = arith.constant 256 : i32
    %broadcast_in_dim3A_2092 = vector.broadcast %jit3A_2091 : i32 to vector<512x256xi32>
    %select_n3A_2093 = arith.select %eq3A_2090, %iota3A_15, %broadcast_in_dim3A_2092 : vector<512x256xi1>, vector<512x256xi32>
    %reduce_min3A_2094 = arith.constant dense<2147483647> : vector<512xi32>
    %reduce_min3A_2095 = vector.multi_reduction <minsi>, %select_n3A_2093, %reduce_min3A_2094 [1] : vector<512x256xi32> to vector<512xi32>
    %broadcast_in_dim3A_2096 = vector.shape_cast %reduce_min3A_2095 : vector<512xi32> to vector<512x1xi32>
    %swap3A_2097 = arith.constant 0 : index
    %swap3A_2098 = arith.constant 5 : index
    %swap3A_2099 = vector.load %arg6[%swap3A_2097, %swap3A_2098] : memref<512x128xi32, #tpu.memory_space<vmem>>, vector<512x1xi32>
    tpu.vector_store %arg6[%swap3A_2097, %swap3A_2098], %broadcast_in_dim3A_2096 {strides = array<i32>} : memref<512x128xi32, #tpu.memory_space<vmem>>, vector<512x1xi32>,
    %add3A_2100 = arith.constant 8388608 : i32
    %add3A_2101 = vector.broadcast %add3A_2100 : i32 to vector<512x256xi32>
    %add3A_2102 = arith.addi %add3A_19, %add3A_2101 : vector<512x256xi32>
    %broadcast_in_dim3A_2103 = arith.constant -1829035798 : i32
    %broadcast_in_dim3A_2104 = vector.broadcast %broadcast_in_dim3A_2103 : i32 to vector<512x256xi32>
    %add3A_2105 = arith.constant 255383827 : i32
    %add3A_2106 = vector.broadcast %add3A_2105 : i32 to vector<512x256xi32>
    %add3A_2107 = arith.addi %add3A_2102, %add3A_2106 : vector<512x256xi32>
    %add3A_2108 = arith.addi %broadcast_in_dim3A_2104, %add3A_2107 : vector<512x256xi32>
    %shift_left3A_2109 = arith.constant 13 : i32
    %shift_left3A_2110 = vector.broadcast %shift_left3A_2109 : i32 to vector<512x256xi32>
    %shift_left3A_2111 = arith.shli %add3A_2107, %shift_left3A_2110 : vector<512x256xi32>
    %shift_right_logical3A_2112 = arith.constant 19 : i32
    %shift_right_logical3A_2113 = vector.broadcast %shift_right_logical3A_2112 : i32 to vector<512x256xi32>
    %shift_right_logical3A_2114 = arith.shrui %add3A_2107, %shift_right_logical3A_2113 : vector<512x256xi32>
    %or3A_2115 = arith.ori %shift_left3A_2111, %shift_right_logical3A_2114 : vector<512x256xi32>
    %xor3A_2116 = arith.xori %add3A_2108, %or3A_2115 : vector<512x256xi32>
    %add3A_2117 = arith.addi %add3A_2108, %xor3A_2116 : vector<512x256xi32>
    %shift_left3A_2118 = arith.constant 15 : i32
    %shift_left3A_2119 = vector.broadcast %shift_left3A_2118 : i32 to vector<512x256xi32>
    %shift_left3A_2120 = arith.shli %xor3A_2116, %shift_left3A_2119 : vector<512x256xi32>
    %shift_right_logical3A_2121 = arith.constant 17 : i32
    %shift_right_logical3A_2122 = vector.broadcast %shift_right_logical3A_2121 : i32 to vector<512x256xi32>
    %shift_right_logical3A_2123 = arith.shrui %xor3A_2116, %shift_right_logical3A_2122 : vector<512x256xi32>
    %or3A_2124 = arith.ori %shift_left3A_2120, %shift_right_logical3A_2123 : vector<512x256xi32>
    %xor3A_2125 = arith.xori %add3A_2117, %or3A_2124 : vector<512x256xi32>
    %add3A_2126 = arith.addi %add3A_2117, %xor3A_2125 : vector<512x256xi32>
    %shift_left3A_2127 = arith.constant 26 : i32
    %shift_left3A_2128 = vector.broadcast %shift_left3A_2127 : i32 to vector<512x256xi32>
    %shift_left3A_2129 = arith.shli %xor3A_2125, %shift_left3A_2128 : vector<512x256xi32>
    %shift_right_logical3A_2130 = arith.constant 6 : i32
    %shift_right_logical3A_2131 = vector.broadcast %shift_right_logical3A_2130 : i32 to vector<512x256xi32>
    %shift_right_logical3A_2132 = arith.shrui %xor3A_2125, %shift_right_logical3A_2131 : vector<512x256xi32>
    %or3A_2133 = arith.ori %shift_left3A_2129, %shift_right_logical3A_2132 : vector<512x256xi32>
    %xor3A_2134 = arith.xori %add3A_2126, %or3A_2133 : vector<512x256xi32>
    %add3A_2135 = arith.addi %add3A_2126, %xor3A_2134 : vector<512x256xi32>
    %shift_left3A_2136 = arith.constant 6 : i32
    %shift_left3A_2137 = vector.broadcast %shift_left3A_2136 : i32 to vector<512x256xi32>
    %shift_left3A_2138 = arith.shli %xor3A_2134, %shift_left3A_2137 : vector<512x256xi32>
    %shift_right_logical3A_2139 = arith.constant 26 : i32
    %shift_right_logical3A_2140 = vector.broadcast %shift_right_logical3A_2139 : i32 to vector<512x256xi32>
    %shift_right_logical3A_2141 = arith.shrui %xor3A_2134, %shift_right_logical3A_2140 : vector<512x256xi32>
    %or3A_2142 = arith.ori %shift_left3A_2138, %shift_right_logical3A_2141 : vector<512x256xi32>
    %xor3A_2143 = arith.xori %add3A_2135, %or3A_2142 : vector<512x256xi32>
    %add3A_2144 = arith.constant 255383827 : i32
    %add3A_2145 = vector.broadcast %add3A_2144 : i32 to vector<512x256xi32>
    %add3A_2146 = arith.addi %add3A_2135, %add3A_2145 : vector<512x256xi32>
    %add3A_2147 = arith.constant -2045582812 : i32
    %add3A_2148 = vector.broadcast %add3A_2147 : i32 to vector<512x256xi32>
    %add3A_2149 = arith.addi %xor3A_2143, %add3A_2148 : vector<512x256xi32>
    %add3A_2150 = arith.addi %add3A_2146, %add3A_2149 : vector<512x256xi32>
    %shift_left3A_2151 = arith.constant 17 : i32
    %shift_left3A_2152 = vector.broadcast %shift_left3A_2151 : i32 to vector<512x256xi32>
    %shift_left3A_2153 = arith.shli %add3A_2149, %shift_left3A_2152 : vector<512x256xi32>
    %shift_right_logical3A_2154 = arith.constant 15 : i32
    %shift_right_logical3A_2155 = vector.broadcast %shift_right_logical3A_2154 : i32 to vector<512x256xi32>
    %shift_right_logical3A_2156 = arith.shrui %add3A_2149, %shift_right_logical3A_2155 : vector<512x256xi32>
    %or3A_2157 = arith.ori %shift_left3A_2153, %shift_right_logical3A_2156 : vector<512x256xi32>
    %xor3A_2158 = arith.xori %add3A_2150, %or3A_2157 : vector<512x256xi32>
    %add3A_2159 = arith.addi %add3A_2150, %xor3A_2158 : vector<512x256xi32>
    %shift_left3A_2160 = arith.constant 29 : i32
    %shift_left3A_2161 = vector.broadcast %shift_left3A_2160 : i32 to vector<512x256xi32>
    %shift_left3A_2162 = arith.shli %xor3A_2158, %shift_left3A_2161 : vector<512x256xi32>
    %shift_right_logical3A_2163 = arith.constant 3 : i32
    %shift_right_logical3A_2164 = vector.broadcast %shift_right_logical3A_2163 : i32 to vector<512x256xi32>
    %shift_right_logical3A_2165 = arith.shrui %xor3A_2158, %shift_right_logical3A_2164 : vector<512x256xi32>
    %or3A_2166 = arith.ori %shift_left3A_2162, %shift_right_logical3A_2165 : vector<512x256xi32>
    %xor3A_2167 = arith.xori %add3A_2159, %or3A_2166 : vector<512x256xi32>
    %add3A_2168 = arith.addi %add3A_2159, %xor3A_2167 : vector<512x256xi32>
    %shift_left3A_2169 = arith.constant 16 : i32
    %shift_left3A_2170 = vector.broadcast %shift_left3A_2169 : i32 to vector<512x256xi32>
    %shift_left3A_2171 = arith.shli %xor3A_2167, %shift_left3A_2170 : vector<512x256xi32>
    %shift_right_logical3A_2172 = arith.constant 16 : i32
    %shift_right_logical3A_2173 = vector.broadcast %shift_right_logical3A_2172 : i32 to vector<512x256xi32>
    %shift_right_logical3A_2174 = arith.shrui %xor3A_2167, %shift_right_logical3A_2173 : vector<512x256xi32>
    %or3A_2175 = arith.ori %shift_left3A_2171, %shift_right_logical3A_2174 : vector<512x256xi32>
    %xor3A_2176 = arith.xori %add3A_2168, %or3A_2175 : vector<512x256xi32>
    %add3A_2177 = arith.addi %add3A_2168, %xor3A_2176 : vector<512x256xi32>
    %shift_left3A_2178 = arith.constant 24 : i32
    %shift_left3A_2179 = vector.broadcast %shift_left3A_2178 : i32 to vector<512x256xi32>
    %shift_left3A_2180 = arith.shli %xor3A_2176, %shift_left3A_2179 : vector<512x256xi32>
    %shift_right_logical3A_2181 = arith.constant 8 : i32
    %shift_right_logical3A_2182 = vector.broadcast %shift_right_logical3A_2181 : i32 to vector<512x256xi32>
    %shift_right_logical3A_2183 = arith.shrui %xor3A_2176, %shift_right_logical3A_2182 : vector<512x256xi32>
    %or3A_2184 = arith.ori %shift_left3A_2180, %shift_right_logical3A_2183 : vector<512x256xi32>
    %xor3A_2185 = arith.xori %add3A_2177, %or3A_2184 : vector<512x256xi32>
    %add3A_2186 = arith.constant -2045582813 : i32
    %add3A_2187 = vector.broadcast %add3A_2186 : i32 to vector<512x256xi32>
    %add3A_2188 = arith.addi %add3A_2177, %add3A_2187 : vector<512x256xi32>
    %add3A_2189 = arith.constant -1829035796 : i32
    %add3A_2190 = vector.broadcast %add3A_2189 : i32 to vector<512x256xi32>
    %add3A_2191 = arith.addi %xor3A_2185, %add3A_2190 : vector<512x256xi32>
    %add3A_2192 = arith.addi %add3A_2188, %add3A_2191 : vector<512x256xi32>
    %shift_left3A_2193 = arith.constant 13 : i32
    %shift_left3A_2194 = vector.broadcast %shift_left3A_2193 : i32 to vector<512x256xi32>
    %shift_left3A_2195 = arith.shli %add3A_2191, %shift_left3A_2194 : vector<512x256xi32>
    %shift_right_logical3A_2196 = arith.constant 19 : i32
    %shift_right_logical3A_2197 = vector.broadcast %shift_right_logical3A_2196 : i32 to vector<512x256xi32>
    %shift_right_logical3A_2198 = arith.shrui %add3A_2191, %shift_right_logical3A_2197 : vector<512x256xi32>
    %or3A_2199 = arith.ori %shift_left3A_2195, %shift_right_logical3A_2198 : vector<512x256xi32>
    %xor3A_2200 = arith.xori %add3A_2192, %or3A_2199 : vector<512x256xi32>
    %add3A_2201 = arith.addi %add3A_2192, %xor3A_2200 : vector<512x256xi32>
    %shift_left3A_2202 = arith.constant 15 : i32
    %shift_left3A_2203 = vector.broadcast %shift_left3A_2202 : i32 to vector<512x256xi32>
    %shift_left3A_2204 = arith.shli %xor3A_2200, %shift_left3A_2203 : vector<512x256xi32>
    %shift_right_logical3A_2205 = arith.constant 17 : i32
    %shift_right_logical3A_2206 = vector.broadcast %shift_right_logical3A_2205 : i32 to vector<512x256xi32>
    %shift_right_logical3A_2207 = arith.shrui %xor3A_2200, %shift_right_logical3A_2206 : vector<512x256xi32>
    %or3A_2208 = arith.ori %shift_left3A_2204, %shift_right_logical3A_2207 : vector<512x256xi32>
    %xor3A_2209 = arith.xori %add3A_2201, %or3A_2208 : vector<512x256xi32>
    %add3A_2210 = arith.addi %add3A_2201, %xor3A_2209 : vector<512x256xi32>
    %shift_left3A_2211 = arith.constant 26 : i32
    %shift_left3A_2212 = vector.broadcast %shift_left3A_2211 : i32 to vector<512x256xi32>
    %shift_left3A_2213 = arith.shli %xor3A_2209, %shift_left3A_2212 : vector<512x256xi32>
    %shift_right_logical3A_2214 = arith.constant 6 : i32
    %shift_right_logical3A_2215 = vector.broadcast %shift_right_logical3A_2214 : i32 to vector<512x256xi32>
    %shift_right_logical3A_2216 = arith.shrui %xor3A_2209, %shift_right_logical3A_2215 : vector<512x256xi32>
    %or3A_2217 = arith.ori %shift_left3A_2213, %shift_right_logical3A_2216 : vector<512x256xi32>
    %xor3A_2218 = arith.xori %add3A_2210, %or3A_2217 : vector<512x256xi32>
    %add3A_2219 = arith.addi %add3A_2210, %xor3A_2218 : vector<512x256xi32>
    %shift_left3A_2220 = arith.constant 6 : i32
    %shift_left3A_2221 = vector.broadcast %shift_left3A_2220 : i32 to vector<512x256xi32>
    %shift_left3A_2222 = arith.shli %xor3A_2218, %shift_left3A_2221 : vector<512x256xi32>
    %shift_right_logical3A_2223 = arith.constant 26 : i32
    %shift_right_logical3A_2224 = vector.broadcast %shift_right_logical3A_2223 : i32 to vector<512x256xi32>
    %shift_right_logical3A_2225 = arith.shrui %xor3A_2218, %shift_right_logical3A_2224 : vector<512x256xi32>
    %or3A_2226 = arith.ori %shift_left3A_2222, %shift_right_logical3A_2225 : vector<512x256xi32>
    %xor3A_2227 = arith.xori %add3A_2219, %or3A_2226 : vector<512x256xi32>
    %add3A_2228 = arith.constant -1829035798 : i32
    %add3A_2229 = vector.broadcast %add3A_2228 : i32 to vector<512x256xi32>
    %add3A_2230 = arith.addi %add3A_2219, %add3A_2229 : vector<512x256xi32>
    %add3A_2231 = arith.constant 255383830 : i32
    %add3A_2232 = vector.broadcast %add3A_2231 : i32 to vector<512x256xi32>
    %add3A_2233 = arith.addi %xor3A_2227, %add3A_2232 : vector<512x256xi32>
    %add3A_2234 = arith.addi %add3A_2230, %add3A_2233 : vector<512x256xi32>
    %shift_left3A_2235 = arith.constant 17 : i32
    %shift_left3A_2236 = vector.broadcast %shift_left3A_2235 : i32 to vector<512x256xi32>
    %shift_left3A_2237 = arith.shli %add3A_2233, %shift_left3A_2236 : vector<512x256xi32>
    %shift_right_logical3A_2238 = arith.constant 15 : i32
    %shift_right_logical3A_2239 = vector.broadcast %shift_right_logical3A_2238 : i32 to vector<512x256xi32>
    %shift_right_logical3A_2240 = arith.shrui %add3A_2233, %shift_right_logical3A_2239 : vector<512x256xi32>
    %or3A_2241 = arith.ori %shift_left3A_2237, %shift_right_logical3A_2240 : vector<512x256xi32>
    %xor3A_2242 = arith.xori %add3A_2234, %or3A_2241 : vector<512x256xi32>
    %add3A_2243 = arith.addi %add3A_2234, %xor3A_2242 : vector<512x256xi32>
    %shift_left3A_2244 = arith.constant 29 : i32
    %shift_left3A_2245 = vector.broadcast %shift_left3A_2244 : i32 to vector<512x256xi32>
    %shift_left3A_2246 = arith.shli %xor3A_2242, %shift_left3A_2245 : vector<512x256xi32>
    %shift_right_logical3A_2247 = arith.constant 3 : i32
    %shift_right_logical3A_2248 = vector.broadcast %shift_right_logical3A_2247 : i32 to vector<512x256xi32>
    %shift_right_logical3A_2249 = arith.shrui %xor3A_2242, %shift_right_logical3A_2248 : vector<512x256xi32>
    %or3A_2250 = arith.ori %shift_left3A_2246, %shift_right_logical3A_2249 : vector<512x256xi32>
    %xor3A_2251 = arith.xori %add3A_2243, %or3A_2250 : vector<512x256xi32>
    %add3A_2252 = arith.addi %add3A_2243, %xor3A_2251 : vector<512x256xi32>
    %shift_left3A_2253 = arith.constant 16 : i32
    %shift_left3A_2254 = vector.broadcast %shift_left3A_2253 : i32 to vector<512x256xi32>
    %shift_left3A_2255 = arith.shli %xor3A_2251, %shift_left3A_2254 : vector<512x256xi32>
    %shift_right_logical3A_2256 = arith.constant 16 : i32
    %shift_right_logical3A_2257 = vector.broadcast %shift_right_logical3A_2256 : i32 to vector<512x256xi32>
    %shift_right_logical3A_2258 = arith.shrui %xor3A_2251, %shift_right_logical3A_2257 : vector<512x256xi32>
    %or3A_2259 = arith.ori %shift_left3A_2255, %shift_right_logical3A_2258 : vector<512x256xi32>
    %xor3A_2260 = arith.xori %add3A_2252, %or3A_2259 : vector<512x256xi32>
    %add3A_2261 = arith.addi %add3A_2252, %xor3A_2260 : vector<512x256xi32>
    %shift_left3A_2262 = arith.constant 24 : i32
    %shift_left3A_2263 = vector.broadcast %shift_left3A_2262 : i32 to vector<512x256xi32>
    %shift_left3A_2264 = arith.shli %xor3A_2260, %shift_left3A_2263 : vector<512x256xi32>
    %shift_right_logical3A_2265 = arith.constant 8 : i32
    %shift_right_logical3A_2266 = vector.broadcast %shift_right_logical3A_2265 : i32 to vector<512x256xi32>
    %shift_right_logical3A_2267 = arith.shrui %xor3A_2260, %shift_right_logical3A_2266 : vector<512x256xi32>
    %or3A_2268 = arith.ori %shift_left3A_2264, %shift_right_logical3A_2267 : vector<512x256xi32>
    %xor3A_2269 = arith.xori %add3A_2261, %or3A_2268 : vector<512x256xi32>
    %add3A_2270 = arith.constant 255383827 : i32
    %add3A_2271 = vector.broadcast %add3A_2270 : i32 to vector<512x256xi32>
    %add3A_2272 = arith.addi %add3A_2261, %add3A_2271 : vector<512x256xi32>
    %add3A_2273 = arith.constant -2045582809 : i32
    %add3A_2274 = vector.broadcast %add3A_2273 : i32 to vector<512x256xi32>
    %add3A_2275 = arith.addi %xor3A_2269, %add3A_2274 : vector<512x256xi32>
    %add3A_2276 = arith.addi %add3A_2272, %add3A_2275 : vector<512x256xi32>
    %shift_left3A_2277 = arith.constant 13 : i32
    %shift_left3A_2278 = vector.broadcast %shift_left3A_2277 : i32 to vector<512x256xi32>
    %shift_left3A_2279 = arith.shli %add3A_2275, %shift_left3A_2278 : vector<512x256xi32>
    %shift_right_logical3A_2280 = arith.constant 19 : i32
    %shift_right_logical3A_2281 = vector.broadcast %shift_right_logical3A_2280 : i32 to vector<512x256xi32>
    %shift_right_logical3A_2282 = arith.shrui %add3A_2275, %shift_right_logical3A_2281 : vector<512x256xi32>
    %or3A_2283 = arith.ori %shift_left3A_2279, %shift_right_logical3A_2282 : vector<512x256xi32>
    %xor3A_2284 = arith.xori %add3A_2276, %or3A_2283 : vector<512x256xi32>
    %add3A_2285 = arith.addi %add3A_2276, %xor3A_2284 : vector<512x256xi32>
    %shift_left3A_2286 = arith.constant 15 : i32
    %shift_left3A_2287 = vector.broadcast %shift_left3A_2286 : i32 to vector<512x256xi32>
    %shift_left3A_2288 = arith.shli %xor3A_2284, %shift_left3A_2287 : vector<512x256xi32>
    %shift_right_logical3A_2289 = arith.constant 17 : i32
    %shift_right_logical3A_2290 = vector.broadcast %shift_right_logical3A_2289 : i32 to vector<512x256xi32>
    %shift_right_logical3A_2291 = arith.shrui %xor3A_2284, %shift_right_logical3A_2290 : vector<512x256xi32>
    %or3A_2292 = arith.ori %shift_left3A_2288, %shift_right_logical3A_2291 : vector<512x256xi32>
    %xor3A_2293 = arith.xori %add3A_2285, %or3A_2292 : vector<512x256xi32>
    %add3A_2294 = arith.addi %add3A_2285, %xor3A_2293 : vector<512x256xi32>
    %shift_left3A_2295 = arith.constant 26 : i32
    %shift_left3A_2296 = vector.broadcast %shift_left3A_2295 : i32 to vector<512x256xi32>
    %shift_left3A_2297 = arith.shli %xor3A_2293, %shift_left3A_2296 : vector<512x256xi32>
    %shift_right_logical3A_2298 = arith.constant 6 : i32
    %shift_right_logical3A_2299 = vector.broadcast %shift_right_logical3A_2298 : i32 to vector<512x256xi32>
    %shift_right_logical3A_2300 = arith.shrui %xor3A_2293, %shift_right_logical3A_2299 : vector<512x256xi32>
    %or3A_2301 = arith.ori %shift_left3A_2297, %shift_right_logical3A_2300 : vector<512x256xi32>
    %xor3A_2302 = arith.xori %add3A_2294, %or3A_2301 : vector<512x256xi32>
    %add3A_2303 = arith.addi %add3A_2294, %xor3A_2302 : vector<512x256xi32>
    %shift_left3A_2304 = arith.constant 6 : i32
    %shift_left3A_2305 = vector.broadcast %shift_left3A_2304 : i32 to vector<512x256xi32>
    %shift_left3A_2306 = arith.shli %xor3A_2302, %shift_left3A_2305 : vector<512x256xi32>
    %shift_right_logical3A_2307 = arith.constant 26 : i32
    %shift_right_logical3A_2308 = vector.broadcast %shift_right_logical3A_2307 : i32 to vector<512x256xi32>
    %shift_right_logical3A_2309 = arith.shrui %xor3A_2302, %shift_right_logical3A_2308 : vector<512x256xi32>
    %or3A_2310 = arith.ori %shift_left3A_2306, %shift_right_logical3A_2309 : vector<512x256xi32>
    %xor3A_2311 = arith.xori %add3A_2303, %or3A_2310 : vector<512x256xi32>
    %add3A_2312 = arith.constant -2045582813 : i32
    %add3A_2313 = vector.broadcast %add3A_2312 : i32 to vector<512x256xi32>
    %add3A_2314 = arith.addi %add3A_2303, %add3A_2313 : vector<512x256xi32>
    %add3A_2315 = arith.constant -1829035793 : i32
    %add3A_2316 = vector.broadcast %add3A_2315 : i32 to vector<512x256xi32>
    %add3A_2317 = arith.addi %xor3A_2311, %add3A_2316 : vector<512x256xi32>
    %xor3A_2318 = arith.xori %add3A_2314, %add3A_2317 : vector<512x256xi32>
    %shift_right_logical3A_2319 = arith.constant 9 : i32
    %shift_right_logical3A_2320 = vector.broadcast %shift_right_logical3A_2319 : i32 to vector<512x256xi32>
    %shift_right_logical3A_2321 = arith.shrui %xor3A_2318, %shift_right_logical3A_2320 : vector<512x256xi32>
    %or3A_2322 = arith.constant 1065353216 : i32
    %or3A_2323 = vector.broadcast %or3A_2322 : i32 to vector<512x256xi32>
    %or3A_2324 = arith.ori %shift_right_logical3A_2321, %or3A_2323 : vector<512x256xi32>
    %bitcast_convert_type3A_2325 = tpu.bitcast %or3A_2324 : vector<512x256xi32> -> vector<512x256xf32>
    %sub3A_2326 = arith.constant 1.000000e+00 : f32
    %sub3A_2327 = vector.broadcast %sub3A_2326 : f32 to vector<512x256xf32>
    %sub3A_2328 = arith.subf %bitcast_convert_type3A_2325, %sub3A_2327 : vector<512x256xf32>
    %add3A_2329 = arith.constant 1.17549435E-38 : f32
    %add3A_2330 = vector.broadcast %add3A_2329 : f32 to vector<512x256xf32>
    %add3A_2331 = arith.addf %sub3A_2328, %add3A_2330 : vector<512x256xf32>
    %max3A_2332 = arith.constant 1.17549435E-38 : f32
    %max3A_2333 = vector.broadcast %max3A_2332 : f32 to vector<512x256xf32>
    %max3A_2334 = arith.maximumf %max3A_2333, %add3A_2331 : vector<512x256xf32>
    %log3A_2335 = math.log %max3A_2334 : vector<512x256xf32>
    %neg3A_2336 = arith.constant 0.000000e+00 : f32
    %neg3A_2337 = vector.broadcast %neg3A_2336 : f32 to vector<512x256xf32>
    %neg3A_2338 = arith.subf %neg3A_2337, %log3A_2335 : vector<512x256xf32>
    %log3A_2339 = math.log %neg3A_2338 : vector<512x256xf32>
    %neg3A_2340 = arith.constant 0.000000e+00 : f32
    %neg3A_2341 = vector.broadcast %neg3A_2340 : f32 to vector<512x256xf32>
    %neg3A_2342 = arith.subf %neg3A_2341, %log3A_2339 : vector<512x256xf32>
    %add3A_2343 = arith.addf %neg3A_2342, %sub3A_1583 : vector<512x256xf32>
    %reduce_max3A_2344 = arith.constant dense<0xFF800000> : vector<512xf32>
    %reduce_max3A_2345 = vector.multi_reduction <maximumf>, %add3A_2343, %reduce_max3A_2344 [1] : vector<512x256xf32> to vector<512xf32>
    %broadcast_in_dim3A_2346 = vector.shape_cast %reduce_max3A_2345 : vector<512xf32> to vector<512x1xf32>
    %eq3A_2347 = vector.broadcast %broadcast_in_dim3A_2346 : vector<512x1xf32> to vector<512x256xf32>
    %eq3A_2348 = arith.cmpf oeq, %add3A_2343, %eq3A_2347 : vector<512x256xf32>
    %jit3A_2349 = arith.constant 256 : i32
    %broadcast_in_dim3A_2350 = vector.broadcast %jit3A_2349 : i32 to vector<512x256xi32>
    %select_n3A_2351 = arith.select %eq3A_2348, %iota3A_15, %broadcast_in_dim3A_2350 : vector<512x256xi1>, vector<512x256xi32>
    %reduce_min3A_2352 = arith.constant dense<2147483647> : vector<512xi32>
    %reduce_min3A_2353 = vector.multi_reduction <minsi>, %select_n3A_2351, %reduce_min3A_2352 [1] : vector<512x256xi32> to vector<512xi32>
    %broadcast_in_dim3A_2354 = vector.shape_cast %reduce_min3A_2353 : vector<512xi32> to vector<512x1xi32>
    %swap3A_2355 = arith.constant 0 : index
    %swap3A_2356 = arith.constant 8 : index
    %swap3A_2357 = vector.load %arg6[%swap3A_2355, %swap3A_2356] : memref<512x128xi32, #tpu.memory_space<vmem>>, vector<512x1xi32>
    tpu.vector_store %arg6[%swap3A_2355, %swap3A_2356], %broadcast_in_dim3A_2354 {strides = array<i32>} : memref<512x128xi32, #tpu.memory_space<vmem>>, vector<512x1xi32>,
    return
  }
  func.func @transform_0(%arg0: i32) -> (i32, i32) {
    %c0_i32 = arith.constant 0 : i32
    %c0_i32_0 = arith.constant 0 : i32
    return %arg0, %c0_i32 : i32, i32
  }
  func.func @transform_1(%arg0: i32) -> (i32, i32) {
    %c0_i32 = arith.constant 0 : i32
    %c0_i32_0 = arith.constant 0 : i32
    %c0_i32_1 = arith.constant 0 : i32
    return %c0_i32, %c0_i32_0 : i32, i32
  }
  func.func @transform_2(%arg0: i32) -> (i32, i32) {
    %c0_i32 = arith.constant 0 : i32
    %c0_i32_0 = arith.constant 0 : i32
    %c0_i32_1 = arith.constant 0 : i32
    return %c0_i32, %c0_i32_0 : i32, i32
  }
  func.func @transform_3(%arg0: i32) -> (i32, i32) {
    %c0_i32 = arith.constant 0 : i32
    %c0_i32_0 = arith.constant 0 : i32
    %c0_i32_1 = arith.constant 0 : i32
    return %c0_i32, %c0_i32_0 : i32, i32
  }
  func.func @transform_4(%arg0: i32) -> (i32, i32) {
    %c0_i32 = arith.constant 0 : i32
    %c0_i32_0 = arith.constant 0 : i32
    %c0_i32_1 = arith.constant 0 : i32
    return %c0_i32, %c0_i32_0 : i32, i32
  }
  func.func @transform_5(%arg0: i32) -> (i32, i32) {
    %c0_i32 = arith.constant 0 : i32
    %c0_i32_0 = arith.constant 0 : i32
    return %arg0, %c0_i32 : i32, i32
  }
}

</mosaic_0001>

<sc_bundles>
// kernel: kernel.4.cloned.1.call-start
scs
__scs_entry_jumppad:
0x0: {  	(pc) =	sbr.rel $0x88, $3  }
0x1: {  	(tag) =	ssettag $0x0;
	lr =	simm.s32 $0x1  }
0x2: {  	[smem:$0x3F9B] =	sst lr;
	_ =	strace $0xD0000000  }
0x3: {  	_ = 	snop  }
0x4: {  	_ = 	snop  }
0x5: {  	_ = 	snop  }
0x6: {  	_ = 	snop  }
0x7: {  	_ = 	snop  }
__scs_overlays_trampoline_lowered:
0x8: {  	[smem:$0x3FAA] =	sst s0  }
0x9: {  	[smem:$0x3FAB] =	sst s1  }
0xa: {  	[smem:$0x3FAC] =	sst s2  }
0xb: {  	[smem:$0x3FAD] =	sst s3  }
0xc: {  	[smem:$0x3FAE] =	sst s4  }
0xd: {  	[smem:$0x3FAF] =	sst s5  }
0xe: {  	[smem:$0x3FB0] =	sst s6  }
0xf: {  	[smem:$0x3FB1] =	sst s7  }
0x10: {  	[smem:$0x3FB2] =	sst s8  }
0x11: {  	[smem:$0x3FB3] =	sst s9;
	s0 =	simm.s32 @!p0 $0x0  }
0x12: {  	s1 =	sld [smem:$0x3F99];
	s0 =	simm.s32 @p0 $0x1  }
0x13: {  	[smem:$0x3FB4] =	sst s0;
	s0 =	simm.s32 @!p1 $0x0  }
0x14: {  	s2 =	sld [smem:$0x3F98];
	s0 =	simm.s32 @p1 $0x1  }
0x15: {  	[smem:$0x3FB5] =	sst s0;
	s0 =	simm.s32 @!p2 $0x0  }
0x16: {  	s3 =	sld [smem:$0x3FDB];
	s0 =	simm.s32 @p2 $0x1  }
0x17: {  	s4 =	simm.s32 $0x1BF5;
	[smem:$0x3FB7] =	sst s0  }
0x18: {  	s0 =	sld [smem:$0x3F9A];
	_ =	swait.ge [sflag:s4], $0x0  }
0x19: {  	s7 =	sld [smem:$0x3F9B]  }
0x1a: {  	s8 =	sadd.s32 $0xFFFFE003, lr  }
0x1b: {  	s9 =	sadd.s32 $0xFFFFFEF7, lr;
	s5 =	simm.s32 $0xFFFFFFFF;
	p2 =	slt.u32 s8, $0xFFFFF086  }
0x1c: {  	p1 =	slt.u32 s9, $0xF7A;
	s5 =	simm.s32 @!p2 $0x0  }
0x1d: {  	s5 =	simm.s32 @p1 $0x1;
	p0 =	seq.s32 s7, s2  }
0x1e: {  	s7 =	smul.u32 @!p0 $0xF7A, s2;
	p2 =	seq.s32 @!p0 s5, $0x0  }
0x1f: {  	s9 =	smul.u32 $0xF7A, s1;
	s8 =	simm.s32 @!p0 $0x1BF5;
	p2 =	por !p2, p0  }
0x20: {  	[sflag:s8] =	ssyncset.s32 @!p0 $0xFFFFF086;
	s6 =	sadd.s32 @!p0 s3, s7;
	s7 =	simm.s32 @!p0 $0x108  }
0x21: {  	s3 =	sadd.s32 s3, s9;
	s6 =	sadd.s32 @!p0 $0x88, s6;
	s7 =	simm.s32 @p2 $0x1082  }
0x22: {  	[simem:s7], [sflag:s8] =	dma.local @!p0 [hbm:s6], $0xF7A  }
0x23: {  	s9 =	sor.u32 $0xD0000000, s2;
	s6 =	simm.s32 $0x108;
	_ =	swait.ge @!p0 [sflag:s8], $0x0  }
0x24: {  	s3 =	sadd.s32 $0x88, s3;
	s6 =	simm.s32 @!p1 $0x1082;
	[sflag:s4] =	ssyncset.s32 $0xFFFFF086  }
0x25: {  	[simem:s6], [sflag:s4] =	dma.local [hbm:s3], $0xF7A  }
0x26: {  	[smem:$0x3F9B] =	sst s1;
	(tag) =	ssettag s2;
	_ =	strace s9  }
0x27: {  	s1 =	sld [smem:$0x3FAB]  }
0x28: {  	s2 =	sld [smem:$0x3FAC]  }
0x29: {  	s4 =	sld [smem:$0x3FAE]  }
0x2a: {  	p0 =	seq.s32 s5, $0x0;
	s5 =	sld [smem:$0x3FAF]  }
0x2b: {  	s6 =	sld [smem:$0x3FB0]  }
0x2c: {  	s7 =	sld [smem:$0x3FB1]  }
0x2d: {  	s3 =	simm.s32 $0x108;
	s8 =	sld [smem:$0x3FB2]  }
0x2e: {  	s3 =	simm.s32 @!p0 $0x1082;
	s9 =	sld [smem:$0x3FB3]  }
0x2f: {  	lr =	sadd.s32 s0, s3;
	s0 =	sld [smem:$0x3FAA]  }
0x30: {  	s3 =	sld [smem:$0x3FAD]  }
0x31: {  	[smem:$0x3FB6] =	sst s10  }
0x32: {  	s10 =	sld [smem:$0x3FB4];
	_ =	sdelay $0x3  }
0x33: {  	p0 =	seq.s32 s10, $0x1;
	s10 =	sld [smem:$0x3FB6];
	_ =	sdelay $0x3  }
0x34: {  	[smem:$0x3FB6] =	sst s10  }
0x35: {  	s10 =	sld [smem:$0x3FB5];
	_ =	sdelay $0x3  }
0x36: {  	p1 =	seq.s32 s10, $0x1;
	s10 =	sld [smem:$0x3FB6];
	_ =	sdelay $0x3  }
0x37: {  	[smem:$0x3FB6] =	sst s10  }
0x38: {  	s10 =	sld [smem:$0x3FB7]  }
0x39: {  	_ = 	snop;
	(pc) =	sbr.ind lr, $3  }
0x3a: {  	_ = 	snop  }
0x3b: {  	_ = 	snop  }
0x3c: {  	p2 =	seq.s32 s10, $0x1;
	s10 =	sld [smem:$0x3FB6]  }
0x3d: {  	_ =	shalt  }
0x3e: {  	_ =	shalt  }
0x3f: {  	_ =	shalt  }
0x40: {  	_ =	shalt  }
0x41: {  	_ =	shalt  }
0x42: {  	_ =	shalt  }
0x43: {  	_ =	shalt  }
0x44: {  	_ =	shalt  }
0x45: {  	_ =	shalt  }
0x46: {  	_ =	shalt  }
0x47: {  	_ =	shalt  }
0x48: {  	_ =	shalt  }
0x49: {  	_ =	shalt  }
0x4a: {  	_ =	shalt  }
0x4b: {  	_ =	shalt  }
0x4c: {  	_ =	shalt  }
0x4d: {  	_ =	shalt  }
0x4e: {  	_ =	shalt  }
0x4f: {  	_ =	shalt  }
0x50: {  	_ =	shalt  }
0x51: {  	_ =	shalt  }
0x52: {  	_ =	shalt  }
0x53: {  	_ =	shalt  }
0x54: {  	_ =	shalt  }
0x55: {  	_ =	shalt  }
0x56: {  	_ =	shalt  }
0x57: {  	_ =	shalt  }
0x58: {  	_ =	shalt  }
0x59: {  	_ =	shalt  }
0x5a: {  	_ =	shalt  }
0x5b: {  	_ =	shalt  }
0x5c: {  	_ =	shalt  }
0x5d: {  	_ =	shalt  }
0x5e: {  	_ =	shalt  }
0x5f: {  	_ =	shalt  }
0x60: {  	_ =	shalt  }
0x61: {  	_ =	shalt  }
0x62: {  	_ =	shalt  }
0x63: {  	_ =	shalt  }
0x64: {  	_ =	shalt  }
0x65: {  	_ =	shalt  }
0x66: {  	_ =	shalt  }
0x67: {  	_ =	shalt  }
0x68: {  	_ =	shalt  }
0x69: {  	_ =	shalt  }
0x6a: {  	_ =	shalt  }
0x6b: {  	_ =	shalt  }
0x6c: {  	_ =	shalt  }
0x6d: {  	_ =	shalt  }
0x6e: {  	_ =	shalt  }
0x6f: {  	_ =	shalt  }
0x70: {  	_ =	shalt  }
0x71: {  	_ =	shalt  }
0x72: {  	_ =	shalt  }
0x73: {  	_ =	shalt  }
0x74: {  	_ =	shalt  }
0x75: {  	_ =	shalt  }
0x76: {  	_ =	shalt  }
0x77: {  	_ =	shalt  }
0x78: {  	_ =	shalt  }
0x79: {  	_ =	shalt  }
0x7a: {  	_ =	shalt  }
0x7b: {  	_ =	shalt  }
0x7c: {  	_ =	shalt  }
0x7d: {  	_ =	shalt  }
0x7e: {  	_ =	shalt  }
0x7f: {  	_ =	shalt  }
0x80: {  	_ =	shalt  }
0x81: {  	_ =	shalt  }
0x82: {  	_ =	shalt  }
0x83: {  	_ =	shalt  }
0x84: {  	_ =	shalt  }
0x85: {  	_ =	shalt  }
0x86: {  	_ =	shalt  }
0x87: {  	_ =	shalt  }
.Lfunc_end0:
.L_simem_size_0:
called_computation_lowered:
.L_overlay_start_0:
0x88: {  	s2 =	sld [smem:$0x3FD9]  }
0x89: {  	s3 =	sld [smem:$0x3FFE];
	_ =	sdelay $0x1  }
0x8a: {  	s1 =	srdreg.scid  }
0x8b: {  	s0 =	sand.u32 $0x1, s1  }
0x8c: {  	s17 =	sshll.u32 s0, $0xA;
	s2 =	sadd.s32 s3, s2  }
0x8d: {  	s2 =	sadd.s32 s2, s17  }
0x8e: {  	[smem:$0x3FC2] =	sst s2  }
0x8f: {  	_ = 	snop  }
0x90: {  	s2 =	sld [smem:$0x3FD0];
	(tm) =	ssettm $0x1  }
0x91: {  	s18 =	sld [smem:$0x3FFB];
	_ =	sdelay $0x3  }
0x92: {  	_ =	strace s18  }
0x93: {  	s3 =	sld [smem:$0x3FFC];
	_ =	sdelay $0x3  }
0x94: {  	_ =	strace s3  }
0x95: {  	s3 =	sld [smem:$0x3FFD];
	_ =	sdelay $0x3  }
0x96: {  	_ =	strace s3  }
0x97: {  	_ =	strace $0x8FFFFFFF  }
0x98: {  	s19 =	sld [smem:$0x3FDB];
	_ =	sdelay $0x1  }
0x99: {  	s4 =	simm.s32 $_scs_section_size  }
0x9a: {  	s5 =	simm.s32 $_size__tile_overlayer_lowered;
	s6 =	simm.s32 $_tile_overlayer_lowered  }
0x9b: {  	s22 =	simm.s32 $0x1BFF;
	s21 =	sshll.u32 s6, $0x1;
	s3 =	sadd.s32 s4, s19  }
0x9c: {  	s7 =	simm.s32 $0x0;
	s20 =	sshll.u32 s5, $0x1;
	s5 =	sadd.s32 s21, s3  }
0x9d: {  	[timem:s7], [sflag:s22] =	dma.local [hbm:s5], s20  }
0x9e: {  	_ =	swait.ge [sflag:s22], s20  }
0x9f: {  	s4 =	ssub.s32 $0x0, s20;
	[sflag:s22] =	ssyncset.done $0x0  }
0xa0: {  	[sflag:s22] =	ssyncadd.s32 s4;
	_ =	sdelay $0x1  }
0xa1: {  	s23 =	simm.s32 $0x1B8B  }
0xa2: {  	_ =	swait.ge [sflag:s23], $0x1  }
0xa3: {  	[sflag:s23] =	ssyncset.done $0x0  }
0xa4: {  	s25 =	simm.s32 $0x1B8E;
	s24 =	sld [smem:$0x3FFE];
	[sflag:s23] =	ssyncadd.s32 $0xFFFFFFFF  }
0xa5: {  	s26 =	simm.s32 $execute0_lowered;
	[smem:$0x3FD2] =	sst s25  }
0xa6: {  	s5 =	sshll.u32 s26, $0x1;
	_ =	strace $0x80000046;
	[dreg:$0x1] =	wrdreg $0xFFFFFFFF  }
0xa7: {  	s28 =	simm.s32 $_size_execute0_lowered;
	s3 =	sadd.s32 s3, s5;
	[dreg:$0x0] =	wrdreg $0x0  }
0xa8: {  	s5 =	sshll.u32 s28, $0x1;
	[dreg:$0x2] =	wrdreg s3  }
0xa9: {  	[dreg:$0x3] =	wrdreg s5  }
0xaa: {  	[dreg:$0x4] =	wrdreg $0xC0  }
0xab: {  	_ =	task [dreg:s7], $0x5FFFF  }
0xac: {  	[dreg:$0x1] =	wrdreg $0xFFFFFFFF  }
0xad: {  	[dreg:$0x0] =	wrdreg $0x60  }
0xae: {  	[dreg:$0x2] =	wrdreg s24  }
0xaf: {  	[dreg:$0x3] =	wrdreg s2  }
0xb0: {  	[dreg:$0x4] =	wrdreg $0x9  }
0xb1: {  	_ =	task.clear_ibuf [dreg:s7], $0x5FFFF;
	_ =	strace $0x90000046  }
0xb2: {  	s29 =	simm.s32 $0x9;
	_ =	strace $0x80000048  }
0xb3: {  	_ =	swait.ge [sflag:s29], $0x1  }
0xb4: {  	[sflag:s29] =	ssyncadd.s32 $0xFFFFFFFF  }
0xb5: {  	_ =	strace $0x90000048  }
0xb6: {  	_ =	sfence  }
0xb7: {  	s30 =	sld [smem:$0x0];
	_ =	sdelay $0x2  }
0xb8: {  	s31 =	sshll.u32 s1, $0xD;
	s1 =	sshrl.u32 s1, $0x2  }
0xb9: {  	s3 =	sand.u32 $0x4000, s31;
	s1 =	sadd.s32 s1, s30  }
0xba: {  	s0 =	sor.u32 s3, s0;
	s1 =	sshll.u32 s1, $0x11  }
0xbb: {  	s0 =	sor.u32 s1, s0  }
0xbc: {  	s0 =	sadd.s32 $0x8F2B, s0  }
0xbd: {  	[sflag:s0] =	ssyncadd.remote.s32 $0x1  }
0xbe: {  	_ =	sfence.sel $0xFFFF  }
0xbf: {  	[dreg:$0x0] =	wrdreg $0xFFFFFFFF;
	(pc) =	sbr.abs _section_cstart, $3  }
0xc0: {  	[dreg:$0x1] =	wrdreg $0xFFFFFFFF  }
0xc1: {  	_ =	task.clear_ibuf [dreg:s7], $0x2FFFF;
	_ =	strace $0x9FFFFFFF  }
0xc2: {  	(tm) =	ssettm $0x7FFFFFFF  }
0xc3: {  	_ =	shalt  }
tec
execute0_lowered:
.L_overlay_start_1:
0x0: {  	(tag) =	ssettag $0x1  }
0x1: {  	s1 =	srdreg.scid  }
0x2: {  	s14 =	rddreg [dreg:$0x0];
	s0 =	stileid.u32;
	s15 =	sand.u32 $0x1, s1  }
0x3: {  	s3 =	rddreg [dreg:$0x1];
	s4 =	sshll.u32 s0, $0xA;
	s5 =	sshll.u32 s15, $0x9  }
0x4: {  	s2 =	simm.s32 $0x0;
	s1 =	rddreg [dreg:$0x2];
	s16 =	sor.u32 s5, s4  }
0x5: {  	[smem:$0x7FF] =	sst s2;
	s4 =	sshrl.u32 s16, $0x3  }
0x6: {  	_ =	strace $0x80000047;
	s4 =	sadd.s32 s3, s4;
	s3 =	simm.s32 $0x2  }
0x7: {  	[tilespmem:s2], [sflag:$0x2] =	stream.linear.gather [hbm4b:s4+s2], $0x200, $0x38;
	[tilespmem:$0x4200] =	vst v63  }
0x8: {  	_ =	swait.ge [sflag:s3], $0x200  }
0x9: {  	s6 =	simm.s32 $0x80;
	[sflag:s3] =	ssyncset.done $0x0  }
0xa: {  	s7 =	simm.s32 $0x200;
	s5 =	sadd.s32 $0xF43000, s14;
	[sflag:s3] =	ssyncadd.s32 $0xFFFFFE00  }
0xb: {  	[tilespmem:s7], [sflag:$0x1] =	stream.indirect.gather [hbm4b:s5+s6], $0x20, s2, s6, $0xb8;
	[tilespmem:$0x4200] =	vst v63  }
0xc: {  	s8 =	simm.s32 $0x1200  }
0xd: {  	[tilespmem:s8], [sflag:$0x1] =	stream.indirect.gather [hbm4b:s5+s6], $0x20, s6, s6, $0xb8;
	[tilespmem:$0x4200] =	vst v63  }
0xe: {  	s9 =	simm.s32 $0x100;
	s10 =	simm.s32 $0x2200  }
0xf: {  	[tilespmem:s10], [sflag:$0x1] =	stream.indirect.gather [hbm4b:s5+s6], $0x20, s9, s6, $0xb8;
	[tilespmem:$0x4200] =	vst v63  }
0x10: {  	s11 =	simm.s32 $0x180;
	s12 =	simm.s32 $0x3200;
	s13 =	simm.s32 $0x1  }
0x11: {  	[tilespmem:s12], [sflag:$0x1] =	stream.indirect.gather [hbm4b:s5+s6], $0x20, s11, s6, $0xb8;
	[tilespmem:$0x4200] =	vst v63  }
0x12: {  	_ =	swait.ge [sflag:s13], $0x1000  }
0x13: {  	[sflag:s13] =	ssyncset.done $0x0  }
0x14: {  	[sflag:s13] =	ssyncadd.s32 $0xFFFFF000  }
0x15: {  	_ =	swait.ge [sflag:s13], $0x1000  }
0x16: {  	[sflag:s13] =	ssyncset.done $0x0  }
0x17: {  	s15 =	ssub.s32 $0x2, s15;
	[sflag:s13] =	ssyncadd.s32 $0xFFFFF000  }
0x18: {  	s17 =	sshrl.u32 s15, $0x1;
	_ =	swait.ge [sflag:s13], $0x1000  }
0x19: {  	s15 =	ssub.s32 s15, s17;
	[sflag:s13] =	ssyncset.done $0x0  }
0x1a: {  	s15 =	smax.u32 s15, $0x1;
	[sflag:s13] =	ssyncadd.s32 $0xFFFFF000  }
0x1b: {  	s16 =	sshll.u32 s16, $0x2;
	p0 =	sne.s32 s15, $0x1;
	_ =	swait.ge [sflag:s13], $0x1000  }
.Ltmp0:
0x1c: {  	s14 =	sadd.s32 s16, s14;
	[sflag:s13] =	ssyncset.done $0x0;
	(pc) =	sbr.rel @!p0 .LBB2_2-.Ltmp0, $4  }
0x1d: {  	s14 =	sadd.s32 $0xC00, s14;
	[sflag:s13] =	ssyncadd.s32 $0xFFFFF000  }
0x1e: {  	[hbm4b:s14+s2] =	stream.linear.scatter [tilespmem:s7], [sflag:$0x2], $0x4000, $0x38;
	[tilespmem:$0x4200] =	vst v63  }
0x1f: {  	_ =	swait.ge [sflag:s3], $0x4000  }
0x20: {  	s15 =	sadd.s32 $0xFFFFFFFF, s15;
	[sflag:s3] =	ssyncset.done $0x0  }
.LBB2_1:
0x21: {  	p0 =	sne.s32 s15, $0x1;
	s15 =	sadd.s32 $0xFFFFFFFF, s15;
	[sflag:s3] =	ssyncadd.s32 $0xFFFFC000  }
0x22: {  	[tilespmem:s2], [sflag:$0x2] =	stream.linear.gather [hbm4b:s4+s2], $0x200, $0x38;
	[tilespmem:$0x4200] =	vst v63  }
0x23: {  	_ =	swait.ge [sflag:s3], $0x200  }
0x24: {  	[sflag:s3] =	ssyncset.done $0x0  }
0x25: {  	[sflag:s3] =	ssyncadd.s32 $0xFFFFFE00  }
0x26: {  	[tilespmem:s7], [sflag:$0x1] =	stream.indirect.gather [hbm4b:s5+s6], $0x20, s2, s6, $0xb8;
	[tilespmem:$0x4200] =	vst v63  }
0x27: {  	_ = 	snop  }
0x28: {  	[tilespmem:s8], [sflag:$0x1] =	stream.indirect.gather [hbm4b:s5+s6], $0x20, s6, s6, $0xb8;
	[tilespmem:$0x4200] =	vst v63  }
0x29: {  	_ = 	snop  }
0x2a: {  	[tilespmem:s10], [sflag:$0x1] =	stream.indirect.gather [hbm4b:s5+s6], $0x20, s9, s6, $0xb8;
	[tilespmem:$0x4200] =	vst v63  }
0x2b: {  	_ = 	snop  }
0x2c: {  	[tilespmem:s12], [sflag:$0x1] =	stream.indirect.gather [hbm4b:s5+s6], $0x20, s11, s6, $0xb8;
	[tilespmem:$0x4200] =	vst v63  }
0x2d: {  	_ =	swait.ge [sflag:s13], $0x1000  }
0x2e: {  	[sflag:s13] =	ssyncset.done $0x0  }
0x2f: {  	[sflag:s13] =	ssyncadd.s32 $0xFFFFF000  }
0x30: {  	_ =	swait.ge [sflag:s13], $0x1000  }
0x31: {  	[sflag:s13] =	ssyncset.done $0x0  }
0x32: {  	[sflag:s13] =	ssyncadd.s32 $0xFFFFF000  }
0x33: {  	_ =	swait.ge [sflag:s13], $0x1000  }
0x34: {  	[sflag:s13] =	ssyncset.done $0x0  }
0x35: {  	[sflag:s13] =	ssyncadd.s32 $0xFFFFF000  }
0x36: {  	_ =	swait.ge [sflag:s13], $0x1000  }
.Ltmp1:
0x37: {  	[sflag:s13] =	ssyncset.done $0x0;
	(pc) =	sbr.rel @p0 .LBB2_1-.Ltmp1, $4  }
0x38: {  	[sflag:s13] =	ssyncadd.s32 $0xFFFFF000  }
0x39: {  	[hbm4b:s14+s2] =	stream.linear.scatter [tilespmem:s7], [sflag:$0x2], $0x4000, $0x38;
	[tilespmem:$0x4200] =	vst v63  }
0x3a: {  	_ =	swait.ge [sflag:s3], $0x4000  }
0x3b: {  	[sflag:s3] =	ssyncset.done $0x0  }
.LBB2_2:
0x3c: {  	[sflag:s3] =	ssyncadd.s32 $0xFFFFC000  }
0x3d: {  	_ =	sfence.sel $0x180000  }
0x3e: {  	[bflag:$0x0] =	sbarrier.arrive $0xFFFF  }
0x3f: {  	p0 =	sne.s32 s0, $0x0;
	_ =	strace $0x90000047  }
0x40: {  	s0 =	sadd.s32 @!p0 $0x100000, s1;
	[bflag:$0x2] =	sbarrier.arrive $0xFFFF  }
0x41: {  	[sflag:s0] =	ssyncadd.tile.s32 @!p0 $0x1;
	_ =	shalt  }
.Lfunc_end2:
_tile_overlayer_lowered:
.L_overlay_start_2:
0x42: {  	(tag) =	ssettag $0x2  }
0x43: {  	s0 =	rddreg [dreg:$0x0];
	s2 =	stileid.u32  }
0x44: {  	s1 =	rddreg [dreg:$0x1];
	p0 =	sne.s32 s2, $0x0  }
0x45: {  	s3 =	rddreg [dreg:$0x2];
	[bflag:$0x3] =	sbarrier.arrive $0xFFFF;
	s2 =	simm.s32 @!p0 $0x1C02  }
0x46: {  	[timem:s3], [sflag:s2] =	dma.local @!p0 [hbm:s0], s1  }
0x47: {  	s0 =	simm.s32 @!p0 $0x2  }
0x48: {  	_ =	swait.ge @!p0 [sflag:s0], s1  }
0x49: {  	s1 =	ssub.s32 @!p0 $0x0, s1;
	[sflag:s0] =	ssyncset.done @!p0 $0x0  }
0x4a: {  	[sflag:s0] =	ssyncadd.s32 @!p0 s1  }
0x4b: {  	[bflag:$0x3] =	sbarrier.arrive $0xFFFF  }
0x4c: {  	_ =	shalt  }

</sc_bundles>
